<compile_context>
chip_gen: v7x
topology: tpu7x:2x2x1
jax: 0.10.2.dev20260603
libtpu: 0.0.44.dev20260713+nightly
codegen_flags: <defaults>
</compile_context>

<pallas_src>
import jax
import jax.numpy as jnp
from jax import lax
from jax.experimental import pallas as pl
from jax.experimental.pallas import tpu as pltpu
from jax.experimental.pallas import tpu_sc as plsc

N = 10000
E = 320000
D = 128
G = 128
C = 10

NC = 2
NS = 16
NW = NC * NS
CH = 64
NCHUNK = E // CH
CR = 160
CR_LAST = NCHUNK - CR * (NW - 1)
WR = 40
NBUF = 4
ZR = 32
RPT = 632
RPT_LAST = N - RPT * (NS - 1)

BN = 10000
NB = N // BN


def _sc_agg_body(eix_hbm, x_hbm, out_hbm,
                 sidx, didx, zbuf, rows0, rows1, rows2, rows3, acc,
                 gsem0, gsem1, gsem2, gsem3, ssem0, ssem1, ssem2, ssem3,
                 stsem_s, stsem_d):
    cid = lax.axis_index("c")
    sid = lax.axis_index("s")
    wid = cid * NS + sid

    bufs = ((rows0, gsem0, ssem0), (rows1, gsem1, ssem1),
            (rows2, gsem2, ssem2), (rows3, gsem3, ssem3))

    def stage(cb):
        pltpu.sync_copy(eix_hbm.at[0, pl.ds(cb, WR)], sidx)
        pltpu.sync_copy(eix_hbm.at[1, pl.ds(cb, WR)], didx)

    def prologue():
        for b in range(NBUF):
            pltpu.async_copy(x_hbm.at[sidx.at[b]], bufs[b][0], bufs[b][1])

    def groups_fori():
        def group(gi, carry):
            for b in range(NBUF):
                c = gi * NBUF + b
                rb, gs, ss = bufs[b]
                pltpu.make_async_copy(x_hbm.at[sidx.at[c]], rb, gs).wait()
                pltpu.async_copy(rb, acc.at[didx.at[c]], ss, add=True)

                @pl.when(c + NBUF < WR)
                def _(rb=rb, gs=gs, ss=ss, c=c):
                    pltpu.make_async_copy(rb, acc.at[didx.at[c]],
                                          ss).wait()
                    pltpu.async_copy(x_hbm.at[sidx.at[c + NBUF]], rb, gs)
            return carry

        lax.fori_loop(0, WR // NBUF, group, 0)

    def tail_drains():
        for b in range(NBUF):
            rb, gs, ss = bufs[b]
            pltpu.make_async_copy(rb, acc.at[didx.at[WR - NBUF + b]],
                                  ss).wait()

    w0cb = jnp.where(wid == NW - 1, (NW - 1) * CR, wid * CR)
    stage(pl.multiple_of(w0cb, 8))
    prologue()

    def zstore(i, carry):
        zbuf[i // 8, pl.ds((i % 8) * 16, 16)] = jnp.zeros((16,),
                                                          jnp.float32)
        return carry

    lax.fori_loop(0, (ZR * D) // 16, zstore, 0)

    def zfill(rb, nrows):
        for k in range(nrows // ZR):
            pltpu.async_copy(zbuf, acc.at[pl.ds(rb + ZR * k, ZR)],
                             stsem_d)
        rem = nrows % ZR
        pltpu.async_copy(zbuf.at[pl.ds(0, rem)],
                         acc.at[pl.ds(rb + nrows - rem, rem)], stsem_d)
        for k in range(nrows // ZR):
            pltpu.make_async_copy(zbuf, acc.at[pl.ds(rb + ZR * k, ZR)],
                                  stsem_d).wait()
        pltpu.make_async_copy(zbuf.at[pl.ds(0, rem)],
                              acc.at[pl.ds(rb + nrows - rem, rem)],
                              stsem_d).wait()

    @pl.when(sid < NS - 1)
    def _():
        zfill(pl.multiple_of(sid * RPT, 8), RPT)

    @pl.when(sid == NS - 1)
    def _():
        zfill((NS - 1) * RPT, RPT_LAST)

    plsc.subcore_barrier()

    groups_fori()
    for w in range(1, CR // WR):
        @pl.when(wid < NW - 1)
        def _(w=w):
            cb = pl.multiple_of(wid * CR + w * WR, 8)
            pltpu.async_copy(eix_hbm.at[0, pl.ds(cb, WR)], sidx, stsem_s)
            tail_drains()
            pltpu.async_copy(eix_hbm.at[1, pl.ds(cb, WR)], didx, stsem_d)
            pltpu.make_async_copy(eix_hbm.at[0, pl.ds(cb, WR)], sidx,
                                  stsem_s).wait()
            prologue()
            pltpu.make_async_copy(eix_hbm.at[1, pl.ds(cb, WR)], didx,
                                  stsem_d).wait()
            groups_fori()

    tail_drains()
    plsc.subcore_barrier()

    @pl.when(sid < NS - 1)
    def _():
        rb = pl.multiple_of(sid * RPT, 8)
        pltpu.sync_copy(acc.at[pl.ds(rb, RPT)],
                        out_hbm.at[cid, pl.ds(rb, RPT)])

    @pl.when(sid == NS - 1)
    def _():
        rb = (NS - 1) * RPT
        pltpu.sync_copy(acc.at[pl.ds(rb, RPT_LAST)],
                        out_hbm.at[cid, pl.ds(rb, RPT_LAST)])


def _sc_agg(eix3d, x):
    mesh = plsc.VectorSubcoreMesh(core_axis_name="c", subcore_axis_name="s")
    return pl.kernel(
        _sc_agg_body,
        out_type=jax.ShapeDtypeStruct((NC, N, D), jnp.float32),
        mesh=mesh,
        scratch_types=[
            pltpu.VMEM((WR, CH), jnp.int32),
            pltpu.VMEM((WR, CH), jnp.int32),
            pltpu.VMEM((ZR, D), jnp.float32),
            pltpu.VMEM((CH, D), jnp.float32),
            pltpu.VMEM((CH, D), jnp.float32),
            pltpu.VMEM((CH, D), jnp.float32),
            pltpu.VMEM((CH, D), jnp.float32),
            pltpu.VMEM_SHARED((N, D), jnp.float32),
            pltpu.SemaphoreType.DMA,
            pltpu.SemaphoreType.DMA,
            pltpu.SemaphoreType.DMA,
            pltpu.SemaphoreType.DMA,
            pltpu.SemaphoreType.DMA,
            pltpu.SemaphoreType.DMA,
            pltpu.SemaphoreType.DMA,
            pltpu.SemaphoreType.DMA,
            pltpu.SemaphoreType.DMA,
            pltpu.SemaphoreType.DMA,
        ],
    )(eix3d, x)


def _tc_dense_body(parts_ref, x_ref, batch_ref, W1_ref, b1_ref, W2_ref,
                   b2_ref, gamma_ref, beta_ref, fcW1_ref, fcb1_ref,
                   fcW2_ref, fcb2_ref, out_ref, g_acc):
    i = pl.program_id(0)
    s = parts_ref[0] + parts_ref[1] + x_ref[...]
    h = jnp.dot(s, W1_ref[...], preferred_element_type=jnp.float32)
    h = jnp.maximum(h + b1_ref[...], 0.0)
    h = jnp.dot(h, W2_ref[...], preferred_element_type=jnp.float32)
    h = jnp.maximum(h + b2_ref[...], 0.0)
    scale = gamma_ref[...] * jnp.float32(1.0 / (1.0 + 1e-5) ** 0.5)
    h = h * scale + beta_ref[...]

    ids = batch_ref[0]
    gids = lax.broadcasted_iota(jnp.int32, (G, BN), 0)
    onehot = (gids == ids).astype(jnp.float32)
    contrib = jnp.dot(onehot, h, preferred_element_type=jnp.float32)

    @pl.when(i == 0)
    def _():
        g_acc[...] = contrib

    @pl.when(i > 0)
    def _():
        g_acc[...] = g_acc[...] + contrib

    @pl.when(i == pl.num_programs(0) - 1)
    def _():
        g = jnp.dot(g_acc[...], fcW1_ref[...],
                    preferred_element_type=jnp.float32)
        g = jnp.maximum(g + fcb1_ref[...], 0.0)
        logits = jnp.dot(g, fcW2_ref[...],
                         preferred_element_type=jnp.float32) + fcb2_ref[...]
        lm = jnp.max(logits, axis=-1, keepdims=True)
        lse = jnp.log(jnp.sum(jnp.exp(logits - lm), axis=-1, keepdims=True))
        out_ref[...] = logits - lm - lse


def _tc_dense(parts, x, batch3d, W1, b1, W2, b2, gamma, beta,
              fcW1, fcb1, fcW2, fcb2):
    full = lambda i: (0, 0)
    return pl.pallas_call(
        _tc_dense_body,
        grid=(NB,),
        in_specs=[
            pl.BlockSpec((NC, BN, D), lambda i: (0, i, 0)),
            pl.BlockSpec((BN, D), lambda i: (i, 0)),
            pl.BlockSpec((1, 1, BN), lambda i: (i, 0, 0)),
            pl.BlockSpec((D, D), full),
            pl.BlockSpec((1, D), full),
            pl.BlockSpec((D, D), full),
            pl.BlockSpec((1, D), full),
            pl.BlockSpec((1, D), full),
            pl.BlockSpec((1, D), full),
            pl.BlockSpec((D, D), full),
            pl.BlockSpec((1, D), full),
            pl.BlockSpec((D, C), full),
            pl.BlockSpec((1, C), full),
        ],
        out_specs=pl.BlockSpec((G, C), full),
        out_shape=jax.ShapeDtypeStruct((G, C), jnp.float32),
        scratch_shapes=[pltpu.VMEM((G, D), jnp.float32)],
        compiler_params=pltpu.CompilerParams(
            dimension_semantics=("arbitrary",)),
    )(parts, x, batch3d, W1, b1, W2, b2, gamma, beta,
      fcW1, fcb1, fcW2, fcb2)


def kernel(x, edge_index, batch, W1, b1, W2, b2, gamma, beta,
           fcW1, fcb1, fcW2, fcb2):
    eix3d = edge_index.reshape(2, NCHUNK, CH)
    parts = _sc_agg(eix3d, x)
    batch3d = batch.reshape(NB, 1, BN)
    return _tc_dense(parts, x, batch3d, W1, b1.reshape(1, D), W2,
                     b2.reshape(1, D), gamma.reshape(1, D),
                     beta.reshape(1, D), fcW1, fcb1.reshape(1, D),
                     fcW2, fcb2.reshape(1, C))

# --- scband reference (transcript-rebuilt; emitter-appended) ---
"""Pipeline reference for scband-gin-graph-classification-69277822484501 (READ-ONLY COPY).

The authoritative reference and input builder live on the scoring server;
editing this copy changes nothing except your own understanding.
"""

import jax, jax.numpy as jnp
import numpy as np

N = 10000
E = 320000
D = 128
G = 128
C = 10


def _lin_init(key, fan_in, shape):
    s = 1.0 / np.sqrt(fan_in)
    return jax.random.uniform(key, shape, minval=-s, maxval=s, dtype=jnp.float32)


def setup_inputs(seed: int = 0) -> dict:
    key = jax.random.key(seed)
    ks = jax.random.split(key, 14)
    x = jax.random.normal(ks[0], (N, D), dtype=jnp.float32)
    edge_index = jax.random.randint(ks[1], (2, E), 0, N, dtype=jnp.int32)
    batch = jnp.sort(jax.random.randint(ks[2], (N,), 0, G, dtype=jnp.int32))
    # GIN layer 0 MLP: Linear(D,D) -> ReLU -> Linear(D,D)
    W1 = _lin_init(ks[3], D, (D, D))
    b1 = _lin_init(ks[4], D, (D,))
    W2 = _lin_init(ks[5], D, (D, D))
    b2 = _lin_init(ks[6], D, (D,))
    # BatchNorm1d affine params (eval mode: running_mean=0, running_var=1)
    gamma = jnp.ones((D,), dtype=jnp.float32)
    beta = jnp.zeros((D,), dtype=jnp.float32)
    # readout MLP
    fcW1 = _lin_init(ks[7], D, (D, D))
    fcb1 = _lin_init(ks[8], D, (D,))
    fcW2 = _lin_init(ks[9], D, (D, C))
    fcb2 = _lin_init(ks[10], D, (C,))
    return {"x": x, "edge_index": edge_index, "batch": batch,
            "W1": W1, "b1": b1, "W2": W2, "b2": b2,
            "gamma": gamma, "beta": beta,
            "fcW1": fcW1, "fcb1": fcb1, "fcW2": fcW2, "fcb2": fcb2}


def reference(x, edge_index, batch, W1, b1, W2, b2, gamma, beta, fcW1, fcb1, fcW2, fcb2):
    # NOTE: forward zips gnn_layers (len num_layers) with bn_layers (len 1),
    # so exactly ONE GIN layer + BN executes, matching the torch module.
    src = edge_index[0]
    dst = edge_index[1]
    # GINConv, eps=0 (default): h = MLP(x + sum_{j in N(i)} x_j)
    agg = jax.ops.segment_sum(x[src], dst, num_segments=x.shape[0])
    h = x + agg
    h = jnp.maximum(h @ W1 + b1, 0.0) @ W2 + b2
    h = jnp.maximum(h, 0.0)  # F.relu after gnn layer
    # BatchNorm1d in eval mode with default running stats (mean=0, var=1)
    h = (h / jnp.sqrt(1.0 + 1e-5)) * gamma + beta
    # global_add_pool over graph ids
    g = jax.ops.segment_sum(h, batch, num_segments=G)
    g = jnp.maximum(g @ fcW1 + fcb1, 0.0)
    # dropout is identity in eval mode
    logits = g @ fcW2 + fcb2
    return jax.nn.log_softmax(logits, axis=-1)

if __name__ == "__main__":
    import jax
    _d = setup_inputs()
    print(jax.jit(kernel)(*tuple(_d.values())))

</pallas_src>

<mosaic_0001>
#map = affine_map<(d0, d1) -> (0, 0, 0)>
#map1 = affine_map<(d0, d1) -> (0, 0)>
module attributes {stable_mosaic.version = 14 : i64} {
  func.func @_sc_agg_body(%arg0: i32, %arg1: i32, %arg2: memref<2x5000x64xi32, #tpu.memory_space<hbm>>, %arg3: memref<10000x128xf32, #tpu.memory_space<hbm>>, %arg4: memref<2x10000x128xf32, #tpu.memory_space<hbm>>, %arg5: memref<40x64xi32, #tpu.memory_space<vmem>>, %arg6: memref<40x64xi32, #tpu.memory_space<vmem>>, %arg7: memref<32x128xf32, #tpu.memory_space<vmem>>, %arg8: memref<64x128xf32, #tpu.memory_space<vmem>>, %arg9: memref<64x128xf32, #tpu.memory_space<vmem>>, %arg10: memref<64x128xf32, #tpu.memory_space<vmem>>, %arg11: memref<64x128xf32, #tpu.memory_space<vmem>>, %arg12: memref<10000x128xf32, #tpu.memory_space<vmem_shared>>, %arg13: memref<!tpu.dma_semaphore, #tpu.memory_space<semaphore_mem>>, %arg14: memref<!tpu.dma_semaphore, #tpu.memory_space<semaphore_mem>>, %arg15: memref<!tpu.dma_semaphore, #tpu.memory_space<semaphore_mem>>, %arg16: memref<!tpu.dma_semaphore, #tpu.memory_space<semaphore_mem>>, %arg17: memref<!tpu.dma_semaphore, #tpu.memory_space<semaphore_mem>>, %arg18: memref<!tpu.dma_semaphore, #tpu.memory_space<semaphore_mem>>, %arg19: memref<!tpu.dma_semaphore, #tpu.memory_space<semaphore_mem>>, %arg20: memref<!tpu.dma_semaphore, #tpu.memory_space<semaphore_mem>>, %arg21: memref<!tpu.dma_semaphore, #tpu.memory_space<semaphore_mem>>, %arg22: memref<!tpu.dma_semaphore, #tpu.memory_space<semaphore_mem>>) attributes {dimension_semantics = [#tpu.dimension_semantics<core_parallel>, #tpu.dimension_semantics<subcore_parallel>], iteration_bounds = array<i64: 2, 16>, scalar_prefetch = 0 : i64, scratch_operands = 18 : i64, tpu.core_type = #tpu.core_type<sc_vector_subcore>, window_params = [{transform_indices = #map}, {transform_indices = #map1}, {transform_indices = #map}]} {
    %mul3A = arith.constant 16 : i32
    %mul3A_0 = arith.muli %arg0, %mul3A : i32
    %add3A = arith.addi %mul3A_0, %arg1 : i32
    %eq3A = arith.constant 31 : i32
    %eq3A_1 = arith.cmpi eq, %add3A, %eq3A : i32
    %mul3A_2 = arith.constant 160 : i32
    %mul3A_3 = arith.muli %add3A, %mul3A_2 : i32
    %jit3A = arith.constant 4960 : i32
    %select_n3A = arith.select %eq3A_1, %jit3A, %mul3A_3 : i32
    %multiple_of3A = tpu.assume_multiple %select_n3A, 8 : i32
    %run_scoped3A = arith.constant 0 : i32
    "tpu.region"() ({
      %run_scoped3A_103 = tpu.sem_alloc : memref<!tpu.dma_semaphore, #tpu.memory_space<semaphore_mem>>
      %dma_start3A_104 = arith.constant 0 : i32
      %dma_start3A_105 = tpu.memref_slice %arg2[%run_scoped3A, %multiple_of3A, %dma_start3A_104] : memref<2x5000x64xi32, #tpu.memory_space<hbm>> -> memref<1x40x64xi32, #tpu.memory_space<hbm>>
      %dma_start3A_106 = tpu.memref_squeeze %dma_start3A_105 : memref<1x40x64xi32, #tpu.memory_space<hbm>> -> memref<40x64xi32, #tpu.memory_space<hbm>>
      %dma_start3A_107 = arith.constant 0 : i32
      %dma_start3A_108 = tpu.memref_slice %arg2[%run_scoped3A, %multiple_of3A, %dma_start3A_107] : memref<2x5000x64xi32, #tpu.memory_space<hbm>> -> memref<1x40x64xi32, #tpu.memory_space<hbm>>
      %dma_start3A_109 = tpu.memref_squeeze %dma_start3A_108 : memref<1x40x64xi32, #tpu.memory_space<hbm>> -> memref<40x64xi32, #tpu.memory_space<hbm>>
      tpu.enqueue_dma source(%dma_start3A_109 : memref<40x64xi32, #tpu.memory_space<hbm>>) target(%arg5 : memref<40x64xi32, #tpu.memory_space<vmem>>) target_semaphore(%run_scoped3A_103 : memref<!tpu.dma_semaphore, #tpu.memory_space<semaphore_mem>>)
      %dma_wait3A_110 = arith.constant 0 : i32
      %dma_wait3A_111 = tpu.memref_slice %arg2[%run_scoped3A, %multiple_of3A, %dma_wait3A_110] : memref<2x5000x64xi32, #tpu.memory_space<hbm>> -> memref<1x40x64xi32, #tpu.memory_space<hbm>>
      %dma_wait3A_112 = tpu.memref_squeeze %dma_wait3A_111 : memref<1x40x64xi32, #tpu.memory_space<hbm>> -> memref<40x64xi32, #tpu.memory_space<hbm>>
      %dma_wait3A_113 = arith.constant 0 : i32
      %dma_wait3A_114 = tpu.memref_slice %arg2[%run_scoped3A, %multiple_of3A, %dma_wait3A_113] : memref<2x5000x64xi32, #tpu.memory_space<hbm>> -> memref<1x40x64xi32, #tpu.memory_space<hbm>>
      %dma_wait3A_115 = tpu.memref_squeeze %dma_wait3A_114 : memref<1x40x64xi32, #tpu.memory_space<hbm>> -> memref<40x64xi32, #tpu.memory_space<hbm>>
      tpu.wait_dma2 semaphore(%run_scoped3A_103 : memref<!tpu.dma_semaphore, #tpu.memory_space<semaphore_mem>>) src(%dma_wait3A_115 : memref<40x64xi32, #tpu.memory_space<hbm>>) dst(%arg5 : memref<40x64xi32, #tpu.memory_space<vmem>>)
      tpu.yield
    }) : () -> ()
    %run_scoped3A_4 = arith.constant 1 : i32
    "tpu.region"() ({
      %run_scoped3A_103 = tpu.sem_alloc : memref<!tpu.dma_semaphore, #tpu.memory_space<semaphore_mem>>
      %dma_start3A_104 = arith.constant 0 : i32
      %dma_start3A_105 = tpu.memref_slice %arg2[%run_scoped3A_4, %multiple_of3A, %dma_start3A_104] : memref<2x5000x64xi32, #tpu.memory_space<hbm>> -> memref<1x40x64xi32, #tpu.memory_space<hbm>>
      %dma_start3A_106 = tpu.memref_squeeze %dma_start3A_105 : memref<1x40x64xi32, #tpu.memory_space<hbm>> -> memref<40x64xi32, #tpu.memory_space<hbm>>
      %dma_start3A_107 = arith.constant 0 : i32
      %dma_start3A_108 = tpu.memref_slice %arg2[%run_scoped3A_4, %multiple_of3A, %dma_start3A_107] : memref<2x5000x64xi32, #tpu.memory_space<hbm>> -> memref<1x40x64xi32, #tpu.memory_space<hbm>>
      %dma_start3A_109 = tpu.memref_squeeze %dma_start3A_108 : memref<1x40x64xi32, #tpu.memory_space<hbm>> -> memref<40x64xi32, #tpu.memory_space<hbm>>
      tpu.enqueue_dma source(%dma_start3A_109 : memref<40x64xi32, #tpu.memory_space<hbm>>) target(%arg6 : memref<40x64xi32, #tpu.memory_space<vmem>>) target_semaphore(%run_scoped3A_103 : memref<!tpu.dma_semaphore, #tpu.memory_space<semaphore_mem>>)
      %dma_wait3A_110 = arith.constant 0 : i32
      %dma_wait3A_111 = tpu.memref_slice %arg2[%run_scoped3A_4, %multiple_of3A, %dma_wait3A_110] : memref<2x5000x64xi32, #tpu.memory_space<hbm>> -> memref<1x40x64xi32, #tpu.memory_space<hbm>>
      %dma_wait3A_112 = tpu.memref_squeeze %dma_wait3A_111 : memref<1x40x64xi32, #tpu.memory_space<hbm>> -> memref<40x64xi32, #tpu.memory_space<hbm>>
      %dma_wait3A_113 = arith.constant 0 : i32
      %dma_wait3A_114 = tpu.memref_slice %arg2[%run_scoped3A_4, %multiple_of3A, %dma_wait3A_113] : memref<2x5000x64xi32, #tpu.memory_space<hbm>> -> memref<1x40x64xi32, #tpu.memory_space<hbm>>
      %dma_wait3A_115 = tpu.memref_squeeze %dma_wait3A_114 : memref<1x40x64xi32, #tpu.memory_space<hbm>> -> memref<40x64xi32, #tpu.memory_space<hbm>>
      tpu.wait_dma2 semaphore(%run_scoped3A_103 : memref<!tpu.dma_semaphore, #tpu.memory_space<semaphore_mem>>) src(%dma_wait3A_115 : memref<40x64xi32, #tpu.memory_space<hbm>>) dst(%arg6 : memref<40x64xi32, #tpu.memory_space<vmem>>)
      tpu.yield
    }) : () -> ()
    %dma_start3A = arith.constant 0 : i32
    %dma_start3A_5 = arith.constant 0 : i32
    %dma_start3A_6 = tpu.memref_slice %arg5[%dma_start3A, %dma_start3A_5] : memref<40x64xi32, #tpu.memory_space<vmem>> -> memref<1x64xi32, #tpu.memory_space<vmem>>
    %dma_start3A_7 = tpu.memref_squeeze %dma_start3A_6 : memref<1x64xi32, #tpu.memory_space<vmem>> -> memref<64xi32, #tpu.memory_space<vmem>>
    %dma_start3A_8 = arith.constant 0 : i32
    %dma_start3A_9 = arith.constant 0 : i32
    %dma_start3A_10 = tpu.memref_slice %arg3[%dma_start3A_8, %dma_start3A_9] : memref<10000x128xf32, #tpu.memory_space<hbm>> -> memref<10000x128xf32, #tpu.memory_space<hbm>>
    tpu.enqueue_indirect_dma source(%dma_start3A_10 : memref<10000x128xf32, #tpu.memory_space<hbm>>) target(%arg8 : memref<64x128xf32, #tpu.memory_space<vmem>>) offsets(%dma_start3A_7 : memref<64xi32, #tpu.memory_space<vmem>>) semaphore(%arg13 : memref<!tpu.dma_semaphore, #tpu.memory_space<semaphore_mem>>)
    %dma_start3A_11 = arith.constant 1 : i32
    %dma_start3A_12 = arith.constant 0 : i32
    %dma_start3A_13 = tpu.memref_slice %arg5[%dma_start3A_11, %dma_start3A_12] : memref<40x64xi32, #tpu.memory_space<vmem>> -> memref<1x64xi32, #tpu.memory_space<vmem>>
    %dma_start3A_14 = tpu.memref_squeeze %dma_start3A_13 : memref<1x64xi32, #tpu.memory_space<vmem>> -> memref<64xi32, #tpu.memory_space<vmem>>
    %dma_start3A_15 = arith.constant 0 : i32
    %dma_start3A_16 = arith.constant 0 : i32
    %dma_start3A_17 = tpu.memref_slice %arg3[%dma_start3A_15, %dma_start3A_16] : memref<10000x128xf32, #tpu.memory_space<hbm>> -> memref<10000x128xf32, #tpu.memory_space<hbm>>
    tpu.enqueue_indirect_dma source(%dma_start3A_17 : memref<10000x128xf32, #tpu.memory_space<hbm>>) target(%arg9 : memref<64x128xf32, #tpu.memory_space<vmem>>) offsets(%dma_start3A_14 : memref<64xi32, #tpu.memory_space<vmem>>) semaphore(%arg14 : memref<!tpu.dma_semaphore, #tpu.memory_space<semaphore_mem>>)
    %dma_start3A_18 = arith.constant 2 : i32
    %dma_start3A_19 = arith.constant 0 : i32
    %dma_start3A_20 = tpu.memref_slice %arg5[%dma_start3A_18, %dma_start3A_19] : memref<40x64xi32, #tpu.memory_space<vmem>> -> memref<1x64xi32, #tpu.memory_space<vmem>>
    %dma_start3A_21 = tpu.memref_squeeze %dma_start3A_20 : memref<1x64xi32, #tpu.memory_space<vmem>> -> memref<64xi32, #tpu.memory_space<vmem>>
    %dma_start3A_22 = arith.constant 0 : i32
    %dma_start3A_23 = arith.constant 0 : i32
    %dma_start3A_24 = tpu.memref_slice %arg3[%dma_start3A_22, %dma_start3A_23] : memref<10000x128xf32, #tpu.memory_space<hbm>> -> memref<10000x128xf32, #tpu.memory_space<hbm>>
    tpu.enqueue_indirect_dma source(%dma_start3A_24 : memref<10000x128xf32, #tpu.memory_space<hbm>>) target(%arg10 : memref<64x128xf32, #tpu.memory_space<vmem>>) offsets(%dma_start3A_21 : memref<64xi32, #tpu.memory_space<vmem>>) semaphore(%arg15 : memref<!tpu.dma_semaphore, #tpu.memory_space<semaphore_mem>>)
    %dma_start3A_25 = arith.constant 3 : i32
    %dma_start3A_26 = arith.constant 0 : i32
    %dma_start3A_27 = tpu.memref_slice %arg5[%dma_start3A_25, %dma_start3A_26] : memref<40x64xi32, #tpu.memory_space<vmem>> -> memref<1x64xi32, #tpu.memory_space<vmem>>
    %dma_start3A_28 = tpu.memref_squeeze %dma_start3A_27 : memref<1x64xi32, #tpu.memory_space<vmem>> -> memref<64xi32, #tpu.memory_space<vmem>>
    %dma_start3A_29 = arith.constant 0 : i32
    %dma_start3A_30 = arith.constant 0 : i32
    %dma_start3A_31 = tpu.memref_slice %arg3[%dma_start3A_29, %dma_start3A_30] : memref<10000x128xf32, #tpu.memory_space<hbm>> -> memref<10000x128xf32, #tpu.memory_space<hbm>>
    tpu.enqueue_indirect_dma source(%dma_start3A_31 : memref<10000x128xf32, #tpu.memory_space<hbm>>) target(%arg11 : memref<64x128xf32, #tpu.memory_space<vmem>>) offsets(%dma_start3A_28 : memref<64xi32, #tpu.memory_space<vmem>>) semaphore(%arg16 : memref<!tpu.dma_semaphore, #tpu.memory_space<semaphore_mem>>)
    %scan3A = arith.constant 0 : i32
    %scan3A_32 = arith.constant 0 : i32
    %scan3A_33 = arith.constant 256 : i32
    %scan3A_34 = arith.addi %scan3A_32, %scan3A_33 : i32
    %scan3A_35 = arith.constant 1 : i32
    scf.for %scan3A_103 = %scan3A_32 to %scan3A_34 step %scan3A_35  : i32 {
      %broadcast_in_dim3A = arith.constant 0.000000e+00 : f32
      %broadcast_in_dim3A_104 = vector.broadcast %broadcast_in_dim3A : f32 to vector<16xf32>
      %jit3A_105 = arith.constant 8 : i32
      %div3A = arith.divsi %scan3A_103, %jit3A_105 : i32
      %sign3A = arith.constant 0 : i32
      %sign3A_106 = arith.cmpi sgt, %scan3A_103, %sign3A : i32
      %sign3A_107 = arith.extui %sign3A_106 : i1 to i32
      %sign3A_108 = arith.constant 0 : i32
      %sign3A_109 = arith.cmpi slt, %scan3A_103, %sign3A_108 : i32
      %sign3A_110 = arith.extui %sign3A_109 : i1 to i32
      %sign3A_111 = arith.subi %sign3A_107, %sign3A_110 : i32
      %sign3A_112 = arith.constant 0 : i32
      %sign3A_113 = arith.cmpi sgt, %jit3A_105, %sign3A_112 : i32
      %sign3A_114 = arith.extui %sign3A_113 : i1 to i32
      %sign3A_115 = arith.constant 0 : i32
      %sign3A_116 = arith.cmpi slt, %jit3A_105, %sign3A_115 : i32
      %sign3A_117 = arith.extui %sign3A_116 : i1 to i32
      %sign3A_118 = arith.subi %sign3A_114, %sign3A_117 : i32
      %ne3A = arith.cmpi ne, %sign3A_111, %sign3A_118 : i32
      %rem3A = arith.remsi %scan3A_103, %jit3A_105 : i32
      %ne3A_119 = arith.constant 0 : i32
      %ne3A_120 = arith.cmpi ne, %rem3A, %ne3A_119 : i32
      %and3A = arith.andi %ne3A, %ne3A_120 : i1
      %sub3A = arith.constant 1 : i32
      %sub3A_121 = arith.subi %div3A, %sub3A : i32
      %select_n3A_122 = arith.select %and3A, %sub3A_121, %div3A : i32
      %jit3A_123 = arith.constant 8 : i32
      %eq3A_124 = arith.constant 0 : i32
      %eq3A_125 = arith.cmpi eq, %jit3A_123, %eq3A_124 : i32
      %jit3A_126 = arith.constant 1 : i32
      %select_n3A_127 = arith.select %eq3A_125, %jit3A_126, %jit3A_123 : i32
      %rem3A_128 = arith.remsi %scan3A_103, %select_n3A_127 : i32
      %ne3A_129 = arith.constant 0 : i32
      %ne3A_130 = arith.cmpi ne, %rem3A_128, %ne3A_129 : i32
      %lt3A_131 = arith.constant 0 : i32
      %lt3A_132 = arith.cmpi slt, %rem3A_128, %lt3A_131 : i32
      %lt3A_133 = arith.constant 0 : i32
      %lt3A_134 = arith.cmpi slt, %select_n3A_127, %lt3A_133 : i32
      %ne3A_135 = arith.xori %lt3A_132, %lt3A_134 : i1
      %and3A_136 = arith.andi %ne3A_135, %ne3A_130 : i1
      %add3A_137 = arith.addi %rem3A_128, %select_n3A_127 : i32
      %select_n3A_138 = arith.select %and3A_136, %add3A_137, %rem3A_128 : i32
      %mul3A_139 = arith.constant 16 : i32
      %mul3A_140 = arith.muli %select_n3A_138, %mul3A_139 : i32
      %swap3A = arith.index_cast %select_n3A_122 : i32 to index
      %swap3A_141 = arith.index_cast %mul3A_140 : i32 to index
      %swap3A_142 = tpu.vector_load %arg7[%swap3A, %swap3A_141] {strides = array<i32>} : memref<32x128xf32, #tpu.memory_space<vmem>>, vector<1x16xf32>,
      %swap3A_143 = vector.shape_cast %swap3A_142 : vector<1x16xf32> to vector<16xf32>
      %swap3A_144 = vector.shape_cast %broadcast_in_dim3A_104 : vector<16xf32> to vector<1x16xf32>
      tpu.vector_store %arg7[%swap3A, %swap3A_141], %swap3A_144 {strides = array<i32>} : memref<32x128xf32, #tpu.memory_space<vmem>>, vector<1x16xf32>,
    }
    %scan3A_36 = arith.constant 256 : i32
    %lt3A = arith.constant 15 : i32
    %lt3A_37 = arith.cmpi slt, %arg1, %lt3A : i32
    %convert_element_type3A = arith.extui %lt3A_37 : i1 to i32
    %cond3A = arith.constant 0 : i32
    %cond3A_38 = arith.cmpi ne, %convert_element_type3A, %cond3A : i32
    scf.if %cond3A_38 {
      %mul3A_103 = arith.constant 632 : i32
      %mul3A_104 = arith.muli %arg1, %mul3A_103 : i32
      %multiple_of3A_105 = tpu.assume_multiple %mul3A_104, 8 : i32
      %add3A_106 = arith.constant 0 : i32
      %add3A_107 = arith.addi %multiple_of3A_105, %add3A_106 : i32
      %dma_start3A_108 = arith.constant 0 : i32
      %dma_start3A_109 = tpu.memref_slice %arg12[%add3A_107, %dma_start3A_108] : memref<10000x128xf32, #tpu.memory_space<vmem_shared>> -> memref<32x128xf32, #tpu.memory_space<vmem_shared>>
      %dma_start3A_110 = arith.constant 0 : i32
      %dma_start3A_111 = tpu.memref_slice %arg12[%add3A_107, %dma_start3A_110] : memref<10000x128xf32, #tpu.memory_space<vmem_shared>> -> memref<32x128xf32, #tpu.memory_space<vmem_shared>>
      tpu.enqueue_dma source(%arg7 : memref<32x128xf32, #tpu.memory_space<vmem>>) target(%dma_start3A_111 : memref<32x128xf32, #tpu.memory_space<vmem_shared>>) target_semaphore(%arg22 : memref<!tpu.dma_semaphore, #tpu.memory_space<semaphore_mem>>)
      %add3A_112 = arith.constant 32 : i32
      %add3A_113 = arith.addi %multiple_of3A_105, %add3A_112 : i32
      %dma_start3A_114 = arith.constant 0 : i32
      %dma_start3A_115 = tpu.memref_slice %arg12[%add3A_113, %dma_start3A_114] : memref<10000x128xf32, #tpu.memory_space<vmem_shared>> -> memref<32x128xf32, #tpu.memory_space<vmem_shared>>
      %dma_start3A_116 = arith.constant 0 : i32
      %dma_start3A_117 = tpu.memref_slice %arg12[%add3A_113, %dma_start3A_116] : memref<10000x128xf32, #tpu.memory_space<vmem_shared>> -> memref<32x128xf32, #tpu.memory_space<vmem_shared>>
      tpu.enqueue_dma source(%arg7 : memref<32x128xf32, #tpu.memory_space<vmem>>) target(%dma_start3A_117 : memref<32x128xf32, #tpu.memory_space<vmem_shared>>) target_semaphore(%arg22 : memref<!tpu.dma_semaphore, #tpu.memory_space<semaphore_mem>>)
      %add3A_118 = arith.constant 64 : i32
      %add3A_119 = arith.addi %multiple_of3A_105, %add3A_118 : i32
      %dma_start3A_120 = arith.constant 0 : i32
      %dma_start3A_121 = tpu.memref_slice %arg12[%add3A_119, %dma_start3A_120] : memref<10000x128xf32, #tpu.memory_space<vmem_shared>> -> memref<32x128xf32, #tpu.memory_space<vmem_shared>>
      %dma_start3A_122 = arith.constant 0 : i32
      %dma_start3A_123 = tpu.memref_slice %arg12[%add3A_119, %dma_start3A_122] : memref<10000x128xf32, #tpu.memory_space<vmem_shared>> -> memref<32x128xf32, #tpu.memory_space<vmem_shared>>
      tpu.enqueue_dma source(%arg7 : memref<32x128xf32, #tpu.memory_space<vmem>>) target(%dma_start3A_123 : memref<32x128xf32, #tpu.memory_space<vmem_shared>>) target_semaphore(%arg22 : memref<!tpu.dma_semaphore, #tpu.memory_space<semaphore_mem>>)
      %add3A_124 = arith.constant 96 : i32
      %add3A_125 = arith.addi %multiple_of3A_105, %add3A_124 : i32
      %dma_start3A_126 = arith.constant 0 : i32
      %dma_start3A_127 = tpu.memref_slice %arg12[%add3A_125, %dma_start3A_126] : memref<10000x128xf32, #tpu.memory_space<vmem_shared>> -> memref<32x128xf32, #tpu.memory_space<vmem_shared>>
      %dma_start3A_128 = arith.constant 0 : i32
      %dma_start3A_129 = tpu.memref_slice %arg12[%add3A_125, %dma_start3A_128] : memref<10000x128xf32, #tpu.memory_space<vmem_shared>> -> memref<32x128xf32, #tpu.memory_space<vmem_shared>>
      tpu.enqueue_dma source(%arg7 : memref<32x128xf32, #tpu.memory_space<vmem>>) target(%dma_start3A_129 : memref<32x128xf32, #tpu.memory_space<vmem_shared>>) target_semaphore(%arg22 : memref<!tpu.dma_semaphore, #tpu.memory_space<semaphore_mem>>)
      %add3A_130 = arith.constant 128 : i32
      %add3A_131 = arith.addi %multiple_of3A_105, %add3A_130 : i32
      %dma_start3A_132 = arith.constant 0 : i32
      %dma_start3A_133 = tpu.memref_slice %arg12[%add3A_131, %dma_start3A_132] : memref<10000x128xf32, #tpu.memory_space<vmem_shared>> -> memref<32x128xf32, #tpu.memory_space<vmem_shared>>
      %dma_start3A_134 = arith.constant 0 : i32
      %dma_start3A_135 = tpu.memref_slice %arg12[%add3A_131, %dma_start3A_134] : memref<10000x128xf32, #tpu.memory_space<vmem_shared>> -> memref<32x128xf32, #tpu.memory_space<vmem_shared>>
      tpu.enqueue_dma source(%arg7 : memref<32x128xf32, #tpu.memory_space<vmem>>) target(%dma_start3A_135 : memref<32x128xf32, #tpu.memory_space<vmem_shared>>) target_semaphore(%arg22 : memref<!tpu.dma_semaphore, #tpu.memory_space<semaphore_mem>>)
      %add3A_136 = arith.constant 160 : i32
      %add3A_137 = arith.addi %multiple_of3A_105, %add3A_136 : i32
      %dma_start3A_138 = arith.constant 0 : i32
      %dma_start3A_139 = tpu.memref_slice %arg12[%add3A_137, %dma_start3A_138] : memref<10000x128xf32, #tpu.memory_space<vmem_shared>> -> memref<32x128xf32, #tpu.memory_space<vmem_shared>>
      %dma_start3A_140 = arith.constant 0 : i32
      %dma_start3A_141 = tpu.memref_slice %arg12[%add3A_137, %dma_start3A_140] : memref<10000x128xf32, #tpu.memory_space<vmem_shared>> -> memref<32x128xf32, #tpu.memory_space<vmem_shared>>
      tpu.enqueue_dma source(%arg7 : memref<32x128xf32, #tpu.memory_space<vmem>>) target(%dma_start3A_141 : memref<32x128xf32, #tpu.memory_space<vmem_shared>>) target_semaphore(%arg22 : memref<!tpu.dma_semaphore, #tpu.memory_space<semaphore_mem>>)
      %add3A_142 = arith.constant 192 : i32
      %add3A_143 = arith.addi %multiple_of3A_105, %add3A_142 : i32
      %dma_start3A_144 = arith.constant 0 : i32
      %dma_start3A_145 = tpu.memref_slice %arg12[%add3A_143, %dma_start3A_144] : memref<10000x128xf32, #tpu.memory_space<vmem_shared>> -> memref<32x128xf32, #tpu.memory_space<vmem_shared>>
      %dma_start3A_146 = arith.constant 0 : i32
      %dma_start3A_147 = tpu.memref_slice %arg12[%add3A_143, %dma_start3A_146] : memref<10000x128xf32, #tpu.memory_space<vmem_shared>> -> memref<32x128xf32, #tpu.memory_space<vmem_shared>>
      tpu.enqueue_dma source(%arg7 : memref<32x128xf32, #tpu.memory_space<vmem>>) target(%dma_start3A_147 : memref<32x128xf32, #tpu.memory_space<vmem_shared>>) target_semaphore(%arg22 : memref<!tpu.dma_semaphore, #tpu.memory_space<semaphore_mem>>)
      %add3A_148 = arith.constant 224 : i32
      %add3A_149 = arith.addi %multiple_of3A_105, %add3A_148 : i32
      %dma_start3A_150 = arith.constant 0 : i32
      %dma_start3A_151 = tpu.memref_slice %arg12[%add3A_149, %dma_start3A_150] : memref<10000x128xf32, #tpu.memory_space<vmem_shared>> -> memref<32x128xf32, #tpu.memory_space<vmem_shared>>
      %dma_start3A_152 = arith.constant 0 : i32
      %dma_start3A_153 = tpu.memref_slice %arg12[%add3A_149, %dma_start3A_152] : memref<10000x128xf32, #tpu.memory_space<vmem_shared>> -> memref<32x128xf32, #tpu.memory_space<vmem_shared>>
      tpu.enqueue_dma source(%arg7 : memref<32x128xf32, #tpu.memory_space<vmem>>) target(%dma_start3A_153 : memref<32x128xf32, #tpu.memory_space<vmem_shared>>) target_semaphore(%arg22 : memref<!tpu.dma_semaphore, #tpu.memory_space<semaphore_mem>>)
      %add3A_154 = arith.constant 256 : i32
      %add3A_155 = arith.addi %multiple_of3A_105, %add3A_154 : i32
      %dma_start3A_156 = arith.constant 0 : i32
      %dma_start3A_157 = tpu.memref_slice %arg12[%add3A_155, %dma_start3A_156] : memref<10000x128xf32, #tpu.memory_space<vmem_shared>> -> memref<32x128xf32, #tpu.memory_space<vmem_shared>>
      %dma_start3A_158 = arith.constant 0 : i32
      %dma_start3A_159 = tpu.memref_slice %arg12[%add3A_155, %dma_start3A_158] : memref<10000x128xf32, #tpu.memory_space<vmem_shared>> -> memref<32x128xf32, #tpu.memory_space<vmem_shared>>
      tpu.enqueue_dma source(%arg7 : memref<32x128xf32, #tpu.memory_space<vmem>>) target(%dma_start3A_159 : memref<32x128xf32, #tpu.memory_space<vmem_shared>>) target_semaphore(%arg22 : memref<!tpu.dma_semaphore, #tpu.memory_space<semaphore_mem>>)
      %add3A_160 = arith.constant 288 : i32
      %add3A_161 = arith.addi %multiple_of3A_105, %add3A_160 : i32
      %dma_start3A_162 = arith.constant 0 : i32
      %dma_start3A_163 = tpu.memref_slice %arg12[%add3A_161, %dma_start3A_162] : memref<10000x128xf32, #tpu.memory_space<vmem_shared>> -> memref<32x128xf32, #tpu.memory_space<vmem_shared>>
      %dma_start3A_164 = arith.constant 0 : i32
      %dma_start3A_165 = tpu.memref_slice %arg12[%add3A_161, %dma_start3A_164] : memref<10000x128xf32, #tpu.memory_space<vmem_shared>> -> memref<32x128xf32, #tpu.memory_space<vmem_shared>>
      tpu.enqueue_dma source(%arg7 : memref<32x128xf32, #tpu.memory_space<vmem>>) target(%dma_start3A_165 : memref<32x128xf32, #tpu.memory_space<vmem_shared>>) target_semaphore(%arg22 : memref<!tpu.dma_semaphore, #tpu.memory_space<semaphore_mem>>)
      %add3A_166 = arith.constant 320 : i32
      %add3A_167 = arith.addi %multiple_of3A_105, %add3A_166 : i32
      %dma_start3A_168 = arith.constant 0 : i32
      %dma_start3A_169 = tpu.memref_slice %arg12[%add3A_167, %dma_start3A_168] : memref<10000x128xf32, #tpu.memory_space<vmem_shared>> -> memref<32x128xf32, #tpu.memory_space<vmem_shared>>
      %dma_start3A_170 = arith.constant 0 : i32
      %dma_start3A_171 = tpu.memref_slice %arg12[%add3A_167, %dma_start3A_170] : memref<10000x128xf32, #tpu.memory_space<vmem_shared>> -> memref<32x128xf32, #tpu.memory_space<vmem_shared>>
      tpu.enqueue_dma source(%arg7 : memref<32x128xf32, #tpu.memory_space<vmem>>) target(%dma_start3A_171 : memref<32x128xf32, #tpu.memory_space<vmem_shared>>) target_semaphore(%arg22 : memref<!tpu.dma_semaphore, #tpu.memory_space<semaphore_mem>>)
      %add3A_172 = arith.constant 352 : i32
      %add3A_173 = arith.addi %multiple_of3A_105, %add3A_172 : i32
      %dma_start3A_174 = arith.constant 0 : i32
      %dma_start3A_175 = tpu.memref_slice %arg12[%add3A_173, %dma_start3A_174] : memref<10000x128xf32, #tpu.memory_space<vmem_shared>> -> memref<32x128xf32, #tpu.memory_space<vmem_shared>>
      %dma_start3A_176 = arith.constant 0 : i32
      %dma_start3A_177 = tpu.memref_slice %arg12[%add3A_173, %dma_start3A_176] : memref<10000x128xf32, #tpu.memory_space<vmem_shared>> -> memref<32x128xf32, #tpu.memory_space<vmem_shared>>
      tpu.enqueue_dma source(%arg7 : memref<32x128xf32, #tpu.memory_space<vmem>>) target(%dma_start3A_177 : memref<32x128xf32, #tpu.memory_space<vmem_shared>>) target_semaphore(%arg22 : memref<!tpu.dma_semaphore, #tpu.memory_space<semaphore_mem>>)
      %add3A_178 = arith.constant 384 : i32
      %add3A_179 = arith.addi %multiple_of3A_105, %add3A_178 : i32
      %dma_start3A_180 = arith.constant 0 : i32
      %dma_start3A_181 = tpu.memref_slice %arg12[%add3A_179, %dma_start3A_180] : memref<10000x128xf32, #tpu.memory_space<vmem_shared>> -> memref<32x128xf32, #tpu.memory_space<vmem_shared>>
      %dma_start3A_182 = arith.constant 0 : i32
      %dma_start3A_183 = tpu.memref_slice %arg12[%add3A_179, %dma_start3A_182] : memref<10000x128xf32, #tpu.memory_space<vmem_shared>> -> memref<32x128xf32, #tpu.memory_space<vmem_shared>>
      tpu.enqueue_dma source(%arg7 : memref<32x128xf32, #tpu.memory_space<vmem>>) target(%dma_start3A_183 : memref<32x128xf32, #tpu.memory_space<vmem_shared>>) target_semaphore(%arg22 : memref<!tpu.dma_semaphore, #tpu.memory_space<semaphore_mem>>)
      %add3A_184 = arith.constant 416 : i32
      %add3A_185 = arith.addi %multiple_of3A_105, %add3A_184 : i32
      %dma_start3A_186 = arith.constant 0 : i32
      %dma_start3A_187 = tpu.memref_slice %arg12[%add3A_185, %dma_start3A_186] : memref<10000x128xf32, #tpu.memory_space<vmem_shared>> -> memref<32x128xf32, #tpu.memory_space<vmem_shared>>
      %dma_start3A_188 = arith.constant 0 : i32
      %dma_start3A_189 = tpu.memref_slice %arg12[%add3A_185, %dma_start3A_188] : memref<10000x128xf32, #tpu.memory_space<vmem_shared>> -> memref<32x128xf32, #tpu.memory_space<vmem_shared>>
      tpu.enqueue_dma source(%arg7 : memref<32x128xf32, #tpu.memory_space<vmem>>) target(%dma_start3A_189 : memref<32x128xf32, #tpu.memory_space<vmem_shared>>) target_semaphore(%arg22 : memref<!tpu.dma_semaphore, #tpu.memory_space<semaphore_mem>>)
      %add3A_190 = arith.constant 448 : i32
      %add3A_191 = arith.addi %multiple_of3A_105, %add3A_190 : i32
      %dma_start3A_192 = arith.constant 0 : i32
      %dma_start3A_193 = tpu.memref_slice %arg12[%add3A_191, %dma_start3A_192] : memref<10000x128xf32, #tpu.memory_space<vmem_shared>> -> memref<32x128xf32, #tpu.memory_space<vmem_shared>>
      %dma_start3A_194 = arith.constant 0 : i32
      %dma_start3A_195 = tpu.memref_slice %arg12[%add3A_191, %dma_start3A_194] : memref<10000x128xf32, #tpu.memory_space<vmem_shared>> -> memref<32x128xf32, #tpu.memory_space<vmem_shared>>
      tpu.enqueue_dma source(%arg7 : memref<32x128xf32, #tpu.memory_space<vmem>>) target(%dma_start3A_195 : memref<32x128xf32, #tpu.memory_space<vmem_shared>>) target_semaphore(%arg22 : memref<!tpu.dma_semaphore, #tpu.memory_space<semaphore_mem>>)
      %add3A_196 = arith.constant 480 : i32
      %add3A_197 = arith.addi %multiple_of3A_105, %add3A_196 : i32
      %dma_start3A_198 = arith.constant 0 : i32
      %dma_start3A_199 = tpu.memref_slice %arg12[%add3A_197, %dma_start3A_198] : memref<10000x128xf32, #tpu.memory_space<vmem_shared>> -> memref<32x128xf32, #tpu.memory_space<vmem_shared>>
      %dma_start3A_200 = arith.constant 0 : i32
      %dma_start3A_201 = tpu.memref_slice %arg12[%add3A_197, %dma_start3A_200] : memref<10000x128xf32, #tpu.memory_space<vmem_shared>> -> memref<32x128xf32, #tpu.memory_space<vmem_shared>>
      tpu.enqueue_dma source(%arg7 : memref<32x128xf32, #tpu.memory_space<vmem>>) target(%dma_start3A_201 : memref<32x128xf32, #tpu.memory_space<vmem_shared>>) target_semaphore(%arg22 : memref<!tpu.dma_semaphore, #tpu.memory_space<semaphore_mem>>)
      %add3A_202 = arith.constant 512 : i32
      %add3A_203 = arith.addi %multiple_of3A_105, %add3A_202 : i32
      %dma_start3A_204 = arith.constant 0 : i32
      %dma_start3A_205 = tpu.memref_slice %arg12[%add3A_203, %dma_start3A_204] : memref<10000x128xf32, #tpu.memory_space<vmem_shared>> -> memref<32x128xf32, #tpu.memory_space<vmem_shared>>
      %dma_start3A_206 = arith.constant 0 : i32
      %dma_start3A_207 = tpu.memref_slice %arg12[%add3A_203, %dma_start3A_206] : memref<10000x128xf32, #tpu.memory_space<vmem_shared>> -> memref<32x128xf32, #tpu.memory_space<vmem_shared>>
      tpu.enqueue_dma source(%arg7 : memref<32x128xf32, #tpu.memory_space<vmem>>) target(%dma_start3A_207 : memref<32x128xf32, #tpu.memory_space<vmem_shared>>) target_semaphore(%arg22 : memref<!tpu.dma_semaphore, #tpu.memory_space<semaphore_mem>>)
      %add3A_208 = arith.constant 544 : i32
      %add3A_209 = arith.addi %multiple_of3A_105, %add3A_208 : i32
      %dma_start3A_210 = arith.constant 0 : i32
      %dma_start3A_211 = tpu.memref_slice %arg12[%add3A_209, %dma_start3A_210] : memref<10000x128xf32, #tpu.memory_space<vmem_shared>> -> memref<32x128xf32, #tpu.memory_space<vmem_shared>>
      %dma_start3A_212 = arith.constant 0 : i32
      %dma_start3A_213 = tpu.memref_slice %arg12[%add3A_209, %dma_start3A_212] : memref<10000x128xf32, #tpu.memory_space<vmem_shared>> -> memref<32x128xf32, #tpu.memory_space<vmem_shared>>
      tpu.enqueue_dma source(%arg7 : memref<32x128xf32, #tpu.memory_space<vmem>>) target(%dma_start3A_213 : memref<32x128xf32, #tpu.memory_space<vmem_shared>>) target_semaphore(%arg22 : memref<!tpu.dma_semaphore, #tpu.memory_space<semaphore_mem>>)
      %add3A_214 = arith.constant 576 : i32
      %add3A_215 = arith.addi %multiple_of3A_105, %add3A_214 : i32
      %dma_start3A_216 = arith.constant 0 : i32
      %dma_start3A_217 = tpu.memref_slice %arg12[%add3A_215, %dma_start3A_216] : memref<10000x128xf32, #tpu.memory_space<vmem_shared>> -> memref<32x128xf32, #tpu.memory_space<vmem_shared>>
      %dma_start3A_218 = arith.constant 0 : i32
      %dma_start3A_219 = tpu.memref_slice %arg12[%add3A_215, %dma_start3A_218] : memref<10000x128xf32, #tpu.memory_space<vmem_shared>> -> memref<32x128xf32, #tpu.memory_space<vmem_shared>>
      tpu.enqueue_dma source(%arg7 : memref<32x128xf32, #tpu.memory_space<vmem>>) target(%dma_start3A_219 : memref<32x128xf32, #tpu.memory_space<vmem_shared>>) target_semaphore(%arg22 : memref<!tpu.dma_semaphore, #tpu.memory_space<semaphore_mem>>)
      %add3A_220 = arith.constant 632 : i32
      %add3A_221 = arith.addi %multiple_of3A_105, %add3A_220 : i32
      %sub3A = arith.constant 24 : i32
      %sub3A_222 = arith.subi %add3A_221, %sub3A : i32
      %dma_start3A_223 = arith.constant 0 : i32
      %dma_start3A_224 = arith.constant 0 : i32
      %dma_start3A_225 = tpu.memref_slice %arg7[%dma_start3A_223, %dma_start3A_224] : memref<32x128xf32, #tpu.memory_space<vmem>> -> memref<24x128xf32, #tpu.memory_space<vmem>>
      %dma_start3A_226 = arith.constant 0 : i32
      %dma_start3A_227 = tpu.memref_slice %arg12[%sub3A_222, %dma_start3A_226] : memref<10000x128xf32, #tpu.memory_space<vmem_shared>> -> memref<24x128xf32, #tpu.memory_space<vmem_shared>>
      %dma_start3A_228 = arith.constant 0 : i32
      %dma_start3A_229 = tpu.memref_slice %arg12[%sub3A_222, %dma_start3A_228] : memref<10000x128xf32, #tpu.memory_space<vmem_shared>> -> memref<24x128xf32, #tpu.memory_space<vmem_shared>>
      %dma_start3A_230 = arith.constant 0 : i32
      %dma_start3A_231 = arith.constant 0 : i32
      %dma_start3A_232 = tpu.memref_slice %arg7[%dma_start3A_230, %dma_start3A_231] : memref<32x128xf32, #tpu.memory_space<vmem>> -> memref<24x128xf32, #tpu.memory_space<vmem>>
      tpu.enqueue_dma source(%dma_start3A_232 : memref<24x128xf32, #tpu.memory_space<vmem>>) target(%dma_start3A_229 : memref<24x128xf32, #tpu.memory_space<vmem_shared>>) target_semaphore(%arg22 : memref<!tpu.dma_semaphore, #tpu.memory_space<semaphore_mem>>)
      %add3A_233 = arith.constant 0 : i32
      %add3A_234 = arith.addi %multiple_of3A_105, %add3A_233 : i32
      %dma_wait3A_235 = arith.constant 0 : i32
      %dma_wait3A_236 = tpu.memref_slice %arg12[%add3A_234, %dma_wait3A_235] : memref<10000x128xf32, #tpu.memory_space<vmem_shared>> -> memref<32x128xf32, #tpu.memory_space<vmem_shared>>
      %dma_wait3A_237 = arith.constant 0 : i32
      %dma_wait3A_238 = tpu.memref_slice %arg12[%add3A_234, %dma_wait3A_237] : memref<10000x128xf32, #tpu.memory_space<vmem_shared>> -> memref<32x128xf32, #tpu.memory_space<vmem_shared>>
      tpu.wait_dma2 semaphore(%arg22 : memref<!tpu.dma_semaphore, #tpu.memory_space<semaphore_mem>>) src(%arg7 : memref<32x128xf32, #tpu.memory_space<vmem>>) dst(%dma_wait3A_238 : memref<32x128xf32, #tpu.memory_space<vmem_shared>>)
      %add3A_239 = arith.constant 32 : i32
      %add3A_240 = arith.addi %multiple_of3A_105, %add3A_239 : i32
      %dma_wait3A_241 = arith.constant 0 : i32
      %dma_wait3A_242 = tpu.memref_slice %arg12[%add3A_240, %dma_wait3A_241] : memref<10000x128xf32, #tpu.memory_space<vmem_shared>> -> memref<32x128xf32, #tpu.memory_space<vmem_shared>>
      %dma_wait3A_243 = arith.constant 0 : i32
      %dma_wait3A_244 = tpu.memref_slice %arg12[%add3A_240, %dma_wait3A_243] : memref<10000x128xf32, #tpu.memory_space<vmem_shared>> -> memref<32x128xf32, #tpu.memory_space<vmem_shared>>
      tpu.wait_dma2 semaphore(%arg22 : memref<!tpu.dma_semaphore, #tpu.memory_space<semaphore_mem>>) src(%arg7 : memref<32x128xf32, #tpu.memory_space<vmem>>) dst(%dma_wait3A_244 : memref<32x128xf32, #tpu.memory_space<vmem_shared>>)
      %add3A_245 = arith.constant 64 : i32
      %add3A_246 = arith.addi %multiple_of3A_105, %add3A_245 : i32
      %dma_wait3A_247 = arith.constant 0 : i32
      %dma_wait3A_248 = tpu.memref_slice %arg12[%add3A_246, %dma_wait3A_247] : memref<10000x128xf32, #tpu.memory_space<vmem_shared>> -> memref<32x128xf32, #tpu.memory_space<vmem_shared>>
      %dma_wait3A_249 = arith.constant 0 : i32
      %dma_wait3A_250 = tpu.memref_slice %arg12[%add3A_246, %dma_wait3A_249] : memref<10000x128xf32, #tpu.memory_space<vmem_shared>> -> memref<32x128xf32, #tpu.memory_space<vmem_shared>>
      tpu.wait_dma2 semaphore(%arg22 : memref<!tpu.dma_semaphore, #tpu.memory_space<semaphore_mem>>) src(%arg7 : memref<32x128xf32, #tpu.memory_space<vmem>>) dst(%dma_wait3A_250 : memref<32x128xf32, #tpu.memory_space<vmem_shared>>)
      %add3A_251 = arith.constant 96 : i32
      %add3A_252 = arith.addi %multiple_of3A_105, %add3A_251 : i32
      %dma_wait3A_253 = arith.constant 0 : i32
      %dma_wait3A_254 = tpu.memref_slice %arg12[%add3A_252, %dma_wait3A_253] : memref<10000x128xf32, #tpu.memory_space<vmem_shared>> -> memref<32x128xf32, #tpu.memory_space<vmem_shared>>
      %dma_wait3A_255 = arith.constant 0 : i32
      %dma_wait3A_256 = tpu.memref_slice %arg12[%add3A_252, %dma_wait3A_255] : memref<10000x128xf32, #tpu.memory_space<vmem_shared>> -> memref<32x128xf32, #tpu.memory_space<vmem_shared>>
      tpu.wait_dma2 semaphore(%arg22 : memref<!tpu.dma_semaphore, #tpu.memory_space<semaphore_mem>>) src(%arg7 : memref<32x128xf32, #tpu.memory_space<vmem>>) dst(%dma_wait3A_256 : memref<32x128xf32, #tpu.memory_space<vmem_shared>>)
      %add3A_257 = arith.constant 128 : i32
      %add3A_258 = arith.addi %multiple_of3A_105, %add3A_257 : i32
      %dma_wait3A_259 = arith.constant 0 : i32
      %dma_wait3A_260 = tpu.memref_slice %arg12[%add3A_258, %dma_wait3A_259] : memref<10000x128xf32, #tpu.memory_space<vmem_shared>> -> memref<32x128xf32, #tpu.memory_space<vmem_shared>>
      %dma_wait3A_261 = arith.constant 0 : i32
      %dma_wait3A_262 = tpu.memref_slice %arg12[%add3A_258, %dma_wait3A_261] : memref<10000x128xf32, #tpu.memory_space<vmem_shared>> -> memref<32x128xf32, #tpu.memory_space<vmem_shared>>
      tpu.wait_dma2 semaphore(%arg22 : memref<!tpu.dma_semaphore, #tpu.memory_space<semaphore_mem>>) src(%arg7 : memref<32x128xf32, #tpu.memory_space<vmem>>) dst(%dma_wait3A_262 : memref<32x128xf32, #tpu.memory_space<vmem_shared>>)
      %add3A_263 = arith.constant 160 : i32
      %add3A_264 = arith.addi %multiple_of3A_105, %add3A_263 : i32
      %dma_wait3A_265 = arith.constant 0 : i32
      %dma_wait3A_266 = tpu.memref_slice %arg12[%add3A_264, %dma_wait3A_265] : memref<10000x128xf32, #tpu.memory_space<vmem_shared>> -> memref<32x128xf32, #tpu.memory_space<vmem_shared>>
      %dma_wait3A_267 = arith.constant 0 : i32
      %dma_wait3A_268 = tpu.memref_slice %arg12[%add3A_264, %dma_wait3A_267] : memref<10000x128xf32, #tpu.memory_space<vmem_shared>> -> memref<32x128xf32, #tpu.memory_space<vmem_shared>>
      tpu.wait_dma2 semaphore(%arg22 : memref<!tpu.dma_semaphore, #tpu.memory_space<semaphore_mem>>) src(%arg7 : memref<32x128xf32, #tpu.memory_space<vmem>>) dst(%dma_wait3A_268 : memref<32x128xf32, #tpu.memory_space<vmem_shared>>)
      %add3A_269 = arith.constant 192 : i32
      %add3A_270 = arith.addi %multiple_of3A_105, %add3A_269 : i32
      %dma_wait3A_271 = arith.constant 0 : i32
      %dma_wait3A_272 = tpu.memref_slice %arg12[%add3A_270, %dma_wait3A_271] : memref<10000x128xf32, #tpu.memory_space<vmem_shared>> -> memref<32x128xf32, #tpu.memory_space<vmem_shared>>
      %dma_wait3A_273 = arith.constant 0 : i32
      %dma_wait3A_274 = tpu.memref_slice %arg12[%add3A_270, %dma_wait3A_273] : memref<10000x128xf32, #tpu.memory_space<vmem_shared>> -> memref<32x128xf32, #tpu.memory_space<vmem_shared>>
      tpu.wait_dma2 semaphore(%arg22 : memref<!tpu.dma_semaphore, #tpu.memory_space<semaphore_mem>>) src(%arg7 : memref<32x128xf32, #tpu.memory_space<vmem>>) dst(%dma_wait3A_274 : memref<32x128xf32, #tpu.memory_space<vmem_shared>>)
      %add3A_275 = arith.constant 224 : i32
      %add3A_276 = arith.addi %multiple_of3A_105, %add3A_275 : i32
      %dma_wait3A_277 = arith.constant 0 : i32
      %dma_wait3A_278 = tpu.memref_slice %arg12[%add3A_276, %dma_wait3A_277] : memref<10000x128xf32, #tpu.memory_space<vmem_shared>> -> memref<32x128xf32, #tpu.memory_space<vmem_shared>>
      %dma_wait3A_279 = arith.constant 0 : i32
      %dma_wait3A_280 = tpu.memref_slice %arg12[%add3A_276, %dma_wait3A_279] : memref<10000x128xf32, #tpu.memory_space<vmem_shared>> -> memref<32x128xf32, #tpu.memory_space<vmem_shared>>
      tpu.wait_dma2 semaphore(%arg22 : memref<!tpu.dma_semaphore, #tpu.memory_space<semaphore_mem>>) src(%arg7 : memref<32x128xf32, #tpu.memory_space<vmem>>) dst(%dma_wait3A_280 : memref<32x128xf32, #tpu.memory_space<vmem_shared>>)
      %add3A_281 = arith.constant 256 : i32
      %add3A_282 = arith.addi %multiple_of3A_105, %add3A_281 : i32
      %dma_wait3A_283 = arith.constant 0 : i32
      %dma_wait3A_284 = tpu.memref_slice %arg12[%add3A_282, %dma_wait3A_283] : memref<10000x128xf32, #tpu.memory_space<vmem_shared>> -> memref<32x128xf32, #tpu.memory_space<vmem_shared>>
      %dma_wait3A_285 = arith.constant 0 : i32
      %dma_wait3A_286 = tpu.memref_slice %arg12[%add3A_282, %dma_wait3A_285] : memref<10000x128xf32, #tpu.memory_space<vmem_shared>> -> memref<32x128xf32, #tpu.memory_space<vmem_shared>>
      tpu.wait_dma2 semaphore(%arg22 : memref<!tpu.dma_semaphore, #tpu.memory_space<semaphore_mem>>) src(%arg7 : memref<32x128xf32, #tpu.memory_space<vmem>>) dst(%dma_wait3A_286 : memref<32x128xf32, #tpu.memory_space<vmem_shared>>)
      %add3A_287 = arith.constant 288 : i32
      %add3A_288 = arith.addi %multiple_of3A_105, %add3A_287 : i32
      %dma_wait3A_289 = arith.constant 0 : i32
      %dma_wait3A_290 = tpu.memref_slice %arg12[%add3A_288, %dma_wait3A_289] : memref<10000x128xf32, #tpu.memory_space<vmem_shared>> -> memref<32x128xf32, #tpu.memory_space<vmem_shared>>
      %dma_wait3A_291 = arith.constant 0 : i32
      %dma_wait3A_292 = tpu.memref_slice %arg12[%add3A_288, %dma_wait3A_291] : memref<10000x128xf32, #tpu.memory_space<vmem_shared>> -> memref<32x128xf32, #tpu.memory_space<vmem_shared>>
      tpu.wait_dma2 semaphore(%arg22 : memref<!tpu.dma_semaphore, #tpu.memory_space<semaphore_mem>>) src(%arg7 : memref<32x128xf32, #tpu.memory_space<vmem>>) dst(%dma_wait3A_292 : memref<32x128xf32, #tpu.memory_space<vmem_shared>>)
      %add3A_293 = arith.constant 320 : i32
      %add3A_294 = arith.addi %multiple_of3A_105, %add3A_293 : i32
      %dma_wait3A_295 = arith.constant 0 : i32
      %dma_wait3A_296 = tpu.memref_slice %arg12[%add3A_294, %dma_wait3A_295] : memref<10000x128xf32, #tpu.memory_space<vmem_shared>> -> memref<32x128xf32, #tpu.memory_space<vmem_shared>>
      %dma_wait3A_297 = arith.constant 0 : i32
      %dma_wait3A_298 = tpu.memref_slice %arg12[%add3A_294, %dma_wait3A_297] : memref<10000x128xf32, #tpu.memory_space<vmem_shared>> -> memref<32x128xf32, #tpu.memory_space<vmem_shared>>
      tpu.wait_dma2 semaphore(%arg22 : memref<!tpu.dma_semaphore, #tpu.memory_space<semaphore_mem>>) src(%arg7 : memref<32x128xf32, #tpu.memory_space<vmem>>) dst(%dma_wait3A_298 : memref<32x128xf32, #tpu.memory_space<vmem_shared>>)
      %add3A_299 = arith.constant 352 : i32
      %add3A_300 = arith.addi %multiple_of3A_105, %add3A_299 : i32
      %dma_wait3A_301 = arith.constant 0 : i32
      %dma_wait3A_302 = tpu.memref_slice %arg12[%add3A_300, %dma_wait3A_301] : memref<10000x128xf32, #tpu.memory_space<vmem_shared>> -> memref<32x128xf32, #tpu.memory_space<vmem_shared>>
      %dma_wait3A_303 = arith.constant 0 : i32
      %dma_wait3A_304 = tpu.memref_slice %arg12[%add3A_300, %dma_wait3A_303] : memref<10000x128xf32, #tpu.memory_space<vmem_shared>> -> memref<32x128xf32, #tpu.memory_space<vmem_shared>>
      tpu.wait_dma2 semaphore(%arg22 : memref<!tpu.dma_semaphore, #tpu.memory_space<semaphore_mem>>) src(%arg7 : memref<32x128xf32, #tpu.memory_space<vmem>>) dst(%dma_wait3A_304 : memref<32x128xf32, #tpu.memory_space<vmem_shared>>)
      %add3A_305 = arith.constant 384 : i32
      %add3A_306 = arith.addi %multiple_of3A_105, %add3A_305 : i32
      %dma_wait3A_307 = arith.constant 0 : i32
      %dma_wait3A_308 = tpu.memref_slice %arg12[%add3A_306, %dma_wait3A_307] : memref<10000x128xf32, #tpu.memory_space<vmem_shared>> -> memref<32x128xf32, #tpu.memory_space<vmem_shared>>
      %dma_wait3A_309 = arith.constant 0 : i32
      %dma_wait3A_310 = tpu.memref_slice %arg12[%add3A_306, %dma_wait3A_309] : memref<10000x128xf32, #tpu.memory_space<vmem_shared>> -> memref<32x128xf32, #tpu.memory_space<vmem_shared>>
      tpu.wait_dma2 semaphore(%arg22 : memref<!tpu.dma_semaphore, #tpu.memory_space<semaphore_mem>>) src(%arg7 : memref<32x128xf32, #tpu.memory_space<vmem>>) dst(%dma_wait3A_310 : memref<32x128xf32, #tpu.memory_space<vmem_shared>>)
      %add3A_311 = arith.constant 416 : i32
      %add3A_312 = arith.addi %multiple_of3A_105, %add3A_311 : i32
      %dma_wait3A_313 = arith.constant 0 : i32
      %dma_wait3A_314 = tpu.memref_slice %arg12[%add3A_312, %dma_wait3A_313] : memref<10000x128xf32, #tpu.memory_space<vmem_shared>> -> memref<32x128xf32, #tpu.memory_space<vmem_shared>>
      %dma_wait3A_315 = arith.constant 0 : i32
      %dma_wait3A_316 = tpu.memref_slice %arg12[%add3A_312, %dma_wait3A_315] : memref<10000x128xf32, #tpu.memory_space<vmem_shared>> -> memref<32x128xf32, #tpu.memory_space<vmem_shared>>
      tpu.wait_dma2 semaphore(%arg22 : memref<!tpu.dma_semaphore, #tpu.memory_space<semaphore_mem>>) src(%arg7 : memref<32x128xf32, #tpu.memory_space<vmem>>) dst(%dma_wait3A_316 : memref<32x128xf32, #tpu.memory_space<vmem_shared>>)
      %add3A_317 = arith.constant 448 : i32
      %add3A_318 = arith.addi %multiple_of3A_105, %add3A_317 : i32
      %dma_wait3A_319 = arith.constant 0 : i32
      %dma_wait3A_320 = tpu.memref_slice %arg12[%add3A_318, %dma_wait3A_319] : memref<10000x128xf32, #tpu.memory_space<vmem_shared>> -> memref<32x128xf32, #tpu.memory_space<vmem_shared>>
      %dma_wait3A_321 = arith.constant 0 : i32
      %dma_wait3A_322 = tpu.memref_slice %arg12[%add3A_318, %dma_wait3A_321] : memref<10000x128xf32, #tpu.memory_space<vmem_shared>> -> memref<32x128xf32, #tpu.memory_space<vmem_shared>>
      tpu.wait_dma2 semaphore(%arg22 : memref<!tpu.dma_semaphore, #tpu.memory_space<semaphore_mem>>) src(%arg7 : memref<32x128xf32, #tpu.memory_space<vmem>>) dst(%dma_wait3A_322 : memref<32x128xf32, #tpu.memory_space<vmem_shared>>)
      %add3A_323 = arith.constant 480 : i32
      %add3A_324 = arith.addi %multiple_of3A_105, %add3A_323 : i32
      %dma_wait3A_325 = arith.constant 0 : i32
      %dma_wait3A_326 = tpu.memref_slice %arg12[%add3A_324, %dma_wait3A_325] : memref<10000x128xf32, #tpu.memory_space<vmem_shared>> -> memref<32x128xf32, #tpu.memory_space<vmem_shared>>
      %dma_wait3A_327 = arith.constant 0 : i32
      %dma_wait3A_328 = tpu.memref_slice %arg12[%add3A_324, %dma_wait3A_327] : memref<10000x128xf32, #tpu.memory_space<vmem_shared>> -> memref<32x128xf32, #tpu.memory_space<vmem_shared>>
      tpu.wait_dma2 semaphore(%arg22 : memref<!tpu.dma_semaphore, #tpu.memory_space<semaphore_mem>>) src(%arg7 : memref<32x128xf32, #tpu.memory_space<vmem>>) dst(%dma_wait3A_328 : memref<32x128xf32, #tpu.memory_space<vmem_shared>>)
      %add3A_329 = arith.constant 512 : i32
      %add3A_330 = arith.addi %multiple_of3A_105, %add3A_329 : i32
      %dma_wait3A_331 = arith.constant 0 : i32
      %dma_wait3A_332 = tpu.memref_slice %arg12[%add3A_330, %dma_wait3A_331] : memref<10000x128xf32, #tpu.memory_space<vmem_shared>> -> memref<32x128xf32, #tpu.memory_space<vmem_shared>>
      %dma_wait3A_333 = arith.constant 0 : i32
      %dma_wait3A_334 = tpu.memref_slice %arg12[%add3A_330, %dma_wait3A_333] : memref<10000x128xf32, #tpu.memory_space<vmem_shared>> -> memref<32x128xf32, #tpu.memory_space<vmem_shared>>
      tpu.wait_dma2 semaphore(%arg22 : memref<!tpu.dma_semaphore, #tpu.memory_space<semaphore_mem>>) src(%arg7 : memref<32x128xf32, #tpu.memory_space<vmem>>) dst(%dma_wait3A_334 : memref<32x128xf32, #tpu.memory_space<vmem_shared>>)
      %add3A_335 = arith.constant 544 : i32
      %add3A_336 = arith.addi %multiple_of3A_105, %add3A_335 : i32
      %dma_wait3A_337 = arith.constant 0 : i32
      %dma_wait3A_338 = tpu.memref_slice %arg12[%add3A_336, %dma_wait3A_337] : memref<10000x128xf32, #tpu.memory_space<vmem_shared>> -> memref<32x128xf32, #tpu.memory_space<vmem_shared>>
      %dma_wait3A_339 = arith.constant 0 : i32
      %dma_wait3A_340 = tpu.memref_slice %arg12[%add3A_336, %dma_wait3A_339] : memref<10000x128xf32, #tpu.memory_space<vmem_shared>> -> memref<32x128xf32, #tpu.memory_space<vmem_shared>>
      tpu.wait_dma2 semaphore(%arg22 : memref<!tpu.dma_semaphore, #tpu.memory_space<semaphore_mem>>) src(%arg7 : memref<32x128xf32, #tpu.memory_space<vmem>>) dst(%dma_wait3A_340 : memref<32x128xf32, #tpu.memory_space<vmem_shared>>)
      %add3A_341 = arith.constant 576 : i32
      %add3A_342 = arith.addi %multiple_of3A_105, %add3A_341 : i32
      %dma_wait3A_343 = arith.constant 0 : i32
      %dma_wait3A_344 = tpu.memref_slice %arg12[%add3A_342, %dma_wait3A_343] : memref<10000x128xf32, #tpu.memory_space<vmem_shared>> -> memref<32x128xf32, #tpu.memory_space<vmem_shared>>
      %dma_wait3A_345 = arith.constant 0 : i32
      %dma_wait3A_346 = tpu.memref_slice %arg12[%add3A_342, %dma_wait3A_345] : memref<10000x128xf32, #tpu.memory_space<vmem_shared>> -> memref<32x128xf32, #tpu.memory_space<vmem_shared>>
      tpu.wait_dma2 semaphore(%arg22 : memref<!tpu.dma_semaphore, #tpu.memory_space<semaphore_mem>>) src(%arg7 : memref<32x128xf32, #tpu.memory_space<vmem>>) dst(%dma_wait3A_346 : memref<32x128xf32, #tpu.memory_space<vmem_shared>>)
      %add3A_347 = arith.constant 632 : i32
      %add3A_348 = arith.addi %multiple_of3A_105, %add3A_347 : i32
      %sub3A_349 = arith.constant 24 : i32
      %sub3A_350 = arith.subi %add3A_348, %sub3A_349 : i32
      %dma_wait3A_351 = arith.constant 0 : i32
      %dma_wait3A_352 = arith.constant 0 : i32
      %dma_wait3A_353 = tpu.memref_slice %arg7[%dma_wait3A_351, %dma_wait3A_352] : memref<32x128xf32, #tpu.memory_space<vmem>> -> memref<24x128xf32, #tpu.memory_space<vmem>>
      %dma_wait3A_354 = arith.constant 0 : i32
      %dma_wait3A_355 = tpu.memref_slice %arg12[%sub3A_350, %dma_wait3A_354] : memref<10000x128xf32, #tpu.memory_space<vmem_shared>> -> memref<24x128xf32, #tpu.memory_space<vmem_shared>>
      %dma_wait3A_356 = arith.constant 0 : i32
      %dma_wait3A_357 = tpu.memref_slice %arg12[%sub3A_350, %dma_wait3A_356] : memref<10000x128xf32, #tpu.memory_space<vmem_shared>> -> memref<24x128xf32, #tpu.memory_space<vmem_shared>>
      %dma_wait3A_358 = arith.constant 0 : i32
      %dma_wait3A_359 = arith.constant 0 : i32
      %dma_wait3A_360 = tpu.memref_slice %arg7[%dma_wait3A_358, %dma_wait3A_359] : memref<32x128xf32, #tpu.memory_space<vmem>> -> memref<24x128xf32, #tpu.memory_space<vmem>>
      tpu.wait_dma2 semaphore(%arg22 : memref<!tpu.dma_semaphore, #tpu.memory_space<semaphore_mem>>) src(%dma_wait3A_360 : memref<24x128xf32, #tpu.memory_space<vmem>>) dst(%dma_wait3A_357 : memref<24x128xf32, #tpu.memory_space<vmem_shared>>)
    } else {
    }
    %eq3A_39 = arith.constant 15 : i32
    %eq3A_40 = arith.cmpi eq, %arg1, %eq3A_39 : i32
    %convert_element_type3A_41 = arith.extui %eq3A_40 : i1 to i32
    %cond3A_42 = arith.constant 0 : i32
    %cond3A_43 = arith.cmpi ne, %convert_element_type3A_41, %cond3A_42 : i32
    scf.if %cond3A_43 {
      %dma_start3A_103 = arith.constant 9480 : i32
      %dma_start3A_104 = arith.constant 0 : i32
      %dma_start3A_105 = tpu.memref_slice %arg12[%dma_start3A_103, %dma_start3A_104] : memref<10000x128xf32, #tpu.memory_space<vmem_shared>> -> memref<32x128xf32, #tpu.memory_space<vmem_shared>>
      %dma_start3A_106 = arith.constant 9480 : i32
      %dma_start3A_107 = arith.constant 0 : i32
      %dma_start3A_108 = tpu.memref_slice %arg12[%dma_start3A_106, %dma_start3A_107] : memref<10000x128xf32, #tpu.memory_space<vmem_shared>> -> memref<32x128xf32, #tpu.memory_space<vmem_shared>>
      tpu.enqueue_dma source(%arg7 : memref<32x128xf32, #tpu.memory_space<vmem>>) target(%dma_start3A_108 : memref<32x128xf32, #tpu.memory_space<vmem_shared>>) target_semaphore(%arg22 : memref<!tpu.dma_semaphore, #tpu.memory_space<semaphore_mem>>)
      %dma_start3A_109 = arith.constant 9512 : i32
      %dma_start3A_110 = arith.constant 0 : i32
      %dma_start3A_111 = tpu.memref_slice %arg12[%dma_start3A_109, %dma_start3A_110] : memref<10000x128xf32, #tpu.memory_space<vmem_shared>> -> memref<32x128xf32, #tpu.memory_space<vmem_shared>>
      %dma_start3A_112 = arith.constant 9512 : i32
      %dma_start3A_113 = arith.constant 0 : i32
      %dma_start3A_114 = tpu.memref_slice %arg12[%dma_start3A_112, %dma_start3A_113] : memref<10000x128xf32, #tpu.memory_space<vmem_shared>> -> memref<32x128xf32, #tpu.memory_space<vmem_shared>>
      tpu.enqueue_dma source(%arg7 : memref<32x128xf32, #tpu.memory_space<vmem>>) target(%dma_start3A_114 : memref<32x128xf32, #tpu.memory_space<vmem_shared>>) target_semaphore(%arg22 : memref<!tpu.dma_semaphore, #tpu.memory_space<semaphore_mem>>)
      %dma_start3A_115 = arith.constant 9544 : i32
      %dma_start3A_116 = arith.constant 0 : i32
      %dma_start3A_117 = tpu.memref_slice %arg12[%dma_start3A_115, %dma_start3A_116] : memref<10000x128xf32, #tpu.memory_space<vmem_shared>> -> memref<32x128xf32, #tpu.memory_space<vmem_shared>>
      %dma_start3A_118 = arith.constant 9544 : i32
      %dma_start3A_119 = arith.constant 0 : i32
      %dma_start3A_120 = tpu.memref_slice %arg12[%dma_start3A_118, %dma_start3A_119] : memref<10000x128xf32, #tpu.memory_space<vmem_shared>> -> memref<32x128xf32, #tpu.memory_space<vmem_shared>>
      tpu.enqueue_dma source(%arg7 : memref<32x128xf32, #tpu.memory_space<vmem>>) target(%dma_start3A_120 : memref<32x128xf32, #tpu.memory_space<vmem_shared>>) target_semaphore(%arg22 : memref<!tpu.dma_semaphore, #tpu.memory_space<semaphore_mem>>)
      %dma_start3A_121 = arith.constant 9576 : i32
      %dma_start3A_122 = arith.constant 0 : i32
      %dma_start3A_123 = tpu.memref_slice %arg12[%dma_start3A_121, %dma_start3A_122] : memref<10000x128xf32, #tpu.memory_space<vmem_shared>> -> memref<32x128xf32, #tpu.memory_space<vmem_shared>>
      %dma_start3A_124 = arith.constant 9576 : i32
      %dma_start3A_125 = arith.constant 0 : i32
      %dma_start3A_126 = tpu.memref_slice %arg12[%dma_start3A_124, %dma_start3A_125] : memref<10000x128xf32, #tpu.memory_space<vmem_shared>> -> memref<32x128xf32, #tpu.memory_space<vmem_shared>>
      tpu.enqueue_dma source(%arg7 : memref<32x128xf32, #tpu.memory_space<vmem>>) target(%dma_start3A_126 : memref<32x128xf32, #tpu.memory_space<vmem_shared>>) target_semaphore(%arg22 : memref<!tpu.dma_semaphore, #tpu.memory_space<semaphore_mem>>)
      %dma_start3A_127 = arith.constant 9608 : i32
      %dma_start3A_128 = arith.constant 0 : i32
      %dma_start3A_129 = tpu.memref_slice %arg12[%dma_start3A_127, %dma_start3A_128] : memref<10000x128xf32, #tpu.memory_space<vmem_shared>> -> memref<32x128xf32, #tpu.memory_space<vmem_shared>>
      %dma_start3A_130 = arith.constant 9608 : i32
      %dma_start3A_131 = arith.constant 0 : i32
      %dma_start3A_132 = tpu.memref_slice %arg12[%dma_start3A_130, %dma_start3A_131] : memref<10000x128xf32, #tpu.memory_space<vmem_shared>> -> memref<32x128xf32, #tpu.memory_space<vmem_shared>>
      tpu.enqueue_dma source(%arg7 : memref<32x128xf32, #tpu.memory_space<vmem>>) target(%dma_start3A_132 : memref<32x128xf32, #tpu.memory_space<vmem_shared>>) target_semaphore(%arg22 : memref<!tpu.dma_semaphore, #tpu.memory_space<semaphore_mem>>)
      %dma_start3A_133 = arith.constant 9640 : i32
      %dma_start3A_134 = arith.constant 0 : i32
      %dma_start3A_135 = tpu.memref_slice %arg12[%dma_start3A_133, %dma_start3A_134] : memref<10000x128xf32, #tpu.memory_space<vmem_shared>> -> memref<32x128xf32, #tpu.memory_space<vmem_shared>>
      %dma_start3A_136 = arith.constant 9640 : i32
      %dma_start3A_137 = arith.constant 0 : i32
      %dma_start3A_138 = tpu.memref_slice %arg12[%dma_start3A_136, %dma_start3A_137] : memref<10000x128xf32, #tpu.memory_space<vmem_shared>> -> memref<32x128xf32, #tpu.memory_space<vmem_shared>>
      tpu.enqueue_dma source(%arg7 : memref<32x128xf32, #tpu.memory_space<vmem>>) target(%dma_start3A_138 : memref<32x128xf32, #tpu.memory_space<vmem_shared>>) target_semaphore(%arg22 : memref<!tpu.dma_semaphore, #tpu.memory_space<semaphore_mem>>)
      %dma_start3A_139 = arith.constant 9672 : i32
      %dma_start3A_140 = arith.constant 0 : i32
      %dma_start3A_141 = tpu.memref_slice %arg12[%dma_start3A_139, %dma_start3A_140] : memref<10000x128xf32, #tpu.memory_space<vmem_shared>> -> memref<32x128xf32, #tpu.memory_space<vmem_shared>>
      %dma_start3A_142 = arith.constant 9672 : i32
      %dma_start3A_143 = arith.constant 0 : i32
      %dma_start3A_144 = tpu.memref_slice %arg12[%dma_start3A_142, %dma_start3A_143] : memref<10000x128xf32, #tpu.memory_space<vmem_shared>> -> memref<32x128xf32, #tpu.memory_space<vmem_shared>>
      tpu.enqueue_dma source(%arg7 : memref<32x128xf32, #tpu.memory_space<vmem>>) target(%dma_start3A_144 : memref<32x128xf32, #tpu.memory_space<vmem_shared>>) target_semaphore(%arg22 : memref<!tpu.dma_semaphore, #tpu.memory_space<semaphore_mem>>)
      %dma_start3A_145 = arith.constant 9704 : i32
      %dma_start3A_146 = arith.constant 0 : i32
      %dma_start3A_147 = tpu.memref_slice %arg12[%dma_start3A_145, %dma_start3A_146] : memref<10000x128xf32, #tpu.memory_space<vmem_shared>> -> memref<32x128xf32, #tpu.memory_space<vmem_shared>>
      %dma_start3A_148 = arith.constant 9704 : i32
      %dma_start3A_149 = arith.constant 0 : i32
      %dma_start3A_150 = tpu.memref_slice %arg12[%dma_start3A_148, %dma_start3A_149] : memref<10000x128xf32, #tpu.memory_space<vmem_shared>> -> memref<32x128xf32, #tpu.memory_space<vmem_shared>>
      tpu.enqueue_dma source(%arg7 : memref<32x128xf32, #tpu.memory_space<vmem>>) target(%dma_start3A_150 : memref<32x128xf32, #tpu.memory_space<vmem_shared>>) target_semaphore(%arg22 : memref<!tpu.dma_semaphore, #tpu.memory_space<semaphore_mem>>)
      %dma_start3A_151 = arith.constant 9736 : i32
      %dma_start3A_152 = arith.constant 0 : i32
      %dma_start3A_153 = tpu.memref_slice %arg12[%dma_start3A_151, %dma_start3A_152] : memref<10000x128xf32, #tpu.memory_space<vmem_shared>> -> memref<32x128xf32, #tpu.memory_space<vmem_shared>>
      %dma_start3A_154 = arith.constant 9736 : i32
      %dma_start3A_155 = arith.constant 0 : i32
      %dma_start3A_156 = tpu.memref_slice %arg12[%dma_start3A_154, %dma_start3A_155] : memref<10000x128xf32, #tpu.memory_space<vmem_shared>> -> memref<32x128xf32, #tpu.memory_space<vmem_shared>>
      tpu.enqueue_dma source(%arg7 : memref<32x128xf32, #tpu.memory_space<vmem>>) target(%dma_start3A_156 : memref<32x128xf32, #tpu.memory_space<vmem_shared>>) target_semaphore(%arg22 : memref<!tpu.dma_semaphore, #tpu.memory_space<semaphore_mem>>)
      %dma_start3A_157 = arith.constant 9768 : i32
      %dma_start3A_158 = arith.constant 0 : i32
      %dma_start3A_159 = tpu.memref_slice %arg12[%dma_start3A_157, %dma_start3A_158] : memref<10000x128xf32, #tpu.memory_space<vmem_shared>> -> memref<32x128xf32, #tpu.memory_space<vmem_shared>>
      %dma_start3A_160 = arith.constant 9768 : i32
      %dma_start3A_161 = arith.constant 0 : i32
      %dma_start3A_162 = tpu.memref_slice %arg12[%dma_start3A_160, %dma_start3A_161] : memref<10000x128xf32, #tpu.memory_space<vmem_shared>> -> memref<32x128xf32, #tpu.memory_space<vmem_shared>>
      tpu.enqueue_dma source(%arg7 : memref<32x128xf32, #tpu.memory_space<vmem>>) target(%dma_start3A_162 : memref<32x128xf32, #tpu.memory_space<vmem_shared>>) target_semaphore(%arg22 : memref<!tpu.dma_semaphore, #tpu.memory_space<semaphore_mem>>)
      %dma_start3A_163 = arith.constant 9800 : i32
      %dma_start3A_164 = arith.constant 0 : i32
      %dma_start3A_165 = tpu.memref_slice %arg12[%dma_start3A_163, %dma_start3A_164] : memref<10000x128xf32, #tpu.memory_space<vmem_shared>> -> memref<32x128xf32, #tpu.memory_space<vmem_shared>>
      %dma_start3A_166 = arith.constant 9800 : i32
      %dma_start3A_167 = arith.constant 0 : i32
      %dma_start3A_168 = tpu.memref_slice %arg12[%dma_start3A_166, %dma_start3A_167] : memref<10000x128xf32, #tpu.memory_space<vmem_shared>> -> memref<32x128xf32, #tpu.memory_space<vmem_shared>>
      tpu.enqueue_dma source(%arg7 : memref<32x128xf32, #tpu.memory_space<vmem>>) target(%dma_start3A_168 : memref<32x128xf32, #tpu.memory_space<vmem_shared>>) target_semaphore(%arg22 : memref<!tpu.dma_semaphore, #tpu.memory_space<semaphore_mem>>)
      %dma_start3A_169 = arith.constant 9832 : i32
      %dma_start3A_170 = arith.constant 0 : i32
      %dma_start3A_171 = tpu.memref_slice %arg12[%dma_start3A_169, %dma_start3A_170] : memref<10000x128xf32, #tpu.memory_space<vmem_shared>> -> memref<32x128xf32, #tpu.memory_space<vmem_shared>>
      %dma_start3A_172 = arith.constant 9832 : i32
      %dma_start3A_173 = arith.constant 0 : i32
      %dma_start3A_174 = tpu.memref_slice %arg12[%dma_start3A_172, %dma_start3A_173] : memref<10000x128xf32, #tpu.memory_space<vmem_shared>> -> memref<32x128xf32, #tpu.memory_space<vmem_shared>>
      tpu.enqueue_dma source(%arg7 : memref<32x128xf32, #tpu.memory_space<vmem>>) target(%dma_start3A_174 : memref<32x128xf32, #tpu.memory_space<vmem_shared>>) target_semaphore(%arg22 : memref<!tpu.dma_semaphore, #tpu.memory_space<semaphore_mem>>)
      %dma_start3A_175 = arith.constant 9864 : i32
      %dma_start3A_176 = arith.constant 0 : i32
      %dma_start3A_177 = tpu.memref_slice %arg12[%dma_start3A_175, %dma_start3A_176] : memref<10000x128xf32, #tpu.memory_space<vmem_shared>> -> memref<32x128xf32, #tpu.memory_space<vmem_shared>>
      %dma_start3A_178 = arith.constant 9864 : i32
      %dma_start3A_179 = arith.constant 0 : i32
      %dma_start3A_180 = tpu.memref_slice %arg12[%dma_start3A_178, %dma_start3A_179] : memref<10000x128xf32, #tpu.memory_space<vmem_shared>> -> memref<32x128xf32, #tpu.memory_space<vmem_shared>>
      tpu.enqueue_dma source(%arg7 : memref<32x128xf32, #tpu.memory_space<vmem>>) target(%dma_start3A_180 : memref<32x128xf32, #tpu.memory_space<vmem_shared>>) target_semaphore(%arg22 : memref<!tpu.dma_semaphore, #tpu.memory_space<semaphore_mem>>)
      %dma_start3A_181 = arith.constant 9896 : i32
      %dma_start3A_182 = arith.constant 0 : i32
      %dma_start3A_183 = tpu.memref_slice %arg12[%dma_start3A_181, %dma_start3A_182] : memref<10000x128xf32, #tpu.memory_space<vmem_shared>> -> memref<32x128xf32, #tpu.memory_space<vmem_shared>>
      %dma_start3A_184 = arith.constant 9896 : i32
      %dma_start3A_185 = arith.constant 0 : i32
      %dma_start3A_186 = tpu.memref_slice %arg12[%dma_start3A_184, %dma_start3A_185] : memref<10000x128xf32, #tpu.memory_space<vmem_shared>> -> memref<32x128xf32, #tpu.memory_space<vmem_shared>>
      tpu.enqueue_dma source(%arg7 : memref<32x128xf32, #tpu.memory_space<vmem>>) target(%dma_start3A_186 : memref<32x128xf32, #tpu.memory_space<vmem_shared>>) target_semaphore(%arg22 : memref<!tpu.dma_semaphore, #tpu.memory_space<semaphore_mem>>)
      %dma_start3A_187 = arith.constant 9928 : i32
      %dma_start3A_188 = arith.constant 0 : i32
      %dma_start3A_189 = tpu.memref_slice %arg12[%dma_start3A_187, %dma_start3A_188] : memref<10000x128xf32, #tpu.memory_space<vmem_shared>> -> memref<32x128xf32, #tpu.memory_space<vmem_shared>>
      %dma_start3A_190 = arith.constant 9928 : i32
      %dma_start3A_191 = arith.constant 0 : i32
      %dma_start3A_192 = tpu.memref_slice %arg12[%dma_start3A_190, %dma_start3A_191] : memref<10000x128xf32, #tpu.memory_space<vmem_shared>> -> memref<32x128xf32, #tpu.memory_space<vmem_shared>>
      tpu.enqueue_dma source(%arg7 : memref<32x128xf32, #tpu.memory_space<vmem>>) target(%dma_start3A_192 : memref<32x128xf32, #tpu.memory_space<vmem_shared>>) target_semaphore(%arg22 : memref<!tpu.dma_semaphore, #tpu.memory_space<semaphore_mem>>)
      %dma_start3A_193 = arith.constant 9960 : i32
      %dma_start3A_194 = arith.constant 0 : i32
      %dma_start3A_195 = tpu.memref_slice %arg12[%dma_start3A_193, %dma_start3A_194] : memref<10000x128xf32, #tpu.memory_space<vmem_shared>> -> memref<32x128xf32, #tpu.memory_space<vmem_shared>>
      %dma_start3A_196 = arith.constant 9960 : i32
      %dma_start3A_197 = arith.constant 0 : i32
      %dma_start3A_198 = tpu.memref_slice %arg12[%dma_start3A_196, %dma_start3A_197] : memref<10000x128xf32, #tpu.memory_space<vmem_shared>> -> memref<32x128xf32, #tpu.memory_space<vmem_shared>>
      tpu.enqueue_dma source(%arg7 : memref<32x128xf32, #tpu.memory_space<vmem>>) target(%dma_start3A_198 : memref<32x128xf32, #tpu.memory_space<vmem_shared>>) target_semaphore(%arg22 : memref<!tpu.dma_semaphore, #tpu.memory_space<semaphore_mem>>)
      %dma_start3A_199 = arith.constant 0 : i32
      %dma_start3A_200 = arith.constant 0 : i32
      %dma_start3A_201 = tpu.memref_slice %arg7[%dma_start3A_199, %dma_start3A_200] : memref<32x128xf32, #tpu.memory_space<vmem>> -> memref<8x128xf32, #tpu.memory_space<vmem>>
      %dma_start3A_202 = arith.constant 9992 : i32
      %dma_start3A_203 = arith.constant 0 : i32
      %dma_start3A_204 = tpu.memref_slice %arg12[%dma_start3A_202, %dma_start3A_203] : memref<10000x128xf32, #tpu.memory_space<vmem_shared>> -> memref<8x128xf32, #tpu.memory_space<vmem_shared>>
      %dma_start3A_205 = arith.constant 9992 : i32
      %dma_start3A_206 = arith.constant 0 : i32
      %dma_start3A_207 = tpu.memref_slice %arg12[%dma_start3A_205, %dma_start3A_206] : memref<10000x128xf32, #tpu.memory_space<vmem_shared>> -> memref<8x128xf32, #tpu.memory_space<vmem_shared>>
      %dma_start3A_208 = arith.constant 0 : i32
      %dma_start3A_209 = arith.constant 0 : i32
      %dma_start3A_210 = tpu.memref_slice %arg7[%dma_start3A_208, %dma_start3A_209] : memref<32x128xf32, #tpu.memory_space<vmem>> -> memref<8x128xf32, #tpu.memory_space<vmem>>
      tpu.enqueue_dma source(%dma_start3A_210 : memref<8x128xf32, #tpu.memory_space<vmem>>) target(%dma_start3A_207 : memref<8x128xf32, #tpu.memory_space<vmem_shared>>) target_semaphore(%arg22 : memref<!tpu.dma_semaphore, #tpu.memory_space<semaphore_mem>>)
      %dma_wait3A_211 = arith.constant 9480 : i32
      %dma_wait3A_212 = arith.constant 0 : i32
      %dma_wait3A_213 = tpu.memref_slice %arg12[%dma_wait3A_211, %dma_wait3A_212] : memref<10000x128xf32, #tpu.memory_space<vmem_shared>> -> memref<32x128xf32, #tpu.memory_space<vmem_shared>>
      %dma_wait3A_214 = arith.constant 9480 : i32
      %dma_wait3A_215 = arith.constant 0 : i32
      %dma_wait3A_216 = tpu.memref_slice %arg12[%dma_wait3A_214, %dma_wait3A_215] : memref<10000x128xf32, #tpu.memory_space<vmem_shared>> -> memref<32x128xf32, #tpu.memory_space<vmem_shared>>
      tpu.wait_dma2 semaphore(%arg22 : memref<!tpu.dma_semaphore, #tpu.memory_space<semaphore_mem>>) src(%arg7 : memref<32x128xf32, #tpu.memory_space<vmem>>) dst(%dma_wait3A_216 : memref<32x128xf32, #tpu.memory_space<vmem_shared>>)
      %dma_wait3A_217 = arith.constant 9512 : i32
      %dma_wait3A_218 = arith.constant 0 : i32
      %dma_wait3A_219 = tpu.memref_slice %arg12[%dma_wait3A_217, %dma_wait3A_218] : memref<10000x128xf32, #tpu.memory_space<vmem_shared>> -> memref<32x128xf32, #tpu.memory_space<vmem_shared>>
      %dma_wait3A_220 = arith.constant 9512 : i32
      %dma_wait3A_221 = arith.constant 0 : i32
      %dma_wait3A_222 = tpu.memref_slice %arg12[%dma_wait3A_220, %dma_wait3A_221] : memref<10000x128xf32, #tpu.memory_space<vmem_shared>> -> memref<32x128xf32, #tpu.memory_space<vmem_shared>>
      tpu.wait_dma2 semaphore(%arg22 : memref<!tpu.dma_semaphore, #tpu.memory_space<semaphore_mem>>) src(%arg7 : memref<32x128xf32, #tpu.memory_space<vmem>>) dst(%dma_wait3A_222 : memref<32x128xf32, #tpu.memory_space<vmem_shared>>)
      %dma_wait3A_223 = arith.constant 9544 : i32
      %dma_wait3A_224 = arith.constant 0 : i32
      %dma_wait3A_225 = tpu.memref_slice %arg12[%dma_wait3A_223, %dma_wait3A_224] : memref<10000x128xf32, #tpu.memory_space<vmem_shared>> -> memref<32x128xf32, #tpu.memory_space<vmem_shared>>
      %dma_wait3A_226 = arith.constant 9544 : i32
      %dma_wait3A_227 = arith.constant 0 : i32
      %dma_wait3A_228 = tpu.memref_slice %arg12[%dma_wait3A_226, %dma_wait3A_227] : memref<10000x128xf32, #tpu.memory_space<vmem_shared>> -> memref<32x128xf32, #tpu.memory_space<vmem_shared>>
      tpu.wait_dma2 semaphore(%arg22 : memref<!tpu.dma_semaphore, #tpu.memory_space<semaphore_mem>>) src(%arg7 : memref<32x128xf32, #tpu.memory_space<vmem>>) dst(%dma_wait3A_228 : memref<32x128xf32, #tpu.memory_space<vmem_shared>>)
      %dma_wait3A_229 = arith.constant 9576 : i32
      %dma_wait3A_230 = arith.constant 0 : i32
      %dma_wait3A_231 = tpu.memref_slice %arg12[%dma_wait3A_229, %dma_wait3A_230] : memref<10000x128xf32, #tpu.memory_space<vmem_shared>> -> memref<32x128xf32, #tpu.memory_space<vmem_shared>>
      %dma_wait3A_232 = arith.constant 9576 : i32
      %dma_wait3A_233 = arith.constant 0 : i32
      %dma_wait3A_234 = tpu.memref_slice %arg12[%dma_wait3A_232, %dma_wait3A_233] : memref<10000x128xf32, #tpu.memory_space<vmem_shared>> -> memref<32x128xf32, #tpu.memory_space<vmem_shared>>
      tpu.wait_dma2 semaphore(%arg22 : memref<!tpu.dma_semaphore, #tpu.memory_space<semaphore_mem>>) src(%arg7 : memref<32x128xf32, #tpu.memory_space<vmem>>) dst(%dma_wait3A_234 : memref<32x128xf32, #tpu.memory_space<vmem_shared>>)
      %dma_wait3A_235 = arith.constant 9608 : i32
      %dma_wait3A_236 = arith.constant 0 : i32
      %dma_wait3A_237 = tpu.memref_slice %arg12[%dma_wait3A_235, %dma_wait3A_236] : memref<10000x128xf32, #tpu.memory_space<vmem_shared>> -> memref<32x128xf32, #tpu.memory_space<vmem_shared>>
      %dma_wait3A_238 = arith.constant 9608 : i32
      %dma_wait3A_239 = arith.constant 0 : i32
      %dma_wait3A_240 = tpu.memref_slice %arg12[%dma_wait3A_238, %dma_wait3A_239] : memref<10000x128xf32, #tpu.memory_space<vmem_shared>> -> memref<32x128xf32, #tpu.memory_space<vmem_shared>>
      tpu.wait_dma2 semaphore(%arg22 : memref<!tpu.dma_semaphore, #tpu.memory_space<semaphore_mem>>) src(%arg7 : memref<32x128xf32, #tpu.memory_space<vmem>>) dst(%dma_wait3A_240 : memref<32x128xf32, #tpu.memory_space<vmem_shared>>)
      %dma_wait3A_241 = arith.constant 9640 : i32
      %dma_wait3A_242 = arith.constant 0 : i32
      %dma_wait3A_243 = tpu.memref_slice %arg12[%dma_wait3A_241, %dma_wait3A_242] : memref<10000x128xf32, #tpu.memory_space<vmem_shared>> -> memref<32x128xf32, #tpu.memory_space<vmem_shared>>
      %dma_wait3A_244 = arith.constant 9640 : i32
      %dma_wait3A_245 = arith.constant 0 : i32
      %dma_wait3A_246 = tpu.memref_slice %arg12[%dma_wait3A_244, %dma_wait3A_245] : memref<10000x128xf32, #tpu.memory_space<vmem_shared>> -> memref<32x128xf32, #tpu.memory_space<vmem_shared>>
      tpu.wait_dma2 semaphore(%arg22 : memref<!tpu.dma_semaphore, #tpu.memory_space<semaphore_mem>>) src(%arg7 : memref<32x128xf32, #tpu.memory_space<vmem>>) dst(%dma_wait3A_246 : memref<32x128xf32, #tpu.memory_space<vmem_shared>>)
      %dma_wait3A_247 = arith.constant 9672 : i32
      %dma_wait3A_248 = arith.constant 0 : i32
      %dma_wait3A_249 = tpu.memref_slice %arg12[%dma_wait3A_247, %dma_wait3A_248] : memref<10000x128xf32, #tpu.memory_space<vmem_shared>> -> memref<32x128xf32, #tpu.memory_space<vmem_shared>>
      %dma_wait3A_250 = arith.constant 9672 : i32
      %dma_wait3A_251 = arith.constant 0 : i32
      %dma_wait3A_252 = tpu.memref_slice %arg12[%dma_wait3A_250, %dma_wait3A_251] : memref<10000x128xf32, #tpu.memory_space<vmem_shared>> -> memref<32x128xf32, #tpu.memory_space<vmem_shared>>
      tpu.wait_dma2 semaphore(%arg22 : memref<!tpu.dma_semaphore, #tpu.memory_space<semaphore_mem>>) src(%arg7 : memref<32x128xf32, #tpu.memory_space<vmem>>) dst(%dma_wait3A_252 : memref<32x128xf32, #tpu.memory_space<vmem_shared>>)
      %dma_wait3A_253 = arith.constant 9704 : i32
      %dma_wait3A_254 = arith.constant 0 : i32
      %dma_wait3A_255 = tpu.memref_slice %arg12[%dma_wait3A_253, %dma_wait3A_254] : memref<10000x128xf32, #tpu.memory_space<vmem_shared>> -> memref<32x128xf32, #tpu.memory_space<vmem_shared>>
      %dma_wait3A_256 = arith.constant 9704 : i32
      %dma_wait3A_257 = arith.constant 0 : i32
      %dma_wait3A_258 = tpu.memref_slice %arg12[%dma_wait3A_256, %dma_wait3A_257] : memref<10000x128xf32, #tpu.memory_space<vmem_shared>> -> memref<32x128xf32, #tpu.memory_space<vmem_shared>>
      tpu.wait_dma2 semaphore(%arg22 : memref<!tpu.dma_semaphore, #tpu.memory_space<semaphore_mem>>) src(%arg7 : memref<32x128xf32, #tpu.memory_space<vmem>>) dst(%dma_wait3A_258 : memref<32x128xf32, #tpu.memory_space<vmem_shared>>)
      %dma_wait3A_259 = arith.constant 9736 : i32
      %dma_wait3A_260 = arith.constant 0 : i32
      %dma_wait3A_261 = tpu.memref_slice %arg12[%dma_wait3A_259, %dma_wait3A_260] : memref<10000x128xf32, #tpu.memory_space<vmem_shared>> -> memref<32x128xf32, #tpu.memory_space<vmem_shared>>
      %dma_wait3A_262 = arith.constant 9736 : i32
      %dma_wait3A_263 = arith.constant 0 : i32
      %dma_wait3A_264 = tpu.memref_slice %arg12[%dma_wait3A_262, %dma_wait3A_263] : memref<10000x128xf32, #tpu.memory_space<vmem_shared>> -> memref<32x128xf32, #tpu.memory_space<vmem_shared>>
      tpu.wait_dma2 semaphore(%arg22 : memref<!tpu.dma_semaphore, #tpu.memory_space<semaphore_mem>>) src(%arg7 : memref<32x128xf32, #tpu.memory_space<vmem>>) dst(%dma_wait3A_264 : memref<32x128xf32, #tpu.memory_space<vmem_shared>>)
      %dma_wait3A_265 = arith.constant 9768 : i32
      %dma_wait3A_266 = arith.constant 0 : i32
      %dma_wait3A_267 = tpu.memref_slice %arg12[%dma_wait3A_265, %dma_wait3A_266] : memref<10000x128xf32, #tpu.memory_space<vmem_shared>> -> memref<32x128xf32, #tpu.memory_space<vmem_shared>>
      %dma_wait3A_268 = arith.constant 9768 : i32
      %dma_wait3A_269 = arith.constant 0 : i32
      %dma_wait3A_270 = tpu.memref_slice %arg12[%dma_wait3A_268, %dma_wait3A_269] : memref<10000x128xf32, #tpu.memory_space<vmem_shared>> -> memref<32x128xf32, #tpu.memory_space<vmem_shared>>
      tpu.wait_dma2 semaphore(%arg22 : memref<!tpu.dma_semaphore, #tpu.memory_space<semaphore_mem>>) src(%arg7 : memref<32x128xf32, #tpu.memory_space<vmem>>) dst(%dma_wait3A_270 : memref<32x128xf32, #tpu.memory_space<vmem_shared>>)
      %dma_wait3A_271 = arith.constant 9800 : i32
      %dma_wait3A_272 = arith.constant 0 : i32
      %dma_wait3A_273 = tpu.memref_slice %arg12[%dma_wait3A_271, %dma_wait3A_272] : memref<10000x128xf32, #tpu.memory_space<vmem_shared>> -> memref<32x128xf32, #tpu.memory_space<vmem_shared>>
      %dma_wait3A_274 = arith.constant 9800 : i32
      %dma_wait3A_275 = arith.constant 0 : i32
      %dma_wait3A_276 = tpu.memref_slice %arg12[%dma_wait3A_274, %dma_wait3A_275] : memref<10000x128xf32, #tpu.memory_space<vmem_shared>> -> memref<32x128xf32, #tpu.memory_space<vmem_shared>>
      tpu.wait_dma2 semaphore(%arg22 : memref<!tpu.dma_semaphore, #tpu.memory_space<semaphore_mem>>) src(%arg7 : memref<32x128xf32, #tpu.memory_space<vmem>>) dst(%dma_wait3A_276 : memref<32x128xf32, #tpu.memory_space<vmem_shared>>)
      %dma_wait3A_277 = arith.constant 9832 : i32
      %dma_wait3A_278 = arith.constant 0 : i32
      %dma_wait3A_279 = tpu.memref_slice %arg12[%dma_wait3A_277, %dma_wait3A_278] : memref<10000x128xf32, #tpu.memory_space<vmem_shared>> -> memref<32x128xf32, #tpu.memory_space<vmem_shared>>
      %dma_wait3A_280 = arith.constant 9832 : i32
      %dma_wait3A_281 = arith.constant 0 : i32
      %dma_wait3A_282 = tpu.memref_slice %arg12[%dma_wait3A_280, %dma_wait3A_281] : memref<10000x128xf32, #tpu.memory_space<vmem_shared>> -> memref<32x128xf32, #tpu.memory_space<vmem_shared>>
      tpu.wait_dma2 semaphore(%arg22 : memref<!tpu.dma_semaphore, #tpu.memory_space<semaphore_mem>>) src(%arg7 : memref<32x128xf32, #tpu.memory_space<vmem>>) dst(%dma_wait3A_282 : memref<32x128xf32, #tpu.memory_space<vmem_shared>>)
      %dma_wait3A_283 = arith.constant 9864 : i32
      %dma_wait3A_284 = arith.constant 0 : i32
      %dma_wait3A_285 = tpu.memref_slice %arg12[%dma_wait3A_283, %dma_wait3A_284] : memref<10000x128xf32, #tpu.memory_space<vmem_shared>> -> memref<32x128xf32, #tpu.memory_space<vmem_shared>>
      %dma_wait3A_286 = arith.constant 9864 : i32
      %dma_wait3A_287 = arith.constant 0 : i32
      %dma_wait3A_288 = tpu.memref_slice %arg12[%dma_wait3A_286, %dma_wait3A_287] : memref<10000x128xf32, #tpu.memory_space<vmem_shared>> -> memref<32x128xf32, #tpu.memory_space<vmem_shared>>
      tpu.wait_dma2 semaphore(%arg22 : memref<!tpu.dma_semaphore, #tpu.memory_space<semaphore_mem>>) src(%arg7 : memref<32x128xf32, #tpu.memory_space<vmem>>) dst(%dma_wait3A_288 : memref<32x128xf32, #tpu.memory_space<vmem_shared>>)
      %dma_wait3A_289 = arith.constant 9896 : i32
      %dma_wait3A_290 = arith.constant 0 : i32
      %dma_wait3A_291 = tpu.memref_slice %arg12[%dma_wait3A_289, %dma_wait3A_290] : memref<10000x128xf32, #tpu.memory_space<vmem_shared>> -> memref<32x128xf32, #tpu.memory_space<vmem_shared>>
      %dma_wait3A_292 = arith.constant 9896 : i32
      %dma_wait3A_293 = arith.constant 0 : i32
      %dma_wait3A_294 = tpu.memref_slice %arg12[%dma_wait3A_292, %dma_wait3A_293] : memref<10000x128xf32, #tpu.memory_space<vmem_shared>> -> memref<32x128xf32, #tpu.memory_space<vmem_shared>>
      tpu.wait_dma2 semaphore(%arg22 : memref<!tpu.dma_semaphore, #tpu.memory_space<semaphore_mem>>) src(%arg7 : memref<32x128xf32, #tpu.memory_space<vmem>>) dst(%dma_wait3A_294 : memref<32x128xf32, #tpu.memory_space<vmem_shared>>)
      %dma_wait3A_295 = arith.constant 9928 : i32
      %dma_wait3A_296 = arith.constant 0 : i32
      %dma_wait3A_297 = tpu.memref_slice %arg12[%dma_wait3A_295, %dma_wait3A_296] : memref<10000x128xf32, #tpu.memory_space<vmem_shared>> -> memref<32x128xf32, #tpu.memory_space<vmem_shared>>
      %dma_wait3A_298 = arith.constant 9928 : i32
      %dma_wait3A_299 = arith.constant 0 : i32
      %dma_wait3A_300 = tpu.memref_slice %arg12[%dma_wait3A_298, %dma_wait3A_299] : memref<10000x128xf32, #tpu.memory_space<vmem_shared>> -> memref<32x128xf32, #tpu.memory_space<vmem_shared>>
      tpu.wait_dma2 semaphore(%arg22 : memref<!tpu.dma_semaphore, #tpu.memory_space<semaphore_mem>>) src(%arg7 : memref<32x128xf32, #tpu.memory_space<vmem>>) dst(%dma_wait3A_300 : memref<32x128xf32, #tpu.memory_space<vmem_shared>>)
      %dma_wait3A_301 = arith.constant 9960 : i32
      %dma_wait3A_302 = arith.constant 0 : i32
      %dma_wait3A_303 = tpu.memref_slice %arg12[%dma_wait3A_301, %dma_wait3A_302] : memref<10000x128xf32, #tpu.memory_space<vmem_shared>> -> memref<32x128xf32, #tpu.memory_space<vmem_shared>>
      %dma_wait3A_304 = arith.constant 9960 : i32
      %dma_wait3A_305 = arith.constant 0 : i32
      %dma_wait3A_306 = tpu.memref_slice %arg12[%dma_wait3A_304, %dma_wait3A_305] : memref<10000x128xf32, #tpu.memory_space<vmem_shared>> -> memref<32x128xf32, #tpu.memory_space<vmem_shared>>
      tpu.wait_dma2 semaphore(%arg22 : memref<!tpu.dma_semaphore, #tpu.memory_space<semaphore_mem>>) src(%arg7 : memref<32x128xf32, #tpu.memory_space<vmem>>) dst(%dma_wait3A_306 : memref<32x128xf32, #tpu.memory_space<vmem_shared>>)
      %dma_wait3A_307 = arith.constant 0 : i32
      %dma_wait3A_308 = arith.constant 0 : i32
      %dma_wait3A_309 = tpu.memref_slice %arg7[%dma_wait3A_307, %dma_wait3A_308] : memref<32x128xf32, #tpu.memory_space<vmem>> -> memref<8x128xf32, #tpu.memory_space<vmem>>
      %dma_wait3A_310 = arith.constant 9992 : i32
      %dma_wait3A_311 = arith.constant 0 : i32
      %dma_wait3A_312 = tpu.memref_slice %arg12[%dma_wait3A_310, %dma_wait3A_311] : memref<10000x128xf32, #tpu.memory_space<vmem_shared>> -> memref<8x128xf32, #tpu.memory_space<vmem_shared>>
      %dma_wait3A_313 = arith.constant 9992 : i32
      %dma_wait3A_314 = arith.constant 0 : i32
      %dma_wait3A_315 = tpu.memref_slice %arg12[%dma_wait3A_313, %dma_wait3A_314] : memref<10000x128xf32, #tpu.memory_space<vmem_shared>> -> memref<8x128xf32, #tpu.memory_space<vmem_shared>>
      %dma_wait3A_316 = arith.constant 0 : i32
      %dma_wait3A_317 = arith.constant 0 : i32
      %dma_wait3A_318 = tpu.memref_slice %arg7[%dma_wait3A_316, %dma_wait3A_317] : memref<32x128xf32, #tpu.memory_space<vmem>> -> memref<8x128xf32, #tpu.memory_space<vmem>>
      tpu.wait_dma2 semaphore(%arg22 : memref<!tpu.dma_semaphore, #tpu.memory_space<semaphore_mem>>) src(%dma_wait3A_318 : memref<8x128xf32, #tpu.memory_space<vmem>>) dst(%dma_wait3A_315 : memref<8x128xf32, #tpu.memory_space<vmem_shared>>)
    } else {
    }
    %barrier3A = arith.constant 0 : index
    tpu.barrier barrier_id(%barrier3A)
    %scan3A_44 = arith.constant 0 : i32
    %scan3A_45 = arith.constant 0 : i32
    %scan3A_46 = arith.constant 10 : i32
    %scan3A_47 = arith.addi %scan3A_45, %scan3A_46 : i32
    %scan3A_48 = arith.constant 1 : i32
    scf.for %scan3A_103 = %scan3A_45 to %scan3A_47 step %scan3A_48  : i32 {
      %mul3A_104 = arith.constant 4 : i32
      %mul3A_105 = arith.muli %scan3A_103, %mul3A_104 : i32
      %add3A_106 = arith.constant 0 : i32
      %add3A_107 = arith.addi %mul3A_105, %add3A_106 : i32
      %dma_wait3A_108 = arith.constant 0 : i32
      %dma_wait3A_109 = tpu.memref_slice %arg5[%add3A_107, %dma_wait3A_108] : memref<40x64xi32, #tpu.memory_space<vmem>> -> memref<1x64xi32, #tpu.memory_space<vmem>>
      %dma_wait3A_110 = tpu.memref_squeeze %dma_wait3A_109 : memref<1x64xi32, #tpu.memory_space<vmem>> -> memref<64xi32, #tpu.memory_space<vmem>>
      %dma_wait3A_111 = arith.constant 0 : i32
      %dma_wait3A_112 = arith.constant 0 : i32
      %dma_wait3A_113 = tpu.memref_slice %arg3[%dma_wait3A_111, %dma_wait3A_112] : memref<10000x128xf32, #tpu.memory_space<hbm>> -> memref<10000x128xf32, #tpu.memory_space<hbm>>
      tpu.wait_indirect_dma semaphore(%arg13 : memref<!tpu.dma_semaphore, #tpu.memory_space<semaphore_mem>>) src(%dma_wait3A_113 : memref<10000x128xf32, #tpu.memory_space<hbm>>) dst(%arg8 : memref<64x128xf32, #tpu.memory_space<vmem>>)
      %dma_start3A_114 = arith.constant 0 : i32
      %dma_start3A_115 = tpu.memref_slice %arg6[%add3A_107, %dma_start3A_114] : memref<40x64xi32, #tpu.memory_space<vmem>> -> memref<1x64xi32, #tpu.memory_space<vmem>>
      %dma_start3A_116 = tpu.memref_squeeze %dma_start3A_115 : memref<1x64xi32, #tpu.memory_space<vmem>> -> memref<64xi32, #tpu.memory_space<vmem>>
      %dma_start3A_117 = arith.constant 0 : i32
      %dma_start3A_118 = arith.constant 0 : i32
      %dma_start3A_119 = tpu.memref_slice %arg12[%dma_start3A_117, %dma_start3A_118] : memref<10000x128xf32, #tpu.memory_space<vmem_shared>> -> memref<10000x128xf32, #tpu.memory_space<vmem_shared>>
      tpu.enqueue_indirect_dma source(%arg8 : memref<64x128xf32, #tpu.memory_space<vmem>>) target(%dma_start3A_119 : memref<10000x128xf32, #tpu.memory_space<vmem_shared>>) offsets(%dma_start3A_116 : memref<64xi32, #tpu.memory_space<vmem>>) semaphore(%arg17 : memref<!tpu.dma_semaphore, #tpu.memory_space<semaphore_mem>>) {add = true}
      %add3A_120 = arith.constant 4 : i32
      %add3A_121 = arith.addi %add3A_107, %add3A_120 : i32
      %lt3A_122 = arith.constant 40 : i32
      %lt3A_123 = arith.cmpi slt, %add3A_121, %lt3A_122 : i32
      %convert_element_type3A_124 = arith.extui %lt3A_123 : i1 to i32
      %cond3A_125 = arith.constant 0 : i32
      %cond3A_126 = arith.cmpi ne, %convert_element_type3A_124, %cond3A_125 : i32
      scf.if %cond3A_126 {
        %dma_wait3A_196 = arith.constant 0 : i32
        %dma_wait3A_197 = tpu.memref_slice %arg6[%add3A_107, %dma_wait3A_196] : memref<40x64xi32, #tpu.memory_space<vmem>> -> memref<1x64xi32, #tpu.memory_space<vmem>>
        %dma_wait3A_198 = tpu.memref_squeeze %dma_wait3A_197 : memref<1x64xi32, #tpu.memory_space<vmem>> -> memref<64xi32, #tpu.memory_space<vmem>>
        %dma_wait3A_199 = arith.constant 0 : i32
        %dma_wait3A_200 = arith.constant 0 : i32
        %dma_wait3A_201 = tpu.memref_slice %arg12[%dma_wait3A_199, %dma_wait3A_200] : memref<10000x128xf32, #tpu.memory_space<vmem_shared>> -> memref<10000x128xf32, #tpu.memory_space<vmem_shared>>
        tpu.wait_indirect_dma semaphore(%arg17 : memref<!tpu.dma_semaphore, #tpu.memory_space<semaphore_mem>>) src(%arg8 : memref<64x128xf32, #tpu.memory_space<vmem>>) dst(%dma_wait3A_201 : memref<10000x128xf32, #tpu.memory_space<vmem_shared>>)
        %add3A_202 = arith.constant 4 : i32
        %add3A_203 = arith.addi %add3A_107, %add3A_202 : i32
        %dma_start3A_204 = arith.constant 0 : i32
        %dma_start3A_205 = tpu.memref_slice %arg5[%add3A_203, %dma_start3A_204] : memref<40x64xi32, #tpu.memory_space<vmem>> -> memref<1x64xi32, #tpu.memory_space<vmem>>
        %dma_start3A_206 = tpu.memref_squeeze %dma_start3A_205 : memref<1x64xi32, #tpu.memory_space<vmem>> -> memref<64xi32, #tpu.memory_space<vmem>>
        %dma_start3A_207 = arith.constant 0 : i32
        %dma_start3A_208 = arith.constant 0 : i32
        %dma_start3A_209 = tpu.memref_slice %arg3[%dma_start3A_207, %dma_start3A_208] : memref<10000x128xf32, #tpu.memory_space<hbm>> -> memref<10000x128xf32, #tpu.memory_space<hbm>>
        tpu.enqueue_indirect_dma source(%dma_start3A_209 : memref<10000x128xf32, #tpu.memory_space<hbm>>) target(%arg8 : memref<64x128xf32, #tpu.memory_space<vmem>>) offsets(%dma_start3A_206 : memref<64xi32, #tpu.memory_space<vmem>>) semaphore(%arg13 : memref<!tpu.dma_semaphore, #tpu.memory_space<semaphore_mem>>)
      } else {
      }
      %mul3A_127 = arith.constant 4 : i32
      %mul3A_128 = arith.muli %scan3A_103, %mul3A_127 : i32
      %add3A_129 = arith.constant 1 : i32
      %add3A_130 = arith.addi %mul3A_128, %add3A_129 : i32
      %dma_wait3A_131 = arith.constant 0 : i32
      %dma_wait3A_132 = tpu.memref_slice %arg5[%add3A_130, %dma_wait3A_131] : memref<40x64xi32, #tpu.memory_space<vmem>> -> memref<1x64xi32, #tpu.memory_space<vmem>>
      %dma_wait3A_133 = tpu.memref_squeeze %dma_wait3A_132 : memref<1x64xi32, #tpu.memory_space<vmem>> -> memref<64xi32, #tpu.memory_space<vmem>>
      %dma_wait3A_134 = arith.constant 0 : i32
      %dma_wait3A_135 = arith.constant 0 : i32
      %dma_wait3A_136 = tpu.memref_slice %arg3[%dma_wait3A_134, %dma_wait3A_135] : memref<10000x128xf32, #tpu.memory_space<hbm>> -> memref<10000x128xf32, #tpu.memory_space<hbm>>
      tpu.wait_indirect_dma semaphore(%arg14 : memref<!tpu.dma_semaphore, #tpu.memory_space<semaphore_mem>>) src(%dma_wait3A_136 : memref<10000x128xf32, #tpu.memory_space<hbm>>) dst(%arg9 : memref<64x128xf32, #tpu.memory_space<vmem>>)
      %dma_start3A_137 = arith.constant 0 : i32
      %dma_start3A_138 = tpu.memref_slice %arg6[%add3A_130, %dma_start3A_137] : memref<40x64xi32, #tpu.memory_space<vmem>> -> memref<1x64xi32, #tpu.memory_space<vmem>>
      %dma_start3A_139 = tpu.memref_squeeze %dma_start3A_138 : memref<1x64xi32, #tpu.memory_space<vmem>> -> memref<64xi32, #tpu.memory_space<vmem>>
      %dma_start3A_140 = arith.constant 0 : i32
      %dma_start3A_141 = arith.constant 0 : i32
      %dma_start3A_142 = tpu.memref_slice %arg12[%dma_start3A_140, %dma_start3A_141] : memref<10000x128xf32, #tpu.memory_space<vmem_shared>> -> memref<10000x128xf32, #tpu.memory_space<vmem_shared>>
      tpu.enqueue_indirect_dma source(%arg9 : memref<64x128xf32, #tpu.memory_space<vmem>>) target(%dma_start3A_142 : memref<10000x128xf32, #tpu.memory_space<vmem_shared>>) offsets(%dma_start3A_139 : memref<64xi32, #tpu.memory_space<vmem>>) semaphore(%arg18 : memref<!tpu.dma_semaphore, #tpu.memory_space<semaphore_mem>>) {add = true}
      %add3A_143 = arith.constant 4 : i32
      %add3A_144 = arith.addi %add3A_130, %add3A_143 : i32
      %lt3A_145 = arith.constant 40 : i32
      %lt3A_146 = arith.cmpi slt, %add3A_144, %lt3A_145 : i32
      %convert_element_type3A_147 = arith.extui %lt3A_146 : i1 to i32
      %cond3A_148 = arith.constant 0 : i32
      %cond3A_149 = arith.cmpi ne, %convert_element_type3A_147, %cond3A_148 : i32
      scf.if %cond3A_149 {
        %dma_wait3A_196 = arith.constant 0 : i32
        %dma_wait3A_197 = tpu.memref_slice %arg6[%add3A_130, %dma_wait3A_196] : memref<40x64xi32, #tpu.memory_space<vmem>> -> memref<1x64xi32, #tpu.memory_space<vmem>>
        %dma_wait3A_198 = tpu.memref_squeeze %dma_wait3A_197 : memref<1x64xi32, #tpu.memory_space<vmem>> -> memref<64xi32, #tpu.memory_space<vmem>>
        %dma_wait3A_199 = arith.constant 0 : i32
        %dma_wait3A_200 = arith.constant 0 : i32
        %dma_wait3A_201 = tpu.memref_slice %arg12[%dma_wait3A_199, %dma_wait3A_200] : memref<10000x128xf32, #tpu.memory_space<vmem_shared>> -> memref<10000x128xf32, #tpu.memory_space<vmem_shared>>
        tpu.wait_indirect_dma semaphore(%arg18 : memref<!tpu.dma_semaphore, #tpu.memory_space<semaphore_mem>>) src(%arg9 : memref<64x128xf32, #tpu.memory_space<vmem>>) dst(%dma_wait3A_201 : memref<10000x128xf32, #tpu.memory_space<vmem_shared>>)
        %add3A_202 = arith.constant 4 : i32
        %add3A_203 = arith.addi %add3A_130, %add3A_202 : i32
        %dma_start3A_204 = arith.constant 0 : i32
        %dma_start3A_205 = tpu.memref_slice %arg5[%add3A_203, %dma_start3A_204] : memref<40x64xi32, #tpu.memory_space<vmem>> -> memref<1x64xi32, #tpu.memory_space<vmem>>
        %dma_start3A_206 = tpu.memref_squeeze %dma_start3A_205 : memref<1x64xi32, #tpu.memory_space<vmem>> -> memref<64xi32, #tpu.memory_space<vmem>>
        %dma_start3A_207 = arith.constant 0 : i32
        %dma_start3A_208 = arith.constant 0 : i32
        %dma_start3A_209 = tpu.memref_slice %arg3[%dma_start3A_207, %dma_start3A_208] : memref<10000x128xf32, #tpu.memory_space<hbm>> -> memref<10000x128xf32, #tpu.memory_space<hbm>>
        tpu.enqueue_indirect_dma source(%dma_start3A_209 : memref<10000x128xf32, #tpu.memory_space<hbm>>) target(%arg9 : memref<64x128xf32, #tpu.memory_space<vmem>>) offsets(%dma_start3A_206 : memref<64xi32, #tpu.memory_space<vmem>>) semaphore(%arg14 : memref<!tpu.dma_semaphore, #tpu.memory_space<semaphore_mem>>)
      } else {
      }
      %mul3A_150 = arith.constant 4 : i32
      %mul3A_151 = arith.muli %scan3A_103, %mul3A_150 : i32
      %add3A_152 = arith.constant 2 : i32
      %add3A_153 = arith.addi %mul3A_151, %add3A_152 : i32
      %dma_wait3A_154 = arith.constant 0 : i32
      %dma_wait3A_155 = tpu.memref_slice %arg5[%add3A_153, %dma_wait3A_154] : memref<40x64xi32, #tpu.memory_space<vmem>> -> memref<1x64xi32, #tpu.memory_space<vmem>>
      %dma_wait3A_156 = tpu.memref_squeeze %dma_wait3A_155 : memref<1x64xi32, #tpu.memory_space<vmem>> -> memref<64xi32, #tpu.memory_space<vmem>>
      %dma_wait3A_157 = arith.constant 0 : i32
      %dma_wait3A_158 = arith.constant 0 : i32
      %dma_wait3A_159 = tpu.memref_slice %arg3[%dma_wait3A_157, %dma_wait3A_158] : memref<10000x128xf32, #tpu.memory_space<hbm>> -> memref<10000x128xf32, #tpu.memory_space<hbm>>
      tpu.wait_indirect_dma semaphore(%arg15 : memref<!tpu.dma_semaphore, #tpu.memory_space<semaphore_mem>>) src(%dma_wait3A_159 : memref<10000x128xf32, #tpu.memory_space<hbm>>) dst(%arg10 : memref<64x128xf32, #tpu.memory_space<vmem>>)
      %dma_start3A_160 = arith.constant 0 : i32
      %dma_start3A_161 = tpu.memref_slice %arg6[%add3A_153, %dma_start3A_160] : memref<40x64xi32, #tpu.memory_space<vmem>> -> memref<1x64xi32, #tpu.memory_space<vmem>>
      %dma_start3A_162 = tpu.memref_squeeze %dma_start3A_161 : memref<1x64xi32, #tpu.memory_space<vmem>> -> memref<64xi32, #tpu.memory_space<vmem>>
      %dma_start3A_163 = arith.constant 0 : i32
      %dma_start3A_164 = arith.constant 0 : i32
      %dma_start3A_165 = tpu.memref_slice %arg12[%dma_start3A_163, %dma_start3A_164] : memref<10000x128xf32, #tpu.memory_space<vmem_shared>> -> memref<10000x128xf32, #tpu.memory_space<vmem_shared>>
      tpu.enqueue_indirect_dma source(%arg10 : memref<64x128xf32, #tpu.memory_space<vmem>>) target(%dma_start3A_165 : memref<10000x128xf32, #tpu.memory_space<vmem_shared>>) offsets(%dma_start3A_162 : memref<64xi32, #tpu.memory_space<vmem>>) semaphore(%arg19 : memref<!tpu.dma_semaphore, #tpu.memory_space<semaphore_mem>>) {add = true}
      %add3A_166 = arith.constant 4 : i32
      %add3A_167 = arith.addi %add3A_153, %add3A_166 : i32
      %lt3A_168 = arith.constant 40 : i32
      %lt3A_169 = arith.cmpi slt, %add3A_167, %lt3A_168 : i32
      %convert_element_type3A_170 = arith.extui %lt3A_169 : i1 to i32
      %cond3A_171 = arith.constant 0 : i32
      %cond3A_172 = arith.cmpi ne, %convert_element_type3A_170, %cond3A_171 : i32
      scf.if %cond3A_172 {
        %dma_wait3A_196 = arith.constant 0 : i32
        %dma_wait3A_197 = tpu.memref_slice %arg6[%add3A_153, %dma_wait3A_196] : memref<40x64xi32, #tpu.memory_space<vmem>> -> memref<1x64xi32, #tpu.memory_space<vmem>>
        %dma_wait3A_198 = tpu.memref_squeeze %dma_wait3A_197 : memref<1x64xi32, #tpu.memory_space<vmem>> -> memref<64xi32, #tpu.memory_space<vmem>>
        %dma_wait3A_199 = arith.constant 0 : i32
        %dma_wait3A_200 = arith.constant 0 : i32
        %dma_wait3A_201 = tpu.memref_slice %arg12[%dma_wait3A_199, %dma_wait3A_200] : memref<10000x128xf32, #tpu.memory_space<vmem_shared>> -> memref<10000x128xf32, #tpu.memory_space<vmem_shared>>
        tpu.wait_indirect_dma semaphore(%arg19 : memref<!tpu.dma_semaphore, #tpu.memory_space<semaphore_mem>>) src(%arg10 : memref<64x128xf32, #tpu.memory_space<vmem>>) dst(%dma_wait3A_201 : memref<10000x128xf32, #tpu.memory_space<vmem_shared>>)
        %add3A_202 = arith.constant 4 : i32
        %add3A_203 = arith.addi %add3A_153, %add3A_202 : i32
        %dma_start3A_204 = arith.constant 0 : i32
        %dma_start3A_205 = tpu.memref_slice %arg5[%add3A_203, %dma_start3A_204] : memref<40x64xi32, #tpu.memory_space<vmem>> -> memref<1x64xi32, #tpu.memory_space<vmem>>
        %dma_start3A_206 = tpu.memref_squeeze %dma_start3A_205 : memref<1x64xi32, #tpu.memory_space<vmem>> -> memref<64xi32, #tpu.memory_space<vmem>>
        %dma_start3A_207 = arith.constant 0 : i32
        %dma_start3A_208 = arith.constant 0 : i32
        %dma_start3A_209 = tpu.memref_slice %arg3[%dma_start3A_207, %dma_start3A_208] : memref<10000x128xf32, #tpu.memory_space<hbm>> -> memref<10000x128xf32, #tpu.memory_space<hbm>>
        tpu.enqueue_indirect_dma source(%dma_start3A_209 : memref<10000x128xf32, #tpu.memory_space<hbm>>) target(%arg10 : memref<64x128xf32, #tpu.memory_space<vmem>>) offsets(%dma_start3A_206 : memref<64xi32, #tpu.memory_space<vmem>>) semaphore(%arg15 : memref<!tpu.dma_semaphore, #tpu.memory_space<semaphore_mem>>)
      } else {
      }
      %mul3A_173 = arith.constant 4 : i32
      %mul3A_174 = arith.muli %scan3A_103, %mul3A_173 : i32
      %add3A_175 = arith.constant 3 : i32
      %add3A_176 = arith.addi %mul3A_174, %add3A_175 : i32
      %dma_wait3A_177 = arith.constant 0 : i32
      %dma_wait3A_178 = tpu.memref_slice %arg5[%add3A_176, %dma_wait3A_177] : memref<40x64xi32, #tpu.memory_space<vmem>> -> memref<1x64xi32, #tpu.memory_space<vmem>>
      %dma_wait3A_179 = tpu.memref_squeeze %dma_wait3A_178 : memref<1x64xi32, #tpu.memory_space<vmem>> -> memref<64xi32, #tpu.memory_space<vmem>>
      %dma_wait3A_180 = arith.constant 0 : i32
      %dma_wait3A_181 = arith.constant 0 : i32
      %dma_wait3A_182 = tpu.memref_slice %arg3[%dma_wait3A_180, %dma_wait3A_181] : memref<10000x128xf32, #tpu.memory_space<hbm>> -> memref<10000x128xf32, #tpu.memory_space<hbm>>
      tpu.wait_indirect_dma semaphore(%arg16 : memref<!tpu.dma_semaphore, #tpu.memory_space<semaphore_mem>>) src(%dma_wait3A_182 : memref<10000x128xf32, #tpu.memory_space<hbm>>) dst(%arg11 : memref<64x128xf32, #tpu.memory_space<vmem>>)
      %dma_start3A_183 = arith.constant 0 : i32
      %dma_start3A_184 = tpu.memref_slice %arg6[%add3A_176, %dma_start3A_183] : memref<40x64xi32, #tpu.memory_space<vmem>> -> memref<1x64xi32, #tpu.memory_space<vmem>>
      %dma_start3A_185 = tpu.memref_squeeze %dma_start3A_184 : memref<1x64xi32, #tpu.memory_space<vmem>> -> memref<64xi32, #tpu.memory_space<vmem>>
      %dma_start3A_186 = arith.constant 0 : i32
      %dma_start3A_187 = arith.constant 0 : i32
      %dma_start3A_188 = tpu.memref_slice %arg12[%dma_start3A_186, %dma_start3A_187] : memref<10000x128xf32, #tpu.memory_space<vmem_shared>> -> memref<10000x128xf32, #tpu.memory_space<vmem_shared>>
      tpu.enqueue_indirect_dma source(%arg11 : memref<64x128xf32, #tpu.memory_space<vmem>>) target(%dma_start3A_188 : memref<10000x128xf32, #tpu.memory_space<vmem_shared>>) offsets(%dma_start3A_185 : memref<64xi32, #tpu.memory_space<vmem>>) semaphore(%arg20 : memref<!tpu.dma_semaphore, #tpu.memory_space<semaphore_mem>>) {add = true}
      %add3A_189 = arith.constant 4 : i32
      %add3A_190 = arith.addi %add3A_176, %add3A_189 : i32
      %lt3A_191 = arith.constant 40 : i32
      %lt3A_192 = arith.cmpi slt, %add3A_190, %lt3A_191 : i32
      %convert_element_type3A_193 = arith.extui %lt3A_192 : i1 to i32
      %cond3A_194 = arith.constant 0 : i32
      %cond3A_195 = arith.cmpi ne, %convert_element_type3A_193, %cond3A_194 : i32
      scf.if %cond3A_195 {
        %dma_wait3A_196 = arith.constant 0 : i32
        %dma_wait3A_197 = tpu.memref_slice %arg6[%add3A_176, %dma_wait3A_196] : memref<40x64xi32, #tpu.memory_space<vmem>> -> memref<1x64xi32, #tpu.memory_space<vmem>>
        %dma_wait3A_198 = tpu.memref_squeeze %dma_wait3A_197 : memref<1x64xi32, #tpu.memory_space<vmem>> -> memref<64xi32, #tpu.memory_space<vmem>>
        %dma_wait3A_199 = arith.constant 0 : i32
        %dma_wait3A_200 = arith.constant 0 : i32
        %dma_wait3A_201 = tpu.memref_slice %arg12[%dma_wait3A_199, %dma_wait3A_200] : memref<10000x128xf32, #tpu.memory_space<vmem_shared>> -> memref<10000x128xf32, #tpu.memory_space<vmem_shared>>
        tpu.wait_indirect_dma semaphore(%arg20 : memref<!tpu.dma_semaphore, #tpu.memory_space<semaphore_mem>>) src(%arg11 : memref<64x128xf32, #tpu.memory_space<vmem>>) dst(%dma_wait3A_201 : memref<10000x128xf32, #tpu.memory_space<vmem_shared>>)
        %add3A_202 = arith.constant 4 : i32
        %add3A_203 = arith.addi %add3A_176, %add3A_202 : i32
        %dma_start3A_204 = arith.constant 0 : i32
        %dma_start3A_205 = tpu.memref_slice %arg5[%add3A_203, %dma_start3A_204] : memref<40x64xi32, #tpu.memory_space<vmem>> -> memref<1x64xi32, #tpu.memory_space<vmem>>
        %dma_start3A_206 = tpu.memref_squeeze %dma_start3A_205 : memref<1x64xi32, #tpu.memory_space<vmem>> -> memref<64xi32, #tpu.memory_space<vmem>>
        %dma_start3A_207 = arith.constant 0 : i32
        %dma_start3A_208 = arith.constant 0 : i32
        %dma_start3A_209 = tpu.memref_slice %arg3[%dma_start3A_207, %dma_start3A_208] : memref<10000x128xf32, #tpu.memory_space<hbm>> -> memref<10000x128xf32, #tpu.memory_space<hbm>>
        tpu.enqueue_indirect_dma source(%dma_start3A_209 : memref<10000x128xf32, #tpu.memory_space<hbm>>) target(%arg11 : memref<64x128xf32, #tpu.memory_space<vmem>>) offsets(%dma_start3A_206 : memref<64xi32, #tpu.memory_space<vmem>>) semaphore(%arg16 : memref<!tpu.dma_semaphore, #tpu.memory_space<semaphore_mem>>)
      } else {
      }
    }
    %scan3A_49 = arith.constant 10 : i32
    %lt3A_50 = arith.constant 31 : i32
    %lt3A_51 = arith.cmpi slt, %add3A, %lt3A_50 : i32
    %convert_element_type3A_52 = arith.extui %lt3A_51 : i1 to i32
    %cond3A_53 = arith.constant 0 : i32
    %cond3A_54 = arith.cmpi ne, %convert_element_type3A_52, %cond3A_53 : i32
    scf.if %cond3A_54 {
      %mul3A_103 = arith.constant 160 : i32
      %mul3A_104 = arith.muli %add3A, %mul3A_103 : i32
      %add3A_105 = arith.constant 40 : i32
      %add3A_106 = arith.addi %mul3A_104, %add3A_105 : i32
      %multiple_of3A_107 = tpu.assume_multiple %add3A_106, 8 : i32
      %dma_start3A_108 = arith.constant 0 : i32
      %dma_start3A_109 = arith.constant 0 : i32
      %dma_start3A_110 = tpu.memref_slice %arg2[%dma_start3A_108, %multiple_of3A_107, %dma_start3A_109] : memref<2x5000x64xi32, #tpu.memory_space<hbm>> -> memref<1x40x64xi32, #tpu.memory_space<hbm>>
      %dma_start3A_111 = tpu.memref_squeeze %dma_start3A_110 : memref<1x40x64xi32, #tpu.memory_space<hbm>> -> memref<40x64xi32, #tpu.memory_space<hbm>>
      %dma_start3A_112 = arith.constant 0 : i32
      %dma_start3A_113 = tpu.memref_slice %arg2[%dma_start3A_108, %multiple_of3A_107, %dma_start3A_112] : memref<2x5000x64xi32, #tpu.memory_space<hbm>> -> memref<1x40x64xi32, #tpu.memory_space<hbm>>
      %dma_start3A_114 = tpu.memref_squeeze %dma_start3A_113 : memref<1x40x64xi32, #tpu.memory_space<hbm>> -> memref<40x64xi32, #tpu.memory_space<hbm>>
      tpu.enqueue_dma source(%dma_start3A_114 : memref<40x64xi32, #tpu.memory_space<hbm>>) target(%arg5 : memref<40x64xi32, #tpu.memory_space<vmem>>) target_semaphore(%arg21 : memref<!tpu.dma_semaphore, #tpu.memory_space<semaphore_mem>>)
      %dma_wait3A_115 = arith.constant 36 : i32
      %dma_wait3A_116 = arith.constant 0 : i32
      %dma_wait3A_117 = tpu.memref_slice %arg6[%dma_wait3A_115, %dma_wait3A_116] : memref<40x64xi32, #tpu.memory_space<vmem>> -> memref<1x64xi32, #tpu.memory_space<vmem>>
      %dma_wait3A_118 = tpu.memref_squeeze %dma_wait3A_117 : memref<1x64xi32, #tpu.memory_space<vmem>> -> memref<64xi32, #tpu.memory_space<vmem>>
      %dma_wait3A_119 = arith.constant 0 : i32
      %dma_wait3A_120 = arith.constant 0 : i32
      %dma_wait3A_121 = tpu.memref_slice %arg12[%dma_wait3A_119, %dma_wait3A_120] : memref<10000x128xf32, #tpu.memory_space<vmem_shared>> -> memref<10000x128xf32, #tpu.memory_space<vmem_shared>>
      tpu.wait_indirect_dma semaphore(%arg17 : memref<!tpu.dma_semaphore, #tpu.memory_space<semaphore_mem>>) src(%arg8 : memref<64x128xf32, #tpu.memory_space<vmem>>) dst(%dma_wait3A_121 : memref<10000x128xf32, #tpu.memory_space<vmem_shared>>)
      %dma_wait3A_122 = arith.constant 37 : i32
      %dma_wait3A_123 = arith.constant 0 : i32
      %dma_wait3A_124 = tpu.memref_slice %arg6[%dma_wait3A_122, %dma_wait3A_123] : memref<40x64xi32, #tpu.memory_space<vmem>> -> memref<1x64xi32, #tpu.memory_space<vmem>>
      %dma_wait3A_125 = tpu.memref_squeeze %dma_wait3A_124 : memref<1x64xi32, #tpu.memory_space<vmem>> -> memref<64xi32, #tpu.memory_space<vmem>>
      %dma_wait3A_126 = arith.constant 0 : i32
      %dma_wait3A_127 = arith.constant 0 : i32
      %dma_wait3A_128 = tpu.memref_slice %arg12[%dma_wait3A_126, %dma_wait3A_127] : memref<10000x128xf32, #tpu.memory_space<vmem_shared>> -> memref<10000x128xf32, #tpu.memory_space<vmem_shared>>
      tpu.wait_indirect_dma semaphore(%arg18 : memref<!tpu.dma_semaphore, #tpu.memory_space<semaphore_mem>>) src(%arg9 : memref<64x128xf32, #tpu.memory_space<vmem>>) dst(%dma_wait3A_128 : memref<10000x128xf32, #tpu.memory_space<vmem_shared>>)
      %dma_wait3A_129 = arith.constant 38 : i32
      %dma_wait3A_130 = arith.constant 0 : i32
      %dma_wait3A_131 = tpu.memref_slice %arg6[%dma_wait3A_129, %dma_wait3A_130] : memref<40x64xi32, #tpu.memory_space<vmem>> -> memref<1x64xi32, #tpu.memory_space<vmem>>
      %dma_wait3A_132 = tpu.memref_squeeze %dma_wait3A_131 : memref<1x64xi32, #tpu.memory_space<vmem>> -> memref<64xi32, #tpu.memory_space<vmem>>
      %dma_wait3A_133 = arith.constant 0 : i32
      %dma_wait3A_134 = arith.constant 0 : i32
      %dma_wait3A_135 = tpu.memref_slice %arg12[%dma_wait3A_133, %dma_wait3A_134] : memref<10000x128xf32, #tpu.memory_space<vmem_shared>> -> memref<10000x128xf32, #tpu.memory_space<vmem_shared>>
      tpu.wait_indirect_dma semaphore(%arg19 : memref<!tpu.dma_semaphore, #tpu.memory_space<semaphore_mem>>) src(%arg10 : memref<64x128xf32, #tpu.memory_space<vmem>>) dst(%dma_wait3A_135 : memref<10000x128xf32, #tpu.memory_space<vmem_shared>>)
      %dma_wait3A_136 = arith.constant 39 : i32
      %dma_wait3A_137 = arith.constant 0 : i32
      %dma_wait3A_138 = tpu.memref_slice %arg6[%dma_wait3A_136, %dma_wait3A_137] : memref<40x64xi32, #tpu.memory_space<vmem>> -> memref<1x64xi32, #tpu.memory_space<vmem>>
      %dma_wait3A_139 = tpu.memref_squeeze %dma_wait3A_138 : memref<1x64xi32, #tpu.memory_space<vmem>> -> memref<64xi32, #tpu.memory_space<vmem>>
      %dma_wait3A_140 = arith.constant 0 : i32
      %dma_wait3A_141 = arith.constant 0 : i32
      %dma_wait3A_142 = tpu.memref_slice %arg12[%dma_wait3A_140, %dma_wait3A_141] : memref<10000x128xf32, #tpu.memory_space<vmem_shared>> -> memref<10000x128xf32, #tpu.memory_space<vmem_shared>>
      tpu.wait_indirect_dma semaphore(%arg20 : memref<!tpu.dma_semaphore, #tpu.memory_space<semaphore_mem>>) src(%arg11 : memref<64x128xf32, #tpu.memory_space<vmem>>) dst(%dma_wait3A_142 : memref<10000x128xf32, #tpu.memory_space<vmem_shared>>)
      %dma_start3A_143 = arith.constant 1 : i32
      %dma_start3A_144 = arith.constant 0 : i32
      %dma_start3A_145 = tpu.memref_slice %arg2[%dma_start3A_143, %multiple_of3A_107, %dma_start3A_144] : memref<2x5000x64xi32, #tpu.memory_space<hbm>> -> memref<1x40x64xi32, #tpu.memory_space<hbm>>
      %dma_start3A_146 = tpu.memref_squeeze %dma_start3A_145 : memref<1x40x64xi32, #tpu.memory_space<hbm>> -> memref<40x64xi32, #tpu.memory_space<hbm>>
      %dma_start3A_147 = arith.constant 0 : i32
      %dma_start3A_148 = tpu.memref_slice %arg2[%dma_start3A_143, %multiple_of3A_107, %dma_start3A_147] : memref<2x5000x64xi32, #tpu.memory_space<hbm>> -> memref<1x40x64xi32, #tpu.memory_space<hbm>>
      %dma_start3A_149 = tpu.memref_squeeze %dma_start3A_148 : memref<1x40x64xi32, #tpu.memory_space<hbm>> -> memref<40x64xi32, #tpu.memory_space<hbm>>
      tpu.enqueue_dma source(%dma_start3A_149 : memref<40x64xi32, #tpu.memory_space<hbm>>) target(%arg6 : memref<40x64xi32, #tpu.memory_space<vmem>>) target_semaphore(%arg22 : memref<!tpu.dma_semaphore, #tpu.memory_space<semaphore_mem>>)
      %dma_wait3A_150 = arith.constant 0 : i32
      %dma_wait3A_151 = arith.constant 0 : i32
      %dma_wait3A_152 = tpu.memref_slice %arg2[%dma_wait3A_150, %multiple_of3A_107, %dma_wait3A_151] : memref<2x5000x64xi32, #tpu.memory_space<hbm>> -> memref<1x40x64xi32, #tpu.memory_space<hbm>>
      %dma_wait3A_153 = tpu.memref_squeeze %dma_wait3A_152 : memref<1x40x64xi32, #tpu.memory_space<hbm>> -> memref<40x64xi32, #tpu.memory_space<hbm>>
      %dma_wait3A_154 = arith.constant 0 : i32
      %dma_wait3A_155 = tpu.memref_slice %arg2[%dma_wait3A_150, %multiple_of3A_107, %dma_wait3A_154] : memref<2x5000x64xi32, #tpu.memory_space<hbm>> -> memref<1x40x64xi32, #tpu.memory_space<hbm>>
      %dma_wait3A_156 = tpu.memref_squeeze %dma_wait3A_155 : memref<1x40x64xi32, #tpu.memory_space<hbm>> -> memref<40x64xi32, #tpu.memory_space<hbm>>
      tpu.wait_dma2 semaphore(%arg21 : memref<!tpu.dma_semaphore, #tpu.memory_space<semaphore_mem>>) src(%dma_wait3A_156 : memref<40x64xi32, #tpu.memory_space<hbm>>) dst(%arg5 : memref<40x64xi32, #tpu.memory_space<vmem>>)
      %dma_start3A_157 = arith.constant 0 : i32
      %dma_start3A_158 = arith.constant 0 : i32
      %dma_start3A_159 = tpu.memref_slice %arg5[%dma_start3A_157, %dma_start3A_158] : memref<40x64xi32, #tpu.memory_space<vmem>> -> memref<1x64xi32, #tpu.memory_space<vmem>>
      %dma_start3A_160 = tpu.memref_squeeze %dma_start3A_159 : memref<1x64xi32, #tpu.memory_space<vmem>> -> memref<64xi32, #tpu.memory_space<vmem>>
      %dma_start3A_161 = arith.constant 0 : i32
      %dma_start3A_162 = arith.constant 0 : i32
      %dma_start3A_163 = tpu.memref_slice %arg3[%dma_start3A_161, %dma_start3A_162] : memref<10000x128xf32, #tpu.memory_space<hbm>> -> memref<10000x128xf32, #tpu.memory_space<hbm>>
      tpu.enqueue_indirect_dma source(%dma_start3A_163 : memref<10000x128xf32, #tpu.memory_space<hbm>>) target(%arg8 : memref<64x128xf32, #tpu.memory_space<vmem>>) offsets(%dma_start3A_160 : memref<64xi32, #tpu.memory_space<vmem>>) semaphore(%arg13 : memref<!tpu.dma_semaphore, #tpu.memory_space<semaphore_mem>>)
      %dma_start3A_164 = arith.constant 1 : i32
      %dma_start3A_165 = arith.constant 0 : i32
      %dma_start3A_166 = tpu.memref_slice %arg5[%dma_start3A_164, %dma_start3A_165] : memref<40x64xi32, #tpu.memory_space<vmem>> -> memref<1x64xi32, #tpu.memory_space<vmem>>
      %dma_start3A_167 = tpu.memref_squeeze %dma_start3A_166 : memref<1x64xi32, #tpu.memory_space<vmem>> -> memref<64xi32, #tpu.memory_space<vmem>>
      %dma_start3A_168 = arith.constant 0 : i32
      %dma_start3A_169 = arith.constant 0 : i32
      %dma_start3A_170 = tpu.memref_slice %arg3[%dma_start3A_168, %dma_start3A_169] : memref<10000x128xf32, #tpu.memory_space<hbm>> -> memref<10000x128xf32, #tpu.memory_space<hbm>>
      tpu.enqueue_indirect_dma source(%dma_start3A_170 : memref<10000x128xf32, #tpu.memory_space<hbm>>) target(%arg9 : memref<64x128xf32, #tpu.memory_space<vmem>>) offsets(%dma_start3A_167 : memref<64xi32, #tpu.memory_space<vmem>>) semaphore(%arg14 : memref<!tpu.dma_semaphore, #tpu.memory_space<semaphore_mem>>)
      %dma_start3A_171 = arith.constant 2 : i32
      %dma_start3A_172 = arith.constant 0 : i32
      %dma_start3A_173 = tpu.memref_slice %arg5[%dma_start3A_171, %dma_start3A_172] : memref<40x64xi32, #tpu.memory_space<vmem>> -> memref<1x64xi32, #tpu.memory_space<vmem>>
      %dma_start3A_174 = tpu.memref_squeeze %dma_start3A_173 : memref<1x64xi32, #tpu.memory_space<vmem>> -> memref<64xi32, #tpu.memory_space<vmem>>
      %dma_start3A_175 = arith.constant 0 : i32
      %dma_start3A_176 = arith.constant 0 : i32
      %dma_start3A_177 = tpu.memref_slice %arg3[%dma_start3A_175, %dma_start3A_176] : memref<10000x128xf32, #tpu.memory_space<hbm>> -> memref<10000x128xf32, #tpu.memory_space<hbm>>
      tpu.enqueue_indirect_dma source(%dma_start3A_177 : memref<10000x128xf32, #tpu.memory_space<hbm>>) target(%arg10 : memref<64x128xf32, #tpu.memory_space<vmem>>) offsets(%dma_start3A_174 : memref<64xi32, #tpu.memory_space<vmem>>) semaphore(%arg15 : memref<!tpu.dma_semaphore, #tpu.memory_space<semaphore_mem>>)
      %dma_start3A_178 = arith.constant 3 : i32
      %dma_start3A_179 = arith.constant 0 : i32
      %dma_start3A_180 = tpu.memref_slice %arg5[%dma_start3A_178, %dma_start3A_179] : memref<40x64xi32, #tpu.memory_space<vmem>> -> memref<1x64xi32, #tpu.memory_space<vmem>>
      %dma_start3A_181 = tpu.memref_squeeze %dma_start3A_180 : memref<1x64xi32, #tpu.memory_space<vmem>> -> memref<64xi32, #tpu.memory_space<vmem>>
      %dma_start3A_182 = arith.constant 0 : i32
      %dma_start3A_183 = arith.constant 0 : i32
      %dma_start3A_184 = tpu.memref_slice %arg3[%dma_start3A_182, %dma_start3A_183] : memref<10000x128xf32, #tpu.memory_space<hbm>> -> memref<10000x128xf32, #tpu.memory_space<hbm>>
      tpu.enqueue_indirect_dma source(%dma_start3A_184 : memref<10000x128xf32, #tpu.memory_space<hbm>>) target(%arg11 : memref<64x128xf32, #tpu.memory_space<vmem>>) offsets(%dma_start3A_181 : memref<64xi32, #tpu.memory_space<vmem>>) semaphore(%arg16 : memref<!tpu.dma_semaphore, #tpu.memory_space<semaphore_mem>>)
      %dma_wait3A_185 = arith.constant 1 : i32
      %dma_wait3A_186 = arith.constant 0 : i32
      %dma_wait3A_187 = tpu.memref_slice %arg2[%dma_wait3A_185, %multiple_of3A_107, %dma_wait3A_186] : memref<2x5000x64xi32, #tpu.memory_space<hbm>> -> memref<1x40x64xi32, #tpu.memory_space<hbm>>
      %dma_wait3A_188 = tpu.memref_squeeze %dma_wait3A_187 : memref<1x40x64xi32, #tpu.memory_space<hbm>> -> memref<40x64xi32, #tpu.memory_space<hbm>>
      %dma_wait3A_189 = arith.constant 0 : i32
      %dma_wait3A_190 = tpu.memref_slice %arg2[%dma_wait3A_185, %multiple_of3A_107, %dma_wait3A_189] : memref<2x5000x64xi32, #tpu.memory_space<hbm>> -> memref<1x40x64xi32, #tpu.memory_space<hbm>>
      %dma_wait3A_191 = tpu.memref_squeeze %dma_wait3A_190 : memref<1x40x64xi32, #tpu.memory_space<hbm>> -> memref<40x64xi32, #tpu.memory_space<hbm>>
      tpu.wait_dma2 semaphore(%arg22 : memref<!tpu.dma_semaphore, #tpu.memory_space<semaphore_mem>>) src(%dma_wait3A_191 : memref<40x64xi32, #tpu.memory_space<hbm>>) dst(%arg6 : memref<40x64xi32, #tpu.memory_space<vmem>>)
      %scan3A_192 = arith.constant 0 : i32
      %scan3A_193 = arith.constant 0 : i32
      %scan3A_194 = arith.constant 10 : i32
      %scan3A_195 = arith.addi %scan3A_193, %scan3A_194 : i32
      %scan3A_196 = arith.constant 1 : i32
      scf.for %scan3A_198 = %scan3A_193 to %scan3A_195 step %scan3A_196  : i32 {
        %mul3A_199 = arith.constant 4 : i32
        %mul3A_200 = arith.muli %scan3A_198, %mul3A_199 : i32
        %add3A_201 = arith.constant 0 : i32
        %add3A_202 = arith.addi %mul3A_200, %add3A_201 : i32
        %dma_wait3A_203 = arith.constant 0 : i32
        %dma_wait3A_204 = tpu.memref_slice %arg5[%add3A_202, %dma_wait3A_203] : memref<40x64xi32, #tpu.memory_space<vmem>> -> memref<1x64xi32, #tpu.memory_space<vmem>>
        %dma_wait3A_205 = tpu.memref_squeeze %dma_wait3A_204 : memref<1x64xi32, #tpu.memory_space<vmem>> -> memref<64xi32, #tpu.memory_space<vmem>>
        %dma_wait3A_206 = arith.constant 0 : i32
        %dma_wait3A_207 = arith.constant 0 : i32
        %dma_wait3A_208 = tpu.memref_slice %arg3[%dma_wait3A_206, %dma_wait3A_207] : memref<10000x128xf32, #tpu.memory_space<hbm>> -> memref<10000x128xf32, #tpu.memory_space<hbm>>
        tpu.wait_indirect_dma semaphore(%arg13 : memref<!tpu.dma_semaphore, #tpu.memory_space<semaphore_mem>>) src(%dma_wait3A_208 : memref<10000x128xf32, #tpu.memory_space<hbm>>) dst(%arg8 : memref<64x128xf32, #tpu.memory_space<vmem>>)
        %dma_start3A_209 = arith.constant 0 : i32
        %dma_start3A_210 = tpu.memref_slice %arg6[%add3A_202, %dma_start3A_209] : memref<40x64xi32, #tpu.memory_space<vmem>> -> memref<1x64xi32, #tpu.memory_space<vmem>>
        %dma_start3A_211 = tpu.memref_squeeze %dma_start3A_210 : memref<1x64xi32, #tpu.memory_space<vmem>> -> memref<64xi32, #tpu.memory_space<vmem>>
        %dma_start3A_212 = arith.constant 0 : i32
        %dma_start3A_213 = arith.constant 0 : i32
        %dma_start3A_214 = tpu.memref_slice %arg12[%dma_start3A_212, %dma_start3A_213] : memref<10000x128xf32, #tpu.memory_space<vmem_shared>> -> memref<10000x128xf32, #tpu.memory_space<vmem_shared>>
        tpu.enqueue_indirect_dma source(%arg8 : memref<64x128xf32, #tpu.memory_space<vmem>>) target(%dma_start3A_214 : memref<10000x128xf32, #tpu.memory_space<vmem_shared>>) offsets(%dma_start3A_211 : memref<64xi32, #tpu.memory_space<vmem>>) semaphore(%arg17 : memref<!tpu.dma_semaphore, #tpu.memory_space<semaphore_mem>>) {add = true}
        %add3A_215 = arith.constant 4 : i32
        %add3A_216 = arith.addi %add3A_202, %add3A_215 : i32
        %lt3A_217 = arith.constant 40 : i32
        %lt3A_218 = arith.cmpi slt, %add3A_216, %lt3A_217 : i32
        %convert_element_type3A_219 = arith.extui %lt3A_218 : i1 to i32
        %cond3A_220 = arith.constant 0 : i32
        %cond3A_221 = arith.cmpi ne, %convert_element_type3A_219, %cond3A_220 : i32
        scf.if %cond3A_221 {
          %dma_wait3A_291 = arith.constant 0 : i32
          %dma_wait3A_292 = tpu.memref_slice %arg6[%add3A_202, %dma_wait3A_291] : memref<40x64xi32, #tpu.memory_space<vmem>> -> memref<1x64xi32, #tpu.memory_space<vmem>>
          %dma_wait3A_293 = tpu.memref_squeeze %dma_wait3A_292 : memref<1x64xi32, #tpu.memory_space<vmem>> -> memref<64xi32, #tpu.memory_space<vmem>>
          %dma_wait3A_294 = arith.constant 0 : i32
          %dma_wait3A_295 = arith.constant 0 : i32
          %dma_wait3A_296 = tpu.memref_slice %arg12[%dma_wait3A_294, %dma_wait3A_295] : memref<10000x128xf32, #tpu.memory_space<vmem_shared>> -> memref<10000x128xf32, #tpu.memory_space<vmem_shared>>
          tpu.wait_indirect_dma semaphore(%arg17 : memref<!tpu.dma_semaphore, #tpu.memory_space<semaphore_mem>>) src(%arg8 : memref<64x128xf32, #tpu.memory_space<vmem>>) dst(%dma_wait3A_296 : memref<10000x128xf32, #tpu.memory_space<vmem_shared>>)
          %add3A_297 = arith.constant 4 : i32
          %add3A_298 = arith.addi %add3A_202, %add3A_297 : i32
          %dma_start3A_299 = arith.constant 0 : i32
          %dma_start3A_300 = tpu.memref_slice %arg5[%add3A_298, %dma_start3A_299] : memref<40x64xi32, #tpu.memory_space<vmem>> -> memref<1x64xi32, #tpu.memory_space<vmem>>
          %dma_start3A_301 = tpu.memref_squeeze %dma_start3A_300 : memref<1x64xi32, #tpu.memory_space<vmem>> -> memref<64xi32, #tpu.memory_space<vmem>>
          %dma_start3A_302 = arith.constant 0 : i32
          %dma_start3A_303 = arith.constant 0 : i32
          %dma_start3A_304 = tpu.memref_slice %arg3[%dma_start3A_302, %dma_start3A_303] : memref<10000x128xf32, #tpu.memory_space<hbm>> -> memref<10000x128xf32, #tpu.memory_space<hbm>>
          tpu.enqueue_indirect_dma source(%dma_start3A_304 : memref<10000x128xf32, #tpu.memory_space<hbm>>) target(%arg8 : memref<64x128xf32, #tpu.memory_space<vmem>>) offsets(%dma_start3A_301 : memref<64xi32, #tpu.memory_space<vmem>>) semaphore(%arg13 : memref<!tpu.dma_semaphore, #tpu.memory_space<semaphore_mem>>)
        } else {
        }
        %mul3A_222 = arith.constant 4 : i32
        %mul3A_223 = arith.muli %scan3A_198, %mul3A_222 : i32
        %add3A_224 = arith.constant 1 : i32
        %add3A_225 = arith.addi %mul3A_223, %add3A_224 : i32
        %dma_wait3A_226 = arith.constant 0 : i32
        %dma_wait3A_227 = tpu.memref_slice %arg5[%add3A_225, %dma_wait3A_226] : memref<40x64xi32, #tpu.memory_space<vmem>> -> memref<1x64xi32, #tpu.memory_space<vmem>>
        %dma_wait3A_228 = tpu.memref_squeeze %dma_wait3A_227 : memref<1x64xi32, #tpu.memory_space<vmem>> -> memref<64xi32, #tpu.memory_space<vmem>>
        %dma_wait3A_229 = arith.constant 0 : i32
        %dma_wait3A_230 = arith.constant 0 : i32
        %dma_wait3A_231 = tpu.memref_slice %arg3[%dma_wait3A_229, %dma_wait3A_230] : memref<10000x128xf32, #tpu.memory_space<hbm>> -> memref<10000x128xf32, #tpu.memory_space<hbm>>
        tpu.wait_indirect_dma semaphore(%arg14 : memref<!tpu.dma_semaphore, #tpu.memory_space<semaphore_mem>>) src(%dma_wait3A_231 : memref<10000x128xf32, #tpu.memory_space<hbm>>) dst(%arg9 : memref<64x128xf32, #tpu.memory_space<vmem>>)
        %dma_start3A_232 = arith.constant 0 : i32
        %dma_start3A_233 = tpu.memref_slice %arg6[%add3A_225, %dma_start3A_232] : memref<40x64xi32, #tpu.memory_space<vmem>> -> memref<1x64xi32, #tpu.memory_space<vmem>>
        %dma_start3A_234 = tpu.memref_squeeze %dma_start3A_233 : memref<1x64xi32, #tpu.memory_space<vmem>> -> memref<64xi32, #tpu.memory_space<vmem>>
        %dma_start3A_235 = arith.constant 0 : i32
        %dma_start3A_236 = arith.constant 0 : i32
        %dma_start3A_237 = tpu.memref_slice %arg12[%dma_start3A_235, %dma_start3A_236] : memref<10000x128xf32, #tpu.memory_space<vmem_shared>> -> memref<10000x128xf32, #tpu.memory_space<vmem_shared>>
        tpu.enqueue_indirect_dma source(%arg9 : memref<64x128xf32, #tpu.memory_space<vmem>>) target(%dma_start3A_237 : memref<10000x128xf32, #tpu.memory_space<vmem_shared>>) offsets(%dma_start3A_234 : memref<64xi32, #tpu.memory_space<vmem>>) semaphore(%arg18 : memref<!tpu.dma_semaphore, #tpu.memory_space<semaphore_mem>>) {add = true}
        %add3A_238 = arith.constant 4 : i32
        %add3A_239 = arith.addi %add3A_225, %add3A_238 : i32
        %lt3A_240 = arith.constant 40 : i32
        %lt3A_241 = arith.cmpi slt, %add3A_239, %lt3A_240 : i32
        %convert_element_type3A_242 = arith.extui %lt3A_241 : i1 to i32
        %cond3A_243 = arith.constant 0 : i32
        %cond3A_244 = arith.cmpi ne, %convert_element_type3A_242, %cond3A_243 : i32
        scf.if %cond3A_244 {
          %dma_wait3A_291 = arith.constant 0 : i32
          %dma_wait3A_292 = tpu.memref_slice %arg6[%add3A_225, %dma_wait3A_291] : memref<40x64xi32, #tpu.memory_space<vmem>> -> memref<1x64xi32, #tpu.memory_space<vmem>>
          %dma_wait3A_293 = tpu.memref_squeeze %dma_wait3A_292 : memref<1x64xi32, #tpu.memory_space<vmem>> -> memref<64xi32, #tpu.memory_space<vmem>>
          %dma_wait3A_294 = arith.constant 0 : i32
          %dma_wait3A_295 = arith.constant 0 : i32
          %dma_wait3A_296 = tpu.memref_slice %arg12[%dma_wait3A_294, %dma_wait3A_295] : memref<10000x128xf32, #tpu.memory_space<vmem_shared>> -> memref<10000x128xf32, #tpu.memory_space<vmem_shared>>
          tpu.wait_indirect_dma semaphore(%arg18 : memref<!tpu.dma_semaphore, #tpu.memory_space<semaphore_mem>>) src(%arg9 : memref<64x128xf32, #tpu.memory_space<vmem>>) dst(%dma_wait3A_296 : memref<10000x128xf32, #tpu.memory_space<vmem_shared>>)
          %add3A_297 = arith.constant 4 : i32
          %add3A_298 = arith.addi %add3A_225, %add3A_297 : i32
          %dma_start3A_299 = arith.constant 0 : i32
          %dma_start3A_300 = tpu.memref_slice %arg5[%add3A_298, %dma_start3A_299] : memref<40x64xi32, #tpu.memory_space<vmem>> -> memref<1x64xi32, #tpu.memory_space<vmem>>
          %dma_start3A_301 = tpu.memref_squeeze %dma_start3A_300 : memref<1x64xi32, #tpu.memory_space<vmem>> -> memref<64xi32, #tpu.memory_space<vmem>>
          %dma_start3A_302 = arith.constant 0 : i32
          %dma_start3A_303 = arith.constant 0 : i32
          %dma_start3A_304 = tpu.memref_slice %arg3[%dma_start3A_302, %dma_start3A_303] : memref<10000x128xf32, #tpu.memory_space<hbm>> -> memref<10000x128xf32, #tpu.memory_space<hbm>>
          tpu.enqueue_indirect_dma source(%dma_start3A_304 : memref<10000x128xf32, #tpu.memory_space<hbm>>) target(%arg9 : memref<64x128xf32, #tpu.memory_space<vmem>>) offsets(%dma_start3A_301 : memref<64xi32, #tpu.memory_space<vmem>>) semaphore(%arg14 : memref<!tpu.dma_semaphore, #tpu.memory_space<semaphore_mem>>)
        } else {
        }
        %mul3A_245 = arith.constant 4 : i32
        %mul3A_246 = arith.muli %scan3A_198, %mul3A_245 : i32
        %add3A_247 = arith.constant 2 : i32
        %add3A_248 = arith.addi %mul3A_246, %add3A_247 : i32
        %dma_wait3A_249 = arith.constant 0 : i32
        %dma_wait3A_250 = tpu.memref_slice %arg5[%add3A_248, %dma_wait3A_249] : memref<40x64xi32, #tpu.memory_space<vmem>> -> memref<1x64xi32, #tpu.memory_space<vmem>>
        %dma_wait3A_251 = tpu.memref_squeeze %dma_wait3A_250 : memref<1x64xi32, #tpu.memory_space<vmem>> -> memref<64xi32, #tpu.memory_space<vmem>>
        %dma_wait3A_252 = arith.constant 0 : i32
        %dma_wait3A_253 = arith.constant 0 : i32
        %dma_wait3A_254 = tpu.memref_slice %arg3[%dma_wait3A_252, %dma_wait3A_253] : memref<10000x128xf32, #tpu.memory_space<hbm>> -> memref<10000x128xf32, #tpu.memory_space<hbm>>
        tpu.wait_indirect_dma semaphore(%arg15 : memref<!tpu.dma_semaphore, #tpu.memory_space<semaphore_mem>>) src(%dma_wait3A_254 : memref<10000x128xf32, #tpu.memory_space<hbm>>) dst(%arg10 : memref<64x128xf32, #tpu.memory_space<vmem>>)
        %dma_start3A_255 = arith.constant 0 : i32
        %dma_start3A_256 = tpu.memref_slice %arg6[%add3A_248, %dma_start3A_255] : memref<40x64xi32, #tpu.memory_space<vmem>> -> memref<1x64xi32, #tpu.memory_space<vmem>>
        %dma_start3A_257 = tpu.memref_squeeze %dma_start3A_256 : memref<1x64xi32, #tpu.memory_space<vmem>> -> memref<64xi32, #tpu.memory_space<vmem>>
        %dma_start3A_258 = arith.constant 0 : i32
        %dma_start3A_259 = arith.constant 0 : i32
        %dma_start3A_260 = tpu.memref_slice %arg12[%dma_start3A_258, %dma_start3A_259] : memref<10000x128xf32, #tpu.memory_space<vmem_shared>> -> memref<10000x128xf32, #tpu.memory_space<vmem_shared>>
        tpu.enqueue_indirect_dma source(%arg10 : memref<64x128xf32, #tpu.memory_space<vmem>>) target(%dma_start3A_260 : memref<10000x128xf32, #tpu.memory_space<vmem_shared>>) offsets(%dma_start3A_257 : memref<64xi32, #tpu.memory_space<vmem>>) semaphore(%arg19 : memref<!tpu.dma_semaphore, #tpu.memory_space<semaphore_mem>>) {add = true}
        %add3A_261 = arith.constant 4 : i32
        %add3A_262 = arith.addi %add3A_248, %add3A_261 : i32
        %lt3A_263 = arith.constant 40 : i32
        %lt3A_264 = arith.cmpi slt, %add3A_262, %lt3A_263 : i32
        %convert_element_type3A_265 = arith.extui %lt3A_264 : i1 to i32
        %cond3A_266 = arith.constant 0 : i32
        %cond3A_267 = arith.cmpi ne, %convert_element_type3A_265, %cond3A_266 : i32
        scf.if %cond3A_267 {
          %dma_wait3A_291 = arith.constant 0 : i32
          %dma_wait3A_292 = tpu.memref_slice %arg6[%add3A_248, %dma_wait3A_291] : memref<40x64xi32, #tpu.memory_space<vmem>> -> memref<1x64xi32, #tpu.memory_space<vmem>>
          %dma_wait3A_293 = tpu.memref_squeeze %dma_wait3A_292 : memref<1x64xi32, #tpu.memory_space<vmem>> -> memref<64xi32, #tpu.memory_space<vmem>>
          %dma_wait3A_294 = arith.constant 0 : i32
          %dma_wait3A_295 = arith.constant 0 : i32
          %dma_wait3A_296 = tpu.memref_slice %arg12[%dma_wait3A_294, %dma_wait3A_295] : memref<10000x128xf32, #tpu.memory_space<vmem_shared>> -> memref<10000x128xf32, #tpu.memory_space<vmem_shared>>
          tpu.wait_indirect_dma semaphore(%arg19 : memref<!tpu.dma_semaphore, #tpu.memory_space<semaphore_mem>>) src(%arg10 : memref<64x128xf32, #tpu.memory_space<vmem>>) dst(%dma_wait3A_296 : memref<10000x128xf32, #tpu.memory_space<vmem_shared>>)
          %add3A_297 = arith.constant 4 : i32
          %add3A_298 = arith.addi %add3A_248, %add3A_297 : i32
          %dma_start3A_299 = arith.constant 0 : i32
          %dma_start3A_300 = tpu.memref_slice %arg5[%add3A_298, %dma_start3A_299] : memref<40x64xi32, #tpu.memory_space<vmem>> -> memref<1x64xi32, #tpu.memory_space<vmem>>
          %dma_start3A_301 = tpu.memref_squeeze %dma_start3A_300 : memref<1x64xi32, #tpu.memory_space<vmem>> -> memref<64xi32, #tpu.memory_space<vmem>>
          %dma_start3A_302 = arith.constant 0 : i32
          %dma_start3A_303 = arith.constant 0 : i32
          %dma_start3A_304 = tpu.memref_slice %arg3[%dma_start3A_302, %dma_start3A_303] : memref<10000x128xf32, #tpu.memory_space<hbm>> -> memref<10000x128xf32, #tpu.memory_space<hbm>>
          tpu.enqueue_indirect_dma source(%dma_start3A_304 : memref<10000x128xf32, #tpu.memory_space<hbm>>) target(%arg10 : memref<64x128xf32, #tpu.memory_space<vmem>>) offsets(%dma_start3A_301 : memref<64xi32, #tpu.memory_space<vmem>>) semaphore(%arg15 : memref<!tpu.dma_semaphore, #tpu.memory_space<semaphore_mem>>)
        } else {
        }
        %mul3A_268 = arith.constant 4 : i32
        %mul3A_269 = arith.muli %scan3A_198, %mul3A_268 : i32
        %add3A_270 = arith.constant 3 : i32
        %add3A_271 = arith.addi %mul3A_269, %add3A_270 : i32
        %dma_wait3A_272 = arith.constant 0 : i32
        %dma_wait3A_273 = tpu.memref_slice %arg5[%add3A_271, %dma_wait3A_272] : memref<40x64xi32, #tpu.memory_space<vmem>> -> memref<1x64xi32, #tpu.memory_space<vmem>>
        %dma_wait3A_274 = tpu.memref_squeeze %dma_wait3A_273 : memref<1x64xi32, #tpu.memory_space<vmem>> -> memref<64xi32, #tpu.memory_space<vmem>>
        %dma_wait3A_275 = arith.constant 0 : i32
        %dma_wait3A_276 = arith.constant 0 : i32
        %dma_wait3A_277 = tpu.memref_slice %arg3[%dma_wait3A_275, %dma_wait3A_276] : memref<10000x128xf32, #tpu.memory_space<hbm>> -> memref<10000x128xf32, #tpu.memory_space<hbm>>
        tpu.wait_indirect_dma semaphore(%arg16 : memref<!tpu.dma_semaphore, #tpu.memory_space<semaphore_mem>>) src(%dma_wait3A_277 : memref<10000x128xf32, #tpu.memory_space<hbm>>) dst(%arg11 : memref<64x128xf32, #tpu.memory_space<vmem>>)
        %dma_start3A_278 = arith.constant 0 : i32
        %dma_start3A_279 = tpu.memref_slice %arg6[%add3A_271, %dma_start3A_278] : memref<40x64xi32, #tpu.memory_space<vmem>> -> memref<1x64xi32, #tpu.memory_space<vmem>>
        %dma_start3A_280 = tpu.memref_squeeze %dma_start3A_279 : memref<1x64xi32, #tpu.memory_space<vmem>> -> memref<64xi32, #tpu.memory_space<vmem>>
        %dma_start3A_281 = arith.constant 0 : i32
        %dma_start3A_282 = arith.constant 0 : i32
        %dma_start3A_283 = tpu.memref_slice %arg12[%dma_start3A_281, %dma_start3A_282] : memref<10000x128xf32, #tpu.memory_space<vmem_shared>> -> memref<10000x128xf32, #tpu.memory_space<vmem_shared>>
        tpu.enqueue_indirect_dma source(%arg11 : memref<64x128xf32, #tpu.memory_space<vmem>>) target(%dma_start3A_283 : memref<10000x128xf32, #tpu.memory_space<vmem_shared>>) offsets(%dma_start3A_280 : memref<64xi32, #tpu.memory_space<vmem>>) semaphore(%arg20 : memref<!tpu.dma_semaphore, #tpu.memory_space<semaphore_mem>>) {add = true}
        %add3A_284 = arith.constant 4 : i32
        %add3A_285 = arith.addi %add3A_271, %add3A_284 : i32
        %lt3A_286 = arith.constant 40 : i32
        %lt3A_287 = arith.cmpi slt, %add3A_285, %lt3A_286 : i32
        %convert_element_type3A_288 = arith.extui %lt3A_287 : i1 to i32
        %cond3A_289 = arith.constant 0 : i32
        %cond3A_290 = arith.cmpi ne, %convert_element_type3A_288, %cond3A_289 : i32
        scf.if %cond3A_290 {
          %dma_wait3A_291 = arith.constant 0 : i32
          %dma_wait3A_292 = tpu.memref_slice %arg6[%add3A_271, %dma_wait3A_291] : memref<40x64xi32, #tpu.memory_space<vmem>> -> memref<1x64xi32, #tpu.memory_space<vmem>>
          %dma_wait3A_293 = tpu.memref_squeeze %dma_wait3A_292 : memref<1x64xi32, #tpu.memory_space<vmem>> -> memref<64xi32, #tpu.memory_space<vmem>>
          %dma_wait3A_294 = arith.constant 0 : i32
          %dma_wait3A_295 = arith.constant 0 : i32
          %dma_wait3A_296 = tpu.memref_slice %arg12[%dma_wait3A_294, %dma_wait3A_295] : memref<10000x128xf32, #tpu.memory_space<vmem_shared>> -> memref<10000x128xf32, #tpu.memory_space<vmem_shared>>
          tpu.wait_indirect_dma semaphore(%arg20 : memref<!tpu.dma_semaphore, #tpu.memory_space<semaphore_mem>>) src(%arg11 : memref<64x128xf32, #tpu.memory_space<vmem>>) dst(%dma_wait3A_296 : memref<10000x128xf32, #tpu.memory_space<vmem_shared>>)
          %add3A_297 = arith.constant 4 : i32
          %add3A_298 = arith.addi %add3A_271, %add3A_297 : i32
          %dma_start3A_299 = arith.constant 0 : i32
          %dma_start3A_300 = tpu.memref_slice %arg5[%add3A_298, %dma_start3A_299] : memref<40x64xi32, #tpu.memory_space<vmem>> -> memref<1x64xi32, #tpu.memory_space<vmem>>
          %dma_start3A_301 = tpu.memref_squeeze %dma_start3A_300 : memref<1x64xi32, #tpu.memory_space<vmem>> -> memref<64xi32, #tpu.memory_space<vmem>>
          %dma_start3A_302 = arith.constant 0 : i32
          %dma_start3A_303 = arith.constant 0 : i32
          %dma_start3A_304 = tpu.memref_slice %arg3[%dma_start3A_302, %dma_start3A_303] : memref<10000x128xf32, #tpu.memory_space<hbm>> -> memref<10000x128xf32, #tpu.memory_space<hbm>>
          tpu.enqueue_indirect_dma source(%dma_start3A_304 : memref<10000x128xf32, #tpu.memory_space<hbm>>) target(%arg11 : memref<64x128xf32, #tpu.memory_space<vmem>>) offsets(%dma_start3A_301 : memref<64xi32, #tpu.memory_space<vmem>>) semaphore(%arg16 : memref<!tpu.dma_semaphore, #tpu.memory_space<semaphore_mem>>)
        } else {
        }
      }
      %scan3A_197 = arith.constant 10 : i32
    } else {
    }
    %lt3A_55 = arith.constant 31 : i32
    %lt3A_56 = arith.cmpi slt, %add3A, %lt3A_55 : i32
    %convert_element_type3A_57 = arith.extui %lt3A_56 : i1 to i32
    %cond3A_58 = arith.constant 0 : i32
    %cond3A_59 = arith.cmpi ne, %convert_element_type3A_57, %cond3A_58 : i32
    scf.if %cond3A_59 {
      %mul3A_103 = arith.constant 160 : i32
      %mul3A_104 = arith.muli %add3A, %mul3A_103 : i32
      %add3A_105 = arith.constant 80 : i32
      %add3A_106 = arith.addi %mul3A_104, %add3A_105 : i32
      %multiple_of3A_107 = tpu.assume_multiple %add3A_106, 8 : i32
      %dma_start3A_108 = arith.constant 0 : i32
      %dma_start3A_109 = arith.constant 0 : i32
      %dma_start3A_110 = tpu.memref_slice %arg2[%dma_start3A_108, %multiple_of3A_107, %dma_start3A_109] : memref<2x5000x64xi32, #tpu.memory_space<hbm>> -> memref<1x40x64xi32, #tpu.memory_space<hbm>>
      %dma_start3A_111 = tpu.memref_squeeze %dma_start3A_110 : memref<1x40x64xi32, #tpu.memory_space<hbm>> -> memref<40x64xi32, #tpu.memory_space<hbm>>
      %dma_start3A_112 = arith.constant 0 : i32
      %dma_start3A_113 = tpu.memref_slice %arg2[%dma_start3A_108, %multiple_of3A_107, %dma_start3A_112] : memref<2x5000x64xi32, #tpu.memory_space<hbm>> -> memref<1x40x64xi32, #tpu.memory_space<hbm>>
      %dma_start3A_114 = tpu.memref_squeeze %dma_start3A_113 : memref<1x40x64xi32, #tpu.memory_space<hbm>> -> memref<40x64xi32, #tpu.memory_space<hbm>>
      tpu.enqueue_dma source(%dma_start3A_114 : memref<40x64xi32, #tpu.memory_space<hbm>>) target(%arg5 : memref<40x64xi32, #tpu.memory_space<vmem>>) target_semaphore(%arg21 : memref<!tpu.dma_semaphore, #tpu.memory_space<semaphore_mem>>)
      %dma_wait3A_115 = arith.constant 36 : i32
      %dma_wait3A_116 = arith.constant 0 : i32
      %dma_wait3A_117 = tpu.memref_slice %arg6[%dma_wait3A_115, %dma_wait3A_116] : memref<40x64xi32, #tpu.memory_space<vmem>> -> memref<1x64xi32, #tpu.memory_space<vmem>>
      %dma_wait3A_118 = tpu.memref_squeeze %dma_wait3A_117 : memref<1x64xi32, #tpu.memory_space<vmem>> -> memref<64xi32, #tpu.memory_space<vmem>>
      %dma_wait3A_119 = arith.constant 0 : i32
      %dma_wait3A_120 = arith.constant 0 : i32
      %dma_wait3A_121 = tpu.memref_slice %arg12[%dma_wait3A_119, %dma_wait3A_120] : memref<10000x128xf32, #tpu.memory_space<vmem_shared>> -> memref<10000x128xf32, #tpu.memory_space<vmem_shared>>
      tpu.wait_indirect_dma semaphore(%arg17 : memref<!tpu.dma_semaphore, #tpu.memory_space<semaphore_mem>>) src(%arg8 : memref<64x128xf32, #tpu.memory_space<vmem>>) dst(%dma_wait3A_121 : memref<10000x128xf32, #tpu.memory_space<vmem_shared>>)
      %dma_wait3A_122 = arith.constant 37 : i32
      %dma_wait3A_123 = arith.constant 0 : i32
      %dma_wait3A_124 = tpu.memref_slice %arg6[%dma_wait3A_122, %dma_wait3A_123] : memref<40x64xi32, #tpu.memory_space<vmem>> -> memref<1x64xi32, #tpu.memory_space<vmem>>
      %dma_wait3A_125 = tpu.memref_squeeze %dma_wait3A_124 : memref<1x64xi32, #tpu.memory_space<vmem>> -> memref<64xi32, #tpu.memory_space<vmem>>
      %dma_wait3A_126 = arith.constant 0 : i32
      %dma_wait3A_127 = arith.constant 0 : i32
      %dma_wait3A_128 = tpu.memref_slice %arg12[%dma_wait3A_126, %dma_wait3A_127] : memref<10000x128xf32, #tpu.memory_space<vmem_shared>> -> memref<10000x128xf32, #tpu.memory_space<vmem_shared>>
      tpu.wait_indirect_dma semaphore(%arg18 : memref<!tpu.dma_semaphore, #tpu.memory_space<semaphore_mem>>) src(%arg9 : memref<64x128xf32, #tpu.memory_space<vmem>>) dst(%dma_wait3A_128 : memref<10000x128xf32, #tpu.memory_space<vmem_shared>>)
      %dma_wait3A_129 = arith.constant 38 : i32
      %dma_wait3A_130 = arith.constant 0 : i32
      %dma_wait3A_131 = tpu.memref_slice %arg6[%dma_wait3A_129, %dma_wait3A_130] : memref<40x64xi32, #tpu.memory_space<vmem>> -> memref<1x64xi32, #tpu.memory_space<vmem>>
      %dma_wait3A_132 = tpu.memref_squeeze %dma_wait3A_131 : memref<1x64xi32, #tpu.memory_space<vmem>> -> memref<64xi32, #tpu.memory_space<vmem>>
      %dma_wait3A_133 = arith.constant 0 : i32
      %dma_wait3A_134 = arith.constant 0 : i32
      %dma_wait3A_135 = tpu.memref_slice %arg12[%dma_wait3A_133, %dma_wait3A_134] : memref<10000x128xf32, #tpu.memory_space<vmem_shared>> -> memref<10000x128xf32, #tpu.memory_space<vmem_shared>>
      tpu.wait_indirect_dma semaphore(%arg19 : memref<!tpu.dma_semaphore, #tpu.memory_space<semaphore_mem>>) src(%arg10 : memref<64x128xf32, #tpu.memory_space<vmem>>) dst(%dma_wait3A_135 : memref<10000x128xf32, #tpu.memory_space<vmem_shared>>)
      %dma_wait3A_136 = arith.constant 39 : i32
      %dma_wait3A_137 = arith.constant 0 : i32
      %dma_wait3A_138 = tpu.memref_slice %arg6[%dma_wait3A_136, %dma_wait3A_137] : memref<40x64xi32, #tpu.memory_space<vmem>> -> memref<1x64xi32, #tpu.memory_space<vmem>>
      %dma_wait3A_139 = tpu.memref_squeeze %dma_wait3A_138 : memref<1x64xi32, #tpu.memory_space<vmem>> -> memref<64xi32, #tpu.memory_space<vmem>>
      %dma_wait3A_140 = arith.constant 0 : i32
      %dma_wait3A_141 = arith.constant 0 : i32
      %dma_wait3A_142 = tpu.memref_slice %arg12[%dma_wait3A_140, %dma_wait3A_141] : memref<10000x128xf32, #tpu.memory_space<vmem_shared>> -> memref<10000x128xf32, #tpu.memory_space<vmem_shared>>
      tpu.wait_indirect_dma semaphore(%arg20 : memref<!tpu.dma_semaphore, #tpu.memory_space<semaphore_mem>>) src(%arg11 : memref<64x128xf32, #tpu.memory_space<vmem>>) dst(%dma_wait3A_142 : memref<10000x128xf32, #tpu.memory_space<vmem_shared>>)
      %dma_start3A_143 = arith.constant 1 : i32
      %dma_start3A_144 = arith.constant 0 : i32
      %dma_start3A_145 = tpu.memref_slice %arg2[%dma_start3A_143, %multiple_of3A_107, %dma_start3A_144] : memref<2x5000x64xi32, #tpu.memory_space<hbm>> -> memref<1x40x64xi32, #tpu.memory_space<hbm>>
      %dma_start3A_146 = tpu.memref_squeeze %dma_start3A_145 : memref<1x40x64xi32, #tpu.memory_space<hbm>> -> memref<40x64xi32, #tpu.memory_space<hbm>>
      %dma_start3A_147 = arith.constant 0 : i32
      %dma_start3A_148 = tpu.memref_slice %arg2[%dma_start3A_143, %multiple_of3A_107, %dma_start3A_147] : memref<2x5000x64xi32, #tpu.memory_space<hbm>> -> memref<1x40x64xi32, #tpu.memory_space<hbm>>
      %dma_start3A_149 = tpu.memref_squeeze %dma_start3A_148 : memref<1x40x64xi32, #tpu.memory_space<hbm>> -> memref<40x64xi32, #tpu.memory_space<hbm>>
      tpu.enqueue_dma source(%dma_start3A_149 : memref<40x64xi32, #tpu.memory_space<hbm>>) target(%arg6 : memref<40x64xi32, #tpu.memory_space<vmem>>) target_semaphore(%arg22 : memref<!tpu.dma_semaphore, #tpu.memory_space<semaphore_mem>>)
      %dma_wait3A_150 = arith.constant 0 : i32
      %dma_wait3A_151 = arith.constant 0 : i32
      %dma_wait3A_152 = tpu.memref_slice %arg2[%dma_wait3A_150, %multiple_of3A_107, %dma_wait3A_151] : memref<2x5000x64xi32, #tpu.memory_space<hbm>> -> memref<1x40x64xi32, #tpu.memory_space<hbm>>
      %dma_wait3A_153 = tpu.memref_squeeze %dma_wait3A_152 : memref<1x40x64xi32, #tpu.memory_space<hbm>> -> memref<40x64xi32, #tpu.memory_space<hbm>>
      %dma_wait3A_154 = arith.constant 0 : i32
      %dma_wait3A_155 = tpu.memref_slice %arg2[%dma_wait3A_150, %multiple_of3A_107, %dma_wait3A_154] : memref<2x5000x64xi32, #tpu.memory_space<hbm>> -> memref<1x40x64xi32, #tpu.memory_space<hbm>>
      %dma_wait3A_156 = tpu.memref_squeeze %dma_wait3A_155 : memref<1x40x64xi32, #tpu.memory_space<hbm>> -> memref<40x64xi32, #tpu.memory_space<hbm>>
      tpu.wait_dma2 semaphore(%arg21 : memref<!tpu.dma_semaphore, #tpu.memory_space<semaphore_mem>>) src(%dma_wait3A_156 : memref<40x64xi32, #tpu.memory_space<hbm>>) dst(%arg5 : memref<40x64xi32, #tpu.memory_space<vmem>>)
      %dma_start3A_157 = arith.constant 0 : i32
      %dma_start3A_158 = arith.constant 0 : i32
      %dma_start3A_159 = tpu.memref_slice %arg5[%dma_start3A_157, %dma_start3A_158] : memref<40x64xi32, #tpu.memory_space<vmem>> -> memref<1x64xi32, #tpu.memory_space<vmem>>
      %dma_start3A_160 = tpu.memref_squeeze %dma_start3A_159 : memref<1x64xi32, #tpu.memory_space<vmem>> -> memref<64xi32, #tpu.memory_space<vmem>>
      %dma_start3A_161 = arith.constant 0 : i32
      %dma_start3A_162 = arith.constant 0 : i32
      %dma_start3A_163 = tpu.memref_slice %arg3[%dma_start3A_161, %dma_start3A_162] : memref<10000x128xf32, #tpu.memory_space<hbm>> -> memref<10000x128xf32, #tpu.memory_space<hbm>>
      tpu.enqueue_indirect_dma source(%dma_start3A_163 : memref<10000x128xf32, #tpu.memory_space<hbm>>) target(%arg8 : memref<64x128xf32, #tpu.memory_space<vmem>>) offsets(%dma_start3A_160 : memref<64xi32, #tpu.memory_space<vmem>>) semaphore(%arg13 : memref<!tpu.dma_semaphore, #tpu.memory_space<semaphore_mem>>)
      %dma_start3A_164 = arith.constant 1 : i32
      %dma_start3A_165 = arith.constant 0 : i32
      %dma_start3A_166 = tpu.memref_slice %arg5[%dma_start3A_164, %dma_start3A_165] : memref<40x64xi32, #tpu.memory_space<vmem>> -> memref<1x64xi32, #tpu.memory_space<vmem>>
      %dma_start3A_167 = tpu.memref_squeeze %dma_start3A_166 : memref<1x64xi32, #tpu.memory_space<vmem>> -> memref<64xi32, #tpu.memory_space<vmem>>
      %dma_start3A_168 = arith.constant 0 : i32
      %dma_start3A_169 = arith.constant 0 : i32
      %dma_start3A_170 = tpu.memref_slice %arg3[%dma_start3A_168, %dma_start3A_169] : memref<10000x128xf32, #tpu.memory_space<hbm>> -> memref<10000x128xf32, #tpu.memory_space<hbm>>
      tpu.enqueue_indirect_dma source(%dma_start3A_170 : memref<10000x128xf32, #tpu.memory_space<hbm>>) target(%arg9 : memref<64x128xf32, #tpu.memory_space<vmem>>) offsets(%dma_start3A_167 : memref<64xi32, #tpu.memory_space<vmem>>) semaphore(%arg14 : memref<!tpu.dma_semaphore, #tpu.memory_space<semaphore_mem>>)
      %dma_start3A_171 = arith.constant 2 : i32
      %dma_start3A_172 = arith.constant 0 : i32
      %dma_start3A_173 = tpu.memref_slice %arg5[%dma_start3A_171, %dma_start3A_172] : memref<40x64xi32, #tpu.memory_space<vmem>> -> memref<1x64xi32, #tpu.memory_space<vmem>>
      %dma_start3A_174 = tpu.memref_squeeze %dma_start3A_173 : memref<1x64xi32, #tpu.memory_space<vmem>> -> memref<64xi32, #tpu.memory_space<vmem>>
      %dma_start3A_175 = arith.constant 0 : i32
      %dma_start3A_176 = arith.constant 0 : i32
      %dma_start3A_177 = tpu.memref_slice %arg3[%dma_start3A_175, %dma_start3A_176] : memref<10000x128xf32, #tpu.memory_space<hbm>> -> memref<10000x128xf32, #tpu.memory_space<hbm>>
      tpu.enqueue_indirect_dma source(%dma_start3A_177 : memref<10000x128xf32, #tpu.memory_space<hbm>>) target(%arg10 : memref<64x128xf32, #tpu.memory_space<vmem>>) offsets(%dma_start3A_174 : memref<64xi32, #tpu.memory_space<vmem>>) semaphore(%arg15 : memref<!tpu.dma_semaphore, #tpu.memory_space<semaphore_mem>>)
      %dma_start3A_178 = arith.constant 3 : i32
      %dma_start3A_179 = arith.constant 0 : i32
      %dma_start3A_180 = tpu.memref_slice %arg5[%dma_start3A_178, %dma_start3A_179] : memref<40x64xi32, #tpu.memory_space<vmem>> -> memref<1x64xi32, #tpu.memory_space<vmem>>
      %dma_start3A_181 = tpu.memref_squeeze %dma_start3A_180 : memref<1x64xi32, #tpu.memory_space<vmem>> -> memref<64xi32, #tpu.memory_space<vmem>>
      %dma_start3A_182 = arith.constant 0 : i32
      %dma_start3A_183 = arith.constant 0 : i32
      %dma_start3A_184 = tpu.memref_slice %arg3[%dma_start3A_182, %dma_start3A_183] : memref<10000x128xf32, #tpu.memory_space<hbm>> -> memref<10000x128xf32, #tpu.memory_space<hbm>>
      tpu.enqueue_indirect_dma source(%dma_start3A_184 : memref<10000x128xf32, #tpu.memory_space<hbm>>) target(%arg11 : memref<64x128xf32, #tpu.memory_space<vmem>>) offsets(%dma_start3A_181 : memref<64xi32, #tpu.memory_space<vmem>>) semaphore(%arg16 : memref<!tpu.dma_semaphore, #tpu.memory_space<semaphore_mem>>)
      %dma_wait3A_185 = arith.constant 1 : i32
      %dma_wait3A_186 = arith.constant 0 : i32
      %dma_wait3A_187 = tpu.memref_slice %arg2[%dma_wait3A_185, %multiple_of3A_107, %dma_wait3A_186] : memref<2x5000x64xi32, #tpu.memory_space<hbm>> -> memref<1x40x64xi32, #tpu.memory_space<hbm>>
      %dma_wait3A_188 = tpu.memref_squeeze %dma_wait3A_187 : memref<1x40x64xi32, #tpu.memory_space<hbm>> -> memref<40x64xi32, #tpu.memory_space<hbm>>
      %dma_wait3A_189 = arith.constant 0 : i32
      %dma_wait3A_190 = tpu.memref_slice %arg2[%dma_wait3A_185, %multiple_of3A_107, %dma_wait3A_189] : memref<2x5000x64xi32, #tpu.memory_space<hbm>> -> memref<1x40x64xi32, #tpu.memory_space<hbm>>
      %dma_wait3A_191 = tpu.memref_squeeze %dma_wait3A_190 : memref<1x40x64xi32, #tpu.memory_space<hbm>> -> memref<40x64xi32, #tpu.memory_space<hbm>>
      tpu.wait_dma2 semaphore(%arg22 : memref<!tpu.dma_semaphore, #tpu.memory_space<semaphore_mem>>) src(%dma_wait3A_191 : memref<40x64xi32, #tpu.memory_space<hbm>>) dst(%arg6 : memref<40x64xi32, #tpu.memory_space<vmem>>)
      %scan3A_192 = arith.constant 0 : i32
      %scan3A_193 = arith.constant 0 : i32
      %scan3A_194 = arith.constant 10 : i32
      %scan3A_195 = arith.addi %scan3A_193, %scan3A_194 : i32
      %scan3A_196 = arith.constant 1 : i32
      scf.for %scan3A_198 = %scan3A_193 to %scan3A_195 step %scan3A_196  : i32 {
        %mul3A_199 = arith.constant 4 : i32
        %mul3A_200 = arith.muli %scan3A_198, %mul3A_199 : i32
        %add3A_201 = arith.constant 0 : i32
        %add3A_202 = arith.addi %mul3A_200, %add3A_201 : i32
        %dma_wait3A_203 = arith.constant 0 : i32
        %dma_wait3A_204 = tpu.memref_slice %arg5[%add3A_202, %dma_wait3A_203] : memref<40x64xi32, #tpu.memory_space<vmem>> -> memref<1x64xi32, #tpu.memory_space<vmem>>
        %dma_wait3A_205 = tpu.memref_squeeze %dma_wait3A_204 : memref<1x64xi32, #tpu.memory_space<vmem>> -> memref<64xi32, #tpu.memory_space<vmem>>
        %dma_wait3A_206 = arith.constant 0 : i32
        %dma_wait3A_207 = arith.constant 0 : i32
        %dma_wait3A_208 = tpu.memref_slice %arg3[%dma_wait3A_206, %dma_wait3A_207] : memref<10000x128xf32, #tpu.memory_space<hbm>> -> memref<10000x128xf32, #tpu.memory_space<hbm>>
        tpu.wait_indirect_dma semaphore(%arg13 : memref<!tpu.dma_semaphore, #tpu.memory_space<semaphore_mem>>) src(%dma_wait3A_208 : memref<10000x128xf32, #tpu.memory_space<hbm>>) dst(%arg8 : memref<64x128xf32, #tpu.memory_space<vmem>>)
        %dma_start3A_209 = arith.constant 0 : i32
        %dma_start3A_210 = tpu.memref_slice %arg6[%add3A_202, %dma_start3A_209] : memref<40x64xi32, #tpu.memory_space<vmem>> -> memref<1x64xi32, #tpu.memory_space<vmem>>
        %dma_start3A_211 = tpu.memref_squeeze %dma_start3A_210 : memref<1x64xi32, #tpu.memory_space<vmem>> -> memref<64xi32, #tpu.memory_space<vmem>>
        %dma_start3A_212 = arith.constant 0 : i32
        %dma_start3A_213 = arith.constant 0 : i32
        %dma_start3A_214 = tpu.memref_slice %arg12[%dma_start3A_212, %dma_start3A_213] : memref<10000x128xf32, #tpu.memory_space<vmem_shared>> -> memref<10000x128xf32, #tpu.memory_space<vmem_shared>>
        tpu.enqueue_indirect_dma source(%arg8 : memref<64x128xf32, #tpu.memory_space<vmem>>) target(%dma_start3A_214 : memref<10000x128xf32, #tpu.memory_space<vmem_shared>>) offsets(%dma_start3A_211 : memref<64xi32, #tpu.memory_space<vmem>>) semaphore(%arg17 : memref<!tpu.dma_semaphore, #tpu.memory_space<semaphore_mem>>) {add = true}
        %add3A_215 = arith.constant 4 : i32
        %add3A_216 = arith.addi %add3A_202, %add3A_215 : i32
        %lt3A_217 = arith.constant 40 : i32
        %lt3A_218 = arith.cmpi slt, %add3A_216, %lt3A_217 : i32
        %convert_element_type3A_219 = arith.extui %lt3A_218 : i1 to i32
        %cond3A_220 = arith.constant 0 : i32
        %cond3A_221 = arith.cmpi ne, %convert_element_type3A_219, %cond3A_220 : i32
        scf.if %cond3A_221 {
          %dma_wait3A_291 = arith.constant 0 : i32
          %dma_wait3A_292 = tpu.memref_slice %arg6[%add3A_202, %dma_wait3A_291] : memref<40x64xi32, #tpu.memory_space<vmem>> -> memref<1x64xi32, #tpu.memory_space<vmem>>
          %dma_wait3A_293 = tpu.memref_squeeze %dma_wait3A_292 : memref<1x64xi32, #tpu.memory_space<vmem>> -> memref<64xi32, #tpu.memory_space<vmem>>
          %dma_wait3A_294 = arith.constant 0 : i32
          %dma_wait3A_295 = arith.constant 0 : i32
          %dma_wait3A_296 = tpu.memref_slice %arg12[%dma_wait3A_294, %dma_wait3A_295] : memref<10000x128xf32, #tpu.memory_space<vmem_shared>> -> memref<10000x128xf32, #tpu.memory_space<vmem_shared>>
          tpu.wait_indirect_dma semaphore(%arg17 : memref<!tpu.dma_semaphore, #tpu.memory_space<semaphore_mem>>) src(%arg8 : memref<64x128xf32, #tpu.memory_space<vmem>>) dst(%dma_wait3A_296 : memref<10000x128xf32, #tpu.memory_space<vmem_shared>>)
          %add3A_297 = arith.constant 4 : i32
          %add3A_298 = arith.addi %add3A_202, %add3A_297 : i32
          %dma_start3A_299 = arith.constant 0 : i32
          %dma_start3A_300 = tpu.memref_slice %arg5[%add3A_298, %dma_start3A_299] : memref<40x64xi32, #tpu.memory_space<vmem>> -> memref<1x64xi32, #tpu.memory_space<vmem>>
          %dma_start3A_301 = tpu.memref_squeeze %dma_start3A_300 : memref<1x64xi32, #tpu.memory_space<vmem>> -> memref<64xi32, #tpu.memory_space<vmem>>
          %dma_start3A_302 = arith.constant 0 : i32
          %dma_start3A_303 = arith.constant 0 : i32
          %dma_start3A_304 = tpu.memref_slice %arg3[%dma_start3A_302, %dma_start3A_303] : memref<10000x128xf32, #tpu.memory_space<hbm>> -> memref<10000x128xf32, #tpu.memory_space<hbm>>
          tpu.enqueue_indirect_dma source(%dma_start3A_304 : memref<10000x128xf32, #tpu.memory_space<hbm>>) target(%arg8 : memref<64x128xf32, #tpu.memory_space<vmem>>) offsets(%dma_start3A_301 : memref<64xi32, #tpu.memory_space<vmem>>) semaphore(%arg13 : memref<!tpu.dma_semaphore, #tpu.memory_space<semaphore_mem>>)
        } else {
        }
        %mul3A_222 = arith.constant 4 : i32
        %mul3A_223 = arith.muli %scan3A_198, %mul3A_222 : i32
        %add3A_224 = arith.constant 1 : i32
        %add3A_225 = arith.addi %mul3A_223, %add3A_224 : i32
        %dma_wait3A_226 = arith.constant 0 : i32
        %dma_wait3A_227 = tpu.memref_slice %arg5[%add3A_225, %dma_wait3A_226] : memref<40x64xi32, #tpu.memory_space<vmem>> -> memref<1x64xi32, #tpu.memory_space<vmem>>
        %dma_wait3A_228 = tpu.memref_squeeze %dma_wait3A_227 : memref<1x64xi32, #tpu.memory_space<vmem>> -> memref<64xi32, #tpu.memory_space<vmem>>
        %dma_wait3A_229 = arith.constant 0 : i32
        %dma_wait3A_230 = arith.constant 0 : i32
        %dma_wait3A_231 = tpu.memref_slice %arg3[%dma_wait3A_229, %dma_wait3A_230] : memref<10000x128xf32, #tpu.memory_space<hbm>> -> memref<10000x128xf32, #tpu.memory_space<hbm>>
        tpu.wait_indirect_dma semaphore(%arg14 : memref<!tpu.dma_semaphore, #tpu.memory_space<semaphore_mem>>) src(%dma_wait3A_231 : memref<10000x128xf32, #tpu.memory_space<hbm>>) dst(%arg9 : memref<64x128xf32, #tpu.memory_space<vmem>>)
        %dma_start3A_232 = arith.constant 0 : i32
        %dma_start3A_233 = tpu.memref_slice %arg6[%add3A_225, %dma_start3A_232] : memref<40x64xi32, #tpu.memory_space<vmem>> -> memref<1x64xi32, #tpu.memory_space<vmem>>
        %dma_start3A_234 = tpu.memref_squeeze %dma_start3A_233 : memref<1x64xi32, #tpu.memory_space<vmem>> -> memref<64xi32, #tpu.memory_space<vmem>>
        %dma_start3A_235 = arith.constant 0 : i32
        %dma_start3A_236 = arith.constant 0 : i32
        %dma_start3A_237 = tpu.memref_slice %arg12[%dma_start3A_235, %dma_start3A_236] : memref<10000x128xf32, #tpu.memory_space<vmem_shared>> -> memref<10000x128xf32, #tpu.memory_space<vmem_shared>>
        tpu.enqueue_indirect_dma source(%arg9 : memref<64x128xf32, #tpu.memory_space<vmem>>) target(%dma_start3A_237 : memref<10000x128xf32, #tpu.memory_space<vmem_shared>>) offsets(%dma_start3A_234 : memref<64xi32, #tpu.memory_space<vmem>>) semaphore(%arg18 : memref<!tpu.dma_semaphore, #tpu.memory_space<semaphore_mem>>) {add = true}
        %add3A_238 = arith.constant 4 : i32
        %add3A_239 = arith.addi %add3A_225, %add3A_238 : i32
        %lt3A_240 = arith.constant 40 : i32
        %lt3A_241 = arith.cmpi slt, %add3A_239, %lt3A_240 : i32
        %convert_element_type3A_242 = arith.extui %lt3A_241 : i1 to i32
        %cond3A_243 = arith.constant 0 : i32
        %cond3A_244 = arith.cmpi ne, %convert_element_type3A_242, %cond3A_243 : i32
        scf.if %cond3A_244 {
          %dma_wait3A_291 = arith.constant 0 : i32
          %dma_wait3A_292 = tpu.memref_slice %arg6[%add3A_225, %dma_wait3A_291] : memref<40x64xi32, #tpu.memory_space<vmem>> -> memref<1x64xi32, #tpu.memory_space<vmem>>
          %dma_wait3A_293 = tpu.memref_squeeze %dma_wait3A_292 : memref<1x64xi32, #tpu.memory_space<vmem>> -> memref<64xi32, #tpu.memory_space<vmem>>
          %dma_wait3A_294 = arith.constant 0 : i32
          %dma_wait3A_295 = arith.constant 0 : i32
          %dma_wait3A_296 = tpu.memref_slice %arg12[%dma_wait3A_294, %dma_wait3A_295] : memref<10000x128xf32, #tpu.memory_space<vmem_shared>> -> memref<10000x128xf32, #tpu.memory_space<vmem_shared>>
          tpu.wait_indirect_dma semaphore(%arg18 : memref<!tpu.dma_semaphore, #tpu.memory_space<semaphore_mem>>) src(%arg9 : memref<64x128xf32, #tpu.memory_space<vmem>>) dst(%dma_wait3A_296 : memref<10000x128xf32, #tpu.memory_space<vmem_shared>>)
          %add3A_297 = arith.constant 4 : i32
          %add3A_298 = arith.addi %add3A_225, %add3A_297 : i32
          %dma_start3A_299 = arith.constant 0 : i32
          %dma_start3A_300 = tpu.memref_slice %arg5[%add3A_298, %dma_start3A_299] : memref<40x64xi32, #tpu.memory_space<vmem>> -> memref<1x64xi32, #tpu.memory_space<vmem>>
          %dma_start3A_301 = tpu.memref_squeeze %dma_start3A_300 : memref<1x64xi32, #tpu.memory_space<vmem>> -> memref<64xi32, #tpu.memory_space<vmem>>
          %dma_start3A_302 = arith.constant 0 : i32
          %dma_start3A_303 = arith.constant 0 : i32
          %dma_start3A_304 = tpu.memref_slice %arg3[%dma_start3A_302, %dma_start3A_303] : memref<10000x128xf32, #tpu.memory_space<hbm>> -> memref<10000x128xf32, #tpu.memory_space<hbm>>
          tpu.enqueue_indirect_dma source(%dma_start3A_304 : memref<10000x128xf32, #tpu.memory_space<hbm>>) target(%arg9 : memref<64x128xf32, #tpu.memory_space<vmem>>) offsets(%dma_start3A_301 : memref<64xi32, #tpu.memory_space<vmem>>) semaphore(%arg14 : memref<!tpu.dma_semaphore, #tpu.memory_space<semaphore_mem>>)
        } else {
        }
        %mul3A_245 = arith.constant 4 : i32
        %mul3A_246 = arith.muli %scan3A_198, %mul3A_245 : i32
        %add3A_247 = arith.constant 2 : i32
        %add3A_248 = arith.addi %mul3A_246, %add3A_247 : i32
        %dma_wait3A_249 = arith.constant 0 : i32
        %dma_wait3A_250 = tpu.memref_slice %arg5[%add3A_248, %dma_wait3A_249] : memref<40x64xi32, #tpu.memory_space<vmem>> -> memref<1x64xi32, #tpu.memory_space<vmem>>
        %dma_wait3A_251 = tpu.memref_squeeze %dma_wait3A_250 : memref<1x64xi32, #tpu.memory_space<vmem>> -> memref<64xi32, #tpu.memory_space<vmem>>
        %dma_wait3A_252 = arith.constant 0 : i32
        %dma_wait3A_253 = arith.constant 0 : i32
        %dma_wait3A_254 = tpu.memref_slice %arg3[%dma_wait3A_252, %dma_wait3A_253] : memref<10000x128xf32, #tpu.memory_space<hbm>> -> memref<10000x128xf32, #tpu.memory_space<hbm>>
        tpu.wait_indirect_dma semaphore(%arg15 : memref<!tpu.dma_semaphore, #tpu.memory_space<semaphore_mem>>) src(%dma_wait3A_254 : memref<10000x128xf32, #tpu.memory_space<hbm>>) dst(%arg10 : memref<64x128xf32, #tpu.memory_space<vmem>>)
        %dma_start3A_255 = arith.constant 0 : i32
        %dma_start3A_256 = tpu.memref_slice %arg6[%add3A_248, %dma_start3A_255] : memref<40x64xi32, #tpu.memory_space<vmem>> -> memref<1x64xi32, #tpu.memory_space<vmem>>
        %dma_start3A_257 = tpu.memref_squeeze %dma_start3A_256 : memref<1x64xi32, #tpu.memory_space<vmem>> -> memref<64xi32, #tpu.memory_space<vmem>>
        %dma_start3A_258 = arith.constant 0 : i32
        %dma_start3A_259 = arith.constant 0 : i32
        %dma_start3A_260 = tpu.memref_slice %arg12[%dma_start3A_258, %dma_start3A_259] : memref<10000x128xf32, #tpu.memory_space<vmem_shared>> -> memref<10000x128xf32, #tpu.memory_space<vmem_shared>>
        tpu.enqueue_indirect_dma source(%arg10 : memref<64x128xf32, #tpu.memory_space<vmem>>) target(%dma_start3A_260 : memref<10000x128xf32, #tpu.memory_space<vmem_shared>>) offsets(%dma_start3A_257 : memref<64xi32, #tpu.memory_space<vmem>>) semaphore(%arg19 : memref<!tpu.dma_semaphore, #tpu.memory_space<semaphore_mem>>) {add = true}
        %add3A_261 = arith.constant 4 : i32
        %add3A_262 = arith.addi %add3A_248, %add3A_261 : i32
        %lt3A_263 = arith.constant 40 : i32
        %lt3A_264 = arith.cmpi slt, %add3A_262, %lt3A_263 : i32
        %convert_element_type3A_265 = arith.extui %lt3A_264 : i1 to i32
        %cond3A_266 = arith.constant 0 : i32
        %cond3A_267 = arith.cmpi ne, %convert_element_type3A_265, %cond3A_266 : i32
        scf.if %cond3A_267 {
          %dma_wait3A_291 = arith.constant 0 : i32
          %dma_wait3A_292 = tpu.memref_slice %arg6[%add3A_248, %dma_wait3A_291] : memref<40x64xi32, #tpu.memory_space<vmem>> -> memref<1x64xi32, #tpu.memory_space<vmem>>
          %dma_wait3A_293 = tpu.memref_squeeze %dma_wait3A_292 : memref<1x64xi32, #tpu.memory_space<vmem>> -> memref<64xi32, #tpu.memory_space<vmem>>
          %dma_wait3A_294 = arith.constant 0 : i32
          %dma_wait3A_295 = arith.constant 0 : i32
          %dma_wait3A_296 = tpu.memref_slice %arg12[%dma_wait3A_294, %dma_wait3A_295] : memref<10000x128xf32, #tpu.memory_space<vmem_shared>> -> memref<10000x128xf32, #tpu.memory_space<vmem_shared>>
          tpu.wait_indirect_dma semaphore(%arg19 : memref<!tpu.dma_semaphore, #tpu.memory_space<semaphore_mem>>) src(%arg10 : memref<64x128xf32, #tpu.memory_space<vmem>>) dst(%dma_wait3A_296 : memref<10000x128xf32, #tpu.memory_space<vmem_shared>>)
          %add3A_297 = arith.constant 4 : i32
          %add3A_298 = arith.addi %add3A_248, %add3A_297 : i32
          %dma_start3A_299 = arith.constant 0 : i32
          %dma_start3A_300 = tpu.memref_slice %arg5[%add3A_298, %dma_start3A_299] : memref<40x64xi32, #tpu.memory_space<vmem>> -> memref<1x64xi32, #tpu.memory_space<vmem>>
          %dma_start3A_301 = tpu.memref_squeeze %dma_start3A_300 : memref<1x64xi32, #tpu.memory_space<vmem>> -> memref<64xi32, #tpu.memory_space<vmem>>
          %dma_start3A_302 = arith.constant 0 : i32
          %dma_start3A_303 = arith.constant 0 : i32
          %dma_start3A_304 = tpu.memref_slice %arg3[%dma_start3A_302, %dma_start3A_303] : memref<10000x128xf32, #tpu.memory_space<hbm>> -> memref<10000x128xf32, #tpu.memory_space<hbm>>
          tpu.enqueue_indirect_dma source(%dma_start3A_304 : memref<10000x128xf32, #tpu.memory_space<hbm>>) target(%arg10 : memref<64x128xf32, #tpu.memory_space<vmem>>) offsets(%dma_start3A_301 : memref<64xi32, #tpu.memory_space<vmem>>) semaphore(%arg15 : memref<!tpu.dma_semaphore, #tpu.memory_space<semaphore_mem>>)
        } else {
        }
        %mul3A_268 = arith.constant 4 : i32
        %mul3A_269 = arith.muli %scan3A_198, %mul3A_268 : i32
        %add3A_270 = arith.constant 3 : i32
        %add3A_271 = arith.addi %mul3A_269, %add3A_270 : i32
        %dma_wait3A_272 = arith.constant 0 : i32
        %dma_wait3A_273 = tpu.memref_slice %arg5[%add3A_271, %dma_wait3A_272] : memref<40x64xi32, #tpu.memory_space<vmem>> -> memref<1x64xi32, #tpu.memory_space<vmem>>
        %dma_wait3A_274 = tpu.memref_squeeze %dma_wait3A_273 : memref<1x64xi32, #tpu.memory_space<vmem>> -> memref<64xi32, #tpu.memory_space<vmem>>
        %dma_wait3A_275 = arith.constant 0 : i32
        %dma_wait3A_276 = arith.constant 0 : i32
        %dma_wait3A_277 = tpu.memref_slice %arg3[%dma_wait3A_275, %dma_wait3A_276] : memref<10000x128xf32, #tpu.memory_space<hbm>> -> memref<10000x128xf32, #tpu.memory_space<hbm>>
        tpu.wait_indirect_dma semaphore(%arg16 : memref<!tpu.dma_semaphore, #tpu.memory_space<semaphore_mem>>) src(%dma_wait3A_277 : memref<10000x128xf32, #tpu.memory_space<hbm>>) dst(%arg11 : memref<64x128xf32, #tpu.memory_space<vmem>>)
        %dma_start3A_278 = arith.constant 0 : i32
        %dma_start3A_279 = tpu.memref_slice %arg6[%add3A_271, %dma_start3A_278] : memref<40x64xi32, #tpu.memory_space<vmem>> -> memref<1x64xi32, #tpu.memory_space<vmem>>
        %dma_start3A_280 = tpu.memref_squeeze %dma_start3A_279 : memref<1x64xi32, #tpu.memory_space<vmem>> -> memref<64xi32, #tpu.memory_space<vmem>>
        %dma_start3A_281 = arith.constant 0 : i32
        %dma_start3A_282 = arith.constant 0 : i32
        %dma_start3A_283 = tpu.memref_slice %arg12[%dma_start3A_281, %dma_start3A_282] : memref<10000x128xf32, #tpu.memory_space<vmem_shared>> -> memref<10000x128xf32, #tpu.memory_space<vmem_shared>>
        tpu.enqueue_indirect_dma source(%arg11 : memref<64x128xf32, #tpu.memory_space<vmem>>) target(%dma_start3A_283 : memref<10000x128xf32, #tpu.memory_space<vmem_shared>>) offsets(%dma_start3A_280 : memref<64xi32, #tpu.memory_space<vmem>>) semaphore(%arg20 : memref<!tpu.dma_semaphore, #tpu.memory_space<semaphore_mem>>) {add = true}
        %add3A_284 = arith.constant 4 : i32
        %add3A_285 = arith.addi %add3A_271, %add3A_284 : i32
        %lt3A_286 = arith.constant 40 : i32
        %lt3A_287 = arith.cmpi slt, %add3A_285, %lt3A_286 : i32
        %convert_element_type3A_288 = arith.extui %lt3A_287 : i1 to i32
        %cond3A_289 = arith.constant 0 : i32
        %cond3A_290 = arith.cmpi ne, %convert_element_type3A_288, %cond3A_289 : i32
        scf.if %cond3A_290 {
          %dma_wait3A_291 = arith.constant 0 : i32
          %dma_wait3A_292 = tpu.memref_slice %arg6[%add3A_271, %dma_wait3A_291] : memref<40x64xi32, #tpu.memory_space<vmem>> -> memref<1x64xi32, #tpu.memory_space<vmem>>
          %dma_wait3A_293 = tpu.memref_squeeze %dma_wait3A_292 : memref<1x64xi32, #tpu.memory_space<vmem>> -> memref<64xi32, #tpu.memory_space<vmem>>
          %dma_wait3A_294 = arith.constant 0 : i32
          %dma_wait3A_295 = arith.constant 0 : i32
          %dma_wait3A_296 = tpu.memref_slice %arg12[%dma_wait3A_294, %dma_wait3A_295] : memref<10000x128xf32, #tpu.memory_space<vmem_shared>> -> memref<10000x128xf32, #tpu.memory_space<vmem_shared>>
          tpu.wait_indirect_dma semaphore(%arg20 : memref<!tpu.dma_semaphore, #tpu.memory_space<semaphore_mem>>) src(%arg11 : memref<64x128xf32, #tpu.memory_space<vmem>>) dst(%dma_wait3A_296 : memref<10000x128xf32, #tpu.memory_space<vmem_shared>>)
          %add3A_297 = arith.constant 4 : i32
          %add3A_298 = arith.addi %add3A_271, %add3A_297 : i32
          %dma_start3A_299 = arith.constant 0 : i32
          %dma_start3A_300 = tpu.memref_slice %arg5[%add3A_298, %dma_start3A_299] : memref<40x64xi32, #tpu.memory_space<vmem>> -> memref<1x64xi32, #tpu.memory_space<vmem>>
          %dma_start3A_301 = tpu.memref_squeeze %dma_start3A_300 : memref<1x64xi32, #tpu.memory_space<vmem>> -> memref<64xi32, #tpu.memory_space<vmem>>
          %dma_start3A_302 = arith.constant 0 : i32
          %dma_start3A_303 = arith.constant 0 : i32
          %dma_start3A_304 = tpu.memref_slice %arg3[%dma_start3A_302, %dma_start3A_303] : memref<10000x128xf32, #tpu.memory_space<hbm>> -> memref<10000x128xf32, #tpu.memory_space<hbm>>
          tpu.enqueue_indirect_dma source(%dma_start3A_304 : memref<10000x128xf32, #tpu.memory_space<hbm>>) target(%arg11 : memref<64x128xf32, #tpu.memory_space<vmem>>) offsets(%dma_start3A_301 : memref<64xi32, #tpu.memory_space<vmem>>) semaphore(%arg16 : memref<!tpu.dma_semaphore, #tpu.memory_space<semaphore_mem>>)
        } else {
        }
      }
      %scan3A_197 = arith.constant 10 : i32
    } else {
    }
    %lt3A_60 = arith.constant 31 : i32
    %lt3A_61 = arith.cmpi slt, %add3A, %lt3A_60 : i32
    %convert_element_type3A_62 = arith.extui %lt3A_61 : i1 to i32
    %cond3A_63 = arith.constant 0 : i32
    %cond3A_64 = arith.cmpi ne, %convert_element_type3A_62, %cond3A_63 : i32
    scf.if %cond3A_64 {
      %mul3A_103 = arith.constant 160 : i32
      %mul3A_104 = arith.muli %add3A, %mul3A_103 : i32
      %add3A_105 = arith.constant 120 : i32
      %add3A_106 = arith.addi %mul3A_104, %add3A_105 : i32
      %multiple_of3A_107 = tpu.assume_multiple %add3A_106, 8 : i32
      %dma_start3A_108 = arith.constant 0 : i32
      %dma_start3A_109 = arith.constant 0 : i32
      %dma_start3A_110 = tpu.memref_slice %arg2[%dma_start3A_108, %multiple_of3A_107, %dma_start3A_109] : memref<2x5000x64xi32, #tpu.memory_space<hbm>> -> memref<1x40x64xi32, #tpu.memory_space<hbm>>
      %dma_start3A_111 = tpu.memref_squeeze %dma_start3A_110 : memref<1x40x64xi32, #tpu.memory_space<hbm>> -> memref<40x64xi32, #tpu.memory_space<hbm>>
      %dma_start3A_112 = arith.constant 0 : i32
      %dma_start3A_113 = tpu.memref_slice %arg2[%dma_start3A_108, %multiple_of3A_107, %dma_start3A_112] : memref<2x5000x64xi32, #tpu.memory_space<hbm>> -> memref<1x40x64xi32, #tpu.memory_space<hbm>>
      %dma_start3A_114 = tpu.memref_squeeze %dma_start3A_113 : memref<1x40x64xi32, #tpu.memory_space<hbm>> -> memref<40x64xi32, #tpu.memory_space<hbm>>
      tpu.enqueue_dma source(%dma_start3A_114 : memref<40x64xi32, #tpu.memory_space<hbm>>) target(%arg5 : memref<40x64xi32, #tpu.memory_space<vmem>>) target_semaphore(%arg21 : memref<!tpu.dma_semaphore, #tpu.memory_space<semaphore_mem>>)
      %dma_wait3A_115 = arith.constant 36 : i32
      %dma_wait3A_116 = arith.constant 0 : i32
      %dma_wait3A_117 = tpu.memref_slice %arg6[%dma_wait3A_115, %dma_wait3A_116] : memref<40x64xi32, #tpu.memory_space<vmem>> -> memref<1x64xi32, #tpu.memory_space<vmem>>
      %dma_wait3A_118 = tpu.memref_squeeze %dma_wait3A_117 : memref<1x64xi32, #tpu.memory_space<vmem>> -> memref<64xi32, #tpu.memory_space<vmem>>
      %dma_wait3A_119 = arith.constant 0 : i32
      %dma_wait3A_120 = arith.constant 0 : i32
      %dma_wait3A_121 = tpu.memref_slice %arg12[%dma_wait3A_119, %dma_wait3A_120] : memref<10000x128xf32, #tpu.memory_space<vmem_shared>> -> memref<10000x128xf32, #tpu.memory_space<vmem_shared>>
      tpu.wait_indirect_dma semaphore(%arg17 : memref<!tpu.dma_semaphore, #tpu.memory_space<semaphore_mem>>) src(%arg8 : memref<64x128xf32, #tpu.memory_space<vmem>>) dst(%dma_wait3A_121 : memref<10000x128xf32, #tpu.memory_space<vmem_shared>>)
      %dma_wait3A_122 = arith.constant 37 : i32
      %dma_wait3A_123 = arith.constant 0 : i32
      %dma_wait3A_124 = tpu.memref_slice %arg6[%dma_wait3A_122, %dma_wait3A_123] : memref<40x64xi32, #tpu.memory_space<vmem>> -> memref<1x64xi32, #tpu.memory_space<vmem>>
      %dma_wait3A_125 = tpu.memref_squeeze %dma_wait3A_124 : memref<1x64xi32, #tpu.memory_space<vmem>> -> memref<64xi32, #tpu.memory_space<vmem>>
      %dma_wait3A_126 = arith.constant 0 : i32
      %dma_wait3A_127 = arith.constant 0 : i32
      %dma_wait3A_128 = tpu.memref_slice %arg12[%dma_wait3A_126, %dma_wait3A_127] : memref<10000x128xf32, #tpu.memory_space<vmem_shared>> -> memref<10000x128xf32, #tpu.memory_space<vmem_shared>>
      tpu.wait_indirect_dma semaphore(%arg18 : memref<!tpu.dma_semaphore, #tpu.memory_space<semaphore_mem>>) src(%arg9 : memref<64x128xf32, #tpu.memory_space<vmem>>) dst(%dma_wait3A_128 : memref<10000x128xf32, #tpu.memory_space<vmem_shared>>)
      %dma_wait3A_129 = arith.constant 38 : i32
      %dma_wait3A_130 = arith.constant 0 : i32
      %dma_wait3A_131 = tpu.memref_slice %arg6[%dma_wait3A_129, %dma_wait3A_130] : memref<40x64xi32, #tpu.memory_space<vmem>> -> memref<1x64xi32, #tpu.memory_space<vmem>>
      %dma_wait3A_132 = tpu.memref_squeeze %dma_wait3A_131 : memref<1x64xi32, #tpu.memory_space<vmem>> -> memref<64xi32, #tpu.memory_space<vmem>>
      %dma_wait3A_133 = arith.constant 0 : i32
      %dma_wait3A_134 = arith.constant 0 : i32
      %dma_wait3A_135 = tpu.memref_slice %arg12[%dma_wait3A_133, %dma_wait3A_134] : memref<10000x128xf32, #tpu.memory_space<vmem_shared>> -> memref<10000x128xf32, #tpu.memory_space<vmem_shared>>
      tpu.wait_indirect_dma semaphore(%arg19 : memref<!tpu.dma_semaphore, #tpu.memory_space<semaphore_mem>>) src(%arg10 : memref<64x128xf32, #tpu.memory_space<vmem>>) dst(%dma_wait3A_135 : memref<10000x128xf32, #tpu.memory_space<vmem_shared>>)
      %dma_wait3A_136 = arith.constant 39 : i32
      %dma_wait3A_137 = arith.constant 0 : i32
      %dma_wait3A_138 = tpu.memref_slice %arg6[%dma_wait3A_136, %dma_wait3A_137] : memref<40x64xi32, #tpu.memory_space<vmem>> -> memref<1x64xi32, #tpu.memory_space<vmem>>
      %dma_wait3A_139 = tpu.memref_squeeze %dma_wait3A_138 : memref<1x64xi32, #tpu.memory_space<vmem>> -> memref<64xi32, #tpu.memory_space<vmem>>
      %dma_wait3A_140 = arith.constant 0 : i32
      %dma_wait3A_141 = arith.constant 0 : i32
      %dma_wait3A_142 = tpu.memref_slice %arg12[%dma_wait3A_140, %dma_wait3A_141] : memref<10000x128xf32, #tpu.memory_space<vmem_shared>> -> memref<10000x128xf32, #tpu.memory_space<vmem_shared>>
      tpu.wait_indirect_dma semaphore(%arg20 : memref<!tpu.dma_semaphore, #tpu.memory_space<semaphore_mem>>) src(%arg11 : memref<64x128xf32, #tpu.memory_space<vmem>>) dst(%dma_wait3A_142 : memref<10000x128xf32, #tpu.memory_space<vmem_shared>>)
      %dma_start3A_143 = arith.constant 1 : i32
      %dma_start3A_144 = arith.constant 0 : i32
      %dma_start3A_145 = tpu.memref_slice %arg2[%dma_start3A_143, %multiple_of3A_107, %dma_start3A_144] : memref<2x5000x64xi32, #tpu.memory_space<hbm>> -> memref<1x40x64xi32, #tpu.memory_space<hbm>>
      %dma_start3A_146 = tpu.memref_squeeze %dma_start3A_145 : memref<1x40x64xi32, #tpu.memory_space<hbm>> -> memref<40x64xi32, #tpu.memory_space<hbm>>
      %dma_start3A_147 = arith.constant 0 : i32
      %dma_start3A_148 = tpu.memref_slice %arg2[%dma_start3A_143, %multiple_of3A_107, %dma_start3A_147] : memref<2x5000x64xi32, #tpu.memory_space<hbm>> -> memref<1x40x64xi32, #tpu.memory_space<hbm>>
      %dma_start3A_149 = tpu.memref_squeeze %dma_start3A_148 : memref<1x40x64xi32, #tpu.memory_space<hbm>> -> memref<40x64xi32, #tpu.memory_space<hbm>>
      tpu.enqueue_dma source(%dma_start3A_149 : memref<40x64xi32, #tpu.memory_space<hbm>>) target(%arg6 : memref<40x64xi32, #tpu.memory_space<vmem>>) target_semaphore(%arg22 : memref<!tpu.dma_semaphore, #tpu.memory_space<semaphore_mem>>)
      %dma_wait3A_150 = arith.constant 0 : i32
      %dma_wait3A_151 = arith.constant 0 : i32
      %dma_wait3A_152 = tpu.memref_slice %arg2[%dma_wait3A_150, %multiple_of3A_107, %dma_wait3A_151] : memref<2x5000x64xi32, #tpu.memory_space<hbm>> -> memref<1x40x64xi32, #tpu.memory_space<hbm>>
      %dma_wait3A_153 = tpu.memref_squeeze %dma_wait3A_152 : memref<1x40x64xi32, #tpu.memory_space<hbm>> -> memref<40x64xi32, #tpu.memory_space<hbm>>
      %dma_wait3A_154 = arith.constant 0 : i32
      %dma_wait3A_155 = tpu.memref_slice %arg2[%dma_wait3A_150, %multiple_of3A_107, %dma_wait3A_154] : memref<2x5000x64xi32, #tpu.memory_space<hbm>> -> memref<1x40x64xi32, #tpu.memory_space<hbm>>
      %dma_wait3A_156 = tpu.memref_squeeze %dma_wait3A_155 : memref<1x40x64xi32, #tpu.memory_space<hbm>> -> memref<40x64xi32, #tpu.memory_space<hbm>>
      tpu.wait_dma2 semaphore(%arg21 : memref<!tpu.dma_semaphore, #tpu.memory_space<semaphore_mem>>) src(%dma_wait3A_156 : memref<40x64xi32, #tpu.memory_space<hbm>>) dst(%arg5 : memref<40x64xi32, #tpu.memory_space<vmem>>)
      %dma_start3A_157 = arith.constant 0 : i32
      %dma_start3A_158 = arith.constant 0 : i32
      %dma_start3A_159 = tpu.memref_slice %arg5[%dma_start3A_157, %dma_start3A_158] : memref<40x64xi32, #tpu.memory_space<vmem>> -> memref<1x64xi32, #tpu.memory_space<vmem>>
      %dma_start3A_160 = tpu.memref_squeeze %dma_start3A_159 : memref<1x64xi32, #tpu.memory_space<vmem>> -> memref<64xi32, #tpu.memory_space<vmem>>
      %dma_start3A_161 = arith.constant 0 : i32
      %dma_start3A_162 = arith.constant 0 : i32
      %dma_start3A_163 = tpu.memref_slice %arg3[%dma_start3A_161, %dma_start3A_162] : memref<10000x128xf32, #tpu.memory_space<hbm>> -> memref<10000x128xf32, #tpu.memory_space<hbm>>
      tpu.enqueue_indirect_dma source(%dma_start3A_163 : memref<10000x128xf32, #tpu.memory_space<hbm>>) target(%arg8 : memref<64x128xf32, #tpu.memory_space<vmem>>) offsets(%dma_start3A_160 : memref<64xi32, #tpu.memory_space<vmem>>) semaphore(%arg13 : memref<!tpu.dma_semaphore, #tpu.memory_space<semaphore_mem>>)
      %dma_start3A_164 = arith.constant 1 : i32
      %dma_start3A_165 = arith.constant 0 : i32
      %dma_start3A_166 = tpu.memref_slice %arg5[%dma_start3A_164, %dma_start3A_165] : memref<40x64xi32, #tpu.memory_space<vmem>> -> memref<1x64xi32, #tpu.memory_space<vmem>>
      %dma_start3A_167 = tpu.memref_squeeze %dma_start3A_166 : memref<1x64xi32, #tpu.memory_space<vmem>> -> memref<64xi32, #tpu.memory_space<vmem>>
      %dma_start3A_168 = arith.constant 0 : i32
      %dma_start3A_169 = arith.constant 0 : i32
      %dma_start3A_170 = tpu.memref_slice %arg3[%dma_start3A_168, %dma_start3A_169] : memref<10000x128xf32, #tpu.memory_space<hbm>> -> memref<10000x128xf32, #tpu.memory_space<hbm>>
      tpu.enqueue_indirect_dma source(%dma_start3A_170 : memref<10000x128xf32, #tpu.memory_space<hbm>>) target(%arg9 : memref<64x128xf32, #tpu.memory_space<vmem>>) offsets(%dma_start3A_167 : memref<64xi32, #tpu.memory_space<vmem>>) semaphore(%arg14 : memref<!tpu.dma_semaphore, #tpu.memory_space<semaphore_mem>>)
      %dma_start3A_171 = arith.constant 2 : i32
      %dma_start3A_172 = arith.constant 0 : i32
      %dma_start3A_173 = tpu.memref_slice %arg5[%dma_start3A_171, %dma_start3A_172] : memref<40x64xi32, #tpu.memory_space<vmem>> -> memref<1x64xi32, #tpu.memory_space<vmem>>
      %dma_start3A_174 = tpu.memref_squeeze %dma_start3A_173 : memref<1x64xi32, #tpu.memory_space<vmem>> -> memref<64xi32, #tpu.memory_space<vmem>>
      %dma_start3A_175 = arith.constant 0 : i32
      %dma_start3A_176 = arith.constant 0 : i32
      %dma_start3A_177 = tpu.memref_slice %arg3[%dma_start3A_175, %dma_start3A_176] : memref<10000x128xf32, #tpu.memory_space<hbm>> -> memref<10000x128xf32, #tpu.memory_space<hbm>>
      tpu.enqueue_indirect_dma source(%dma_start3A_177 : memref<10000x128xf32, #tpu.memory_space<hbm>>) target(%arg10 : memref<64x128xf32, #tpu.memory_space<vmem>>) offsets(%dma_start3A_174 : memref<64xi32, #tpu.memory_space<vmem>>) semaphore(%arg15 : memref<!tpu.dma_semaphore, #tpu.memory_space<semaphore_mem>>)
      %dma_start3A_178 = arith.constant 3 : i32
      %dma_start3A_179 = arith.constant 0 : i32
      %dma_start3A_180 = tpu.memref_slice %arg5[%dma_start3A_178, %dma_start3A_179] : memref<40x64xi32, #tpu.memory_space<vmem>> -> memref<1x64xi32, #tpu.memory_space<vmem>>
      %dma_start3A_181 = tpu.memref_squeeze %dma_start3A_180 : memref<1x64xi32, #tpu.memory_space<vmem>> -> memref<64xi32, #tpu.memory_space<vmem>>
      %dma_start3A_182 = arith.constant 0 : i32
      %dma_start3A_183 = arith.constant 0 : i32
      %dma_start3A_184 = tpu.memref_slice %arg3[%dma_start3A_182, %dma_start3A_183] : memref<10000x128xf32, #tpu.memory_space<hbm>> -> memref<10000x128xf32, #tpu.memory_space<hbm>>
      tpu.enqueue_indirect_dma source(%dma_start3A_184 : memref<10000x128xf32, #tpu.memory_space<hbm>>) target(%arg11 : memref<64x128xf32, #tpu.memory_space<vmem>>) offsets(%dma_start3A_181 : memref<64xi32, #tpu.memory_space<vmem>>) semaphore(%arg16 : memref<!tpu.dma_semaphore, #tpu.memory_space<semaphore_mem>>)
      %dma_wait3A_185 = arith.constant 1 : i32
      %dma_wait3A_186 = arith.constant 0 : i32
      %dma_wait3A_187 = tpu.memref_slice %arg2[%dma_wait3A_185, %multiple_of3A_107, %dma_wait3A_186] : memref<2x5000x64xi32, #tpu.memory_space<hbm>> -> memref<1x40x64xi32, #tpu.memory_space<hbm>>
      %dma_wait3A_188 = tpu.memref_squeeze %dma_wait3A_187 : memref<1x40x64xi32, #tpu.memory_space<hbm>> -> memref<40x64xi32, #tpu.memory_space<hbm>>
      %dma_wait3A_189 = arith.constant 0 : i32
      %dma_wait3A_190 = tpu.memref_slice %arg2[%dma_wait3A_185, %multiple_of3A_107, %dma_wait3A_189] : memref<2x5000x64xi32, #tpu.memory_space<hbm>> -> memref<1x40x64xi32, #tpu.memory_space<hbm>>
      %dma_wait3A_191 = tpu.memref_squeeze %dma_wait3A_190 : memref<1x40x64xi32, #tpu.memory_space<hbm>> -> memref<40x64xi32, #tpu.memory_space<hbm>>
      tpu.wait_dma2 semaphore(%arg22 : memref<!tpu.dma_semaphore, #tpu.memory_space<semaphore_mem>>) src(%dma_wait3A_191 : memref<40x64xi32, #tpu.memory_space<hbm>>) dst(%arg6 : memref<40x64xi32, #tpu.memory_space<vmem>>)
      %scan3A_192 = arith.constant 0 : i32
      %scan3A_193 = arith.constant 0 : i32
      %scan3A_194 = arith.constant 10 : i32
      %scan3A_195 = arith.addi %scan3A_193, %scan3A_194 : i32
      %scan3A_196 = arith.constant 1 : i32
      scf.for %scan3A_198 = %scan3A_193 to %scan3A_195 step %scan3A_196  : i32 {
        %mul3A_199 = arith.constant 4 : i32
        %mul3A_200 = arith.muli %scan3A_198, %mul3A_199 : i32
        %add3A_201 = arith.constant 0 : i32
        %add3A_202 = arith.addi %mul3A_200, %add3A_201 : i32
        %dma_wait3A_203 = arith.constant 0 : i32
        %dma_wait3A_204 = tpu.memref_slice %arg5[%add3A_202, %dma_wait3A_203] : memref<40x64xi32, #tpu.memory_space<vmem>> -> memref<1x64xi32, #tpu.memory_space<vmem>>
        %dma_wait3A_205 = tpu.memref_squeeze %dma_wait3A_204 : memref<1x64xi32, #tpu.memory_space<vmem>> -> memref<64xi32, #tpu.memory_space<vmem>>
        %dma_wait3A_206 = arith.constant 0 : i32
        %dma_wait3A_207 = arith.constant 0 : i32
        %dma_wait3A_208 = tpu.memref_slice %arg3[%dma_wait3A_206, %dma_wait3A_207] : memref<10000x128xf32, #tpu.memory_space<hbm>> -> memref<10000x128xf32, #tpu.memory_space<hbm>>
        tpu.wait_indirect_dma semaphore(%arg13 : memref<!tpu.dma_semaphore, #tpu.memory_space<semaphore_mem>>) src(%dma_wait3A_208 : memref<10000x128xf32, #tpu.memory_space<hbm>>) dst(%arg8 : memref<64x128xf32, #tpu.memory_space<vmem>>)
        %dma_start3A_209 = arith.constant 0 : i32
        %dma_start3A_210 = tpu.memref_slice %arg6[%add3A_202, %dma_start3A_209] : memref<40x64xi32, #tpu.memory_space<vmem>> -> memref<1x64xi32, #tpu.memory_space<vmem>>
        %dma_start3A_211 = tpu.memref_squeeze %dma_start3A_210 : memref<1x64xi32, #tpu.memory_space<vmem>> -> memref<64xi32, #tpu.memory_space<vmem>>
        %dma_start3A_212 = arith.constant 0 : i32
        %dma_start3A_213 = arith.constant 0 : i32
        %dma_start3A_214 = tpu.memref_slice %arg12[%dma_start3A_212, %dma_start3A_213] : memref<10000x128xf32, #tpu.memory_space<vmem_shared>> -> memref<10000x128xf32, #tpu.memory_space<vmem_shared>>
        tpu.enqueue_indirect_dma source(%arg8 : memref<64x128xf32, #tpu.memory_space<vmem>>) target(%dma_start3A_214 : memref<10000x128xf32, #tpu.memory_space<vmem_shared>>) offsets(%dma_start3A_211 : memref<64xi32, #tpu.memory_space<vmem>>) semaphore(%arg17 : memref<!tpu.dma_semaphore, #tpu.memory_space<semaphore_mem>>) {add = true}
        %add3A_215 = arith.constant 4 : i32
        %add3A_216 = arith.addi %add3A_202, %add3A_215 : i32
        %lt3A_217 = arith.constant 40 : i32
        %lt3A_218 = arith.cmpi slt, %add3A_216, %lt3A_217 : i32
        %convert_element_type3A_219 = arith.extui %lt3A_218 : i1 to i32
        %cond3A_220 = arith.constant 0 : i32
        %cond3A_221 = arith.cmpi ne, %convert_element_type3A_219, %cond3A_220 : i32
        scf.if %cond3A_221 {
          %dma_wait3A_291 = arith.constant 0 : i32
          %dma_wait3A_292 = tpu.memref_slice %arg6[%add3A_202, %dma_wait3A_291] : memref<40x64xi32, #tpu.memory_space<vmem>> -> memref<1x64xi32, #tpu.memory_space<vmem>>
          %dma_wait3A_293 = tpu.memref_squeeze %dma_wait3A_292 : memref<1x64xi32, #tpu.memory_space<vmem>> -> memref<64xi32, #tpu.memory_space<vmem>>
          %dma_wait3A_294 = arith.constant 0 : i32
          %dma_wait3A_295 = arith.constant 0 : i32
          %dma_wait3A_296 = tpu.memref_slice %arg12[%dma_wait3A_294, %dma_wait3A_295] : memref<10000x128xf32, #tpu.memory_space<vmem_shared>> -> memref<10000x128xf32, #tpu.memory_space<vmem_shared>>
          tpu.wait_indirect_dma semaphore(%arg17 : memref<!tpu.dma_semaphore, #tpu.memory_space<semaphore_mem>>) src(%arg8 : memref<64x128xf32, #tpu.memory_space<vmem>>) dst(%dma_wait3A_296 : memref<10000x128xf32, #tpu.memory_space<vmem_shared>>)
          %add3A_297 = arith.constant 4 : i32
          %add3A_298 = arith.addi %add3A_202, %add3A_297 : i32
          %dma_start3A_299 = arith.constant 0 : i32
          %dma_start3A_300 = tpu.memref_slice %arg5[%add3A_298, %dma_start3A_299] : memref<40x64xi32, #tpu.memory_space<vmem>> -> memref<1x64xi32, #tpu.memory_space<vmem>>
          %dma_start3A_301 = tpu.memref_squeeze %dma_start3A_300 : memref<1x64xi32, #tpu.memory_space<vmem>> -> memref<64xi32, #tpu.memory_space<vmem>>
          %dma_start3A_302 = arith.constant 0 : i32
          %dma_start3A_303 = arith.constant 0 : i32
          %dma_start3A_304 = tpu.memref_slice %arg3[%dma_start3A_302, %dma_start3A_303] : memref<10000x128xf32, #tpu.memory_space<hbm>> -> memref<10000x128xf32, #tpu.memory_space<hbm>>
          tpu.enqueue_indirect_dma source(%dma_start3A_304 : memref<10000x128xf32, #tpu.memory_space<hbm>>) target(%arg8 : memref<64x128xf32, #tpu.memory_space<vmem>>) offsets(%dma_start3A_301 : memref<64xi32, #tpu.memory_space<vmem>>) semaphore(%arg13 : memref<!tpu.dma_semaphore, #tpu.memory_space<semaphore_mem>>)
        } else {
        }
        %mul3A_222 = arith.constant 4 : i32
        %mul3A_223 = arith.muli %scan3A_198, %mul3A_222 : i32
        %add3A_224 = arith.constant 1 : i32
        %add3A_225 = arith.addi %mul3A_223, %add3A_224 : i32
        %dma_wait3A_226 = arith.constant 0 : i32
        %dma_wait3A_227 = tpu.memref_slice %arg5[%add3A_225, %dma_wait3A_226] : memref<40x64xi32, #tpu.memory_space<vmem>> -> memref<1x64xi32, #tpu.memory_space<vmem>>
        %dma_wait3A_228 = tpu.memref_squeeze %dma_wait3A_227 : memref<1x64xi32, #tpu.memory_space<vmem>> -> memref<64xi32, #tpu.memory_space<vmem>>
        %dma_wait3A_229 = arith.constant 0 : i32
        %dma_wait3A_230 = arith.constant 0 : i32
        %dma_wait3A_231 = tpu.memref_slice %arg3[%dma_wait3A_229, %dma_wait3A_230] : memref<10000x128xf32, #tpu.memory_space<hbm>> -> memref<10000x128xf32, #tpu.memory_space<hbm>>
        tpu.wait_indirect_dma semaphore(%arg14 : memref<!tpu.dma_semaphore, #tpu.memory_space<semaphore_mem>>) src(%dma_wait3A_231 : memref<10000x128xf32, #tpu.memory_space<hbm>>) dst(%arg9 : memref<64x128xf32, #tpu.memory_space<vmem>>)
        %dma_start3A_232 = arith.constant 0 : i32
        %dma_start3A_233 = tpu.memref_slice %arg6[%add3A_225, %dma_start3A_232] : memref<40x64xi32, #tpu.memory_space<vmem>> -> memref<1x64xi32, #tpu.memory_space<vmem>>
        %dma_start3A_234 = tpu.memref_squeeze %dma_start3A_233 : memref<1x64xi32, #tpu.memory_space<vmem>> -> memref<64xi32, #tpu.memory_space<vmem>>
        %dma_start3A_235 = arith.constant 0 : i32
        %dma_start3A_236 = arith.constant 0 : i32
        %dma_start3A_237 = tpu.memref_slice %arg12[%dma_start3A_235, %dma_start3A_236] : memref<10000x128xf32, #tpu.memory_space<vmem_shared>> -> memref<10000x128xf32, #tpu.memory_space<vmem_shared>>
        tpu.enqueue_indirect_dma source(%arg9 : memref<64x128xf32, #tpu.memory_space<vmem>>) target(%dma_start3A_237 : memref<10000x128xf32, #tpu.memory_space<vmem_shared>>) offsets(%dma_start3A_234 : memref<64xi32, #tpu.memory_space<vmem>>) semaphore(%arg18 : memref<!tpu.dma_semaphore, #tpu.memory_space<semaphore_mem>>) {add = true}
        %add3A_238 = arith.constant 4 : i32
        %add3A_239 = arith.addi %add3A_225, %add3A_238 : i32
        %lt3A_240 = arith.constant 40 : i32
        %lt3A_241 = arith.cmpi slt, %add3A_239, %lt3A_240 : i32
        %convert_element_type3A_242 = arith.extui %lt3A_241 : i1 to i32
        %cond3A_243 = arith.constant 0 : i32
        %cond3A_244 = arith.cmpi ne, %convert_element_type3A_242, %cond3A_243 : i32
        scf.if %cond3A_244 {
          %dma_wait3A_291 = arith.constant 0 : i32
          %dma_wait3A_292 = tpu.memref_slice %arg6[%add3A_225, %dma_wait3A_291] : memref<40x64xi32, #tpu.memory_space<vmem>> -> memref<1x64xi32, #tpu.memory_space<vmem>>
          %dma_wait3A_293 = tpu.memref_squeeze %dma_wait3A_292 : memref<1x64xi32, #tpu.memory_space<vmem>> -> memref<64xi32, #tpu.memory_space<vmem>>
          %dma_wait3A_294 = arith.constant 0 : i32
          %dma_wait3A_295 = arith.constant 0 : i32
          %dma_wait3A_296 = tpu.memref_slice %arg12[%dma_wait3A_294, %dma_wait3A_295] : memref<10000x128xf32, #tpu.memory_space<vmem_shared>> -> memref<10000x128xf32, #tpu.memory_space<vmem_shared>>
          tpu.wait_indirect_dma semaphore(%arg18 : memref<!tpu.dma_semaphore, #tpu.memory_space<semaphore_mem>>) src(%arg9 : memref<64x128xf32, #tpu.memory_space<vmem>>) dst(%dma_wait3A_296 : memref<10000x128xf32, #tpu.memory_space<vmem_shared>>)
          %add3A_297 = arith.constant 4 : i32
          %add3A_298 = arith.addi %add3A_225, %add3A_297 : i32
          %dma_start3A_299 = arith.constant 0 : i32
          %dma_start3A_300 = tpu.memref_slice %arg5[%add3A_298, %dma_start3A_299] : memref<40x64xi32, #tpu.memory_space<vmem>> -> memref<1x64xi32, #tpu.memory_space<vmem>>
          %dma_start3A_301 = tpu.memref_squeeze %dma_start3A_300 : memref<1x64xi32, #tpu.memory_space<vmem>> -> memref<64xi32, #tpu.memory_space<vmem>>
          %dma_start3A_302 = arith.constant 0 : i32
          %dma_start3A_303 = arith.constant 0 : i32
          %dma_start3A_304 = tpu.memref_slice %arg3[%dma_start3A_302, %dma_start3A_303] : memref<10000x128xf32, #tpu.memory_space<hbm>> -> memref<10000x128xf32, #tpu.memory_space<hbm>>
          tpu.enqueue_indirect_dma source(%dma_start3A_304 : memref<10000x128xf32, #tpu.memory_space<hbm>>) target(%arg9 : memref<64x128xf32, #tpu.memory_space<vmem>>) offsets(%dma_start3A_301 : memref<64xi32, #tpu.memory_space<vmem>>) semaphore(%arg14 : memref<!tpu.dma_semaphore, #tpu.memory_space<semaphore_mem>>)
        } else {
        }
        %mul3A_245 = arith.constant 4 : i32
        %mul3A_246 = arith.muli %scan3A_198, %mul3A_245 : i32
        %add3A_247 = arith.constant 2 : i32
        %add3A_248 = arith.addi %mul3A_246, %add3A_247 : i32
        %dma_wait3A_249 = arith.constant 0 : i32
        %dma_wait3A_250 = tpu.memref_slice %arg5[%add3A_248, %dma_wait3A_249] : memref<40x64xi32, #tpu.memory_space<vmem>> -> memref<1x64xi32, #tpu.memory_space<vmem>>
        %dma_wait3A_251 = tpu.memref_squeeze %dma_wait3A_250 : memref<1x64xi32, #tpu.memory_space<vmem>> -> memref<64xi32, #tpu.memory_space<vmem>>
        %dma_wait3A_252 = arith.constant 0 : i32
        %dma_wait3A_253 = arith.constant 0 : i32
        %dma_wait3A_254 = tpu.memref_slice %arg3[%dma_wait3A_252, %dma_wait3A_253] : memref<10000x128xf32, #tpu.memory_space<hbm>> -> memref<10000x128xf32, #tpu.memory_space<hbm>>
        tpu.wait_indirect_dma semaphore(%arg15 : memref<!tpu.dma_semaphore, #tpu.memory_space<semaphore_mem>>) src(%dma_wait3A_254 : memref<10000x128xf32, #tpu.memory_space<hbm>>) dst(%arg10 : memref<64x128xf32, #tpu.memory_space<vmem>>)
        %dma_start3A_255 = arith.constant 0 : i32
        %dma_start3A_256 = tpu.memref_slice %arg6[%add3A_248, %dma_start3A_255] : memref<40x64xi32, #tpu.memory_space<vmem>> -> memref<1x64xi32, #tpu.memory_space<vmem>>
        %dma_start3A_257 = tpu.memref_squeeze %dma_start3A_256 : memref<1x64xi32, #tpu.memory_space<vmem>> -> memref<64xi32, #tpu.memory_space<vmem>>
        %dma_start3A_258 = arith.constant 0 : i32
        %dma_start3A_259 = arith.constant 0 : i32
        %dma_start3A_260 = tpu.memref_slice %arg12[%dma_start3A_258, %dma_start3A_259] : memref<10000x128xf32, #tpu.memory_space<vmem_shared>> -> memref<10000x128xf32, #tpu.memory_space<vmem_shared>>
        tpu.enqueue_indirect_dma source(%arg10 : memref<64x128xf32, #tpu.memory_space<vmem>>) target(%dma_start3A_260 : memref<10000x128xf32, #tpu.memory_space<vmem_shared>>) offsets(%dma_start3A_257 : memref<64xi32, #tpu.memory_space<vmem>>) semaphore(%arg19 : memref<!tpu.dma_semaphore, #tpu.memory_space<semaphore_mem>>) {add = true}
        %add3A_261 = arith.constant 4 : i32
        %add3A_262 = arith.addi %add3A_248, %add3A_261 : i32
        %lt3A_263 = arith.constant 40 : i32
        %lt3A_264 = arith.cmpi slt, %add3A_262, %lt3A_263 : i32
        %convert_element_type3A_265 = arith.extui %lt3A_264 : i1 to i32
        %cond3A_266 = arith.constant 0 : i32
        %cond3A_267 = arith.cmpi ne, %convert_element_type3A_265, %cond3A_266 : i32
        scf.if %cond3A_267 {
          %dma_wait3A_291 = arith.constant 0 : i32
          %dma_wait3A_292 = tpu.memref_slice %arg6[%add3A_248, %dma_wait3A_291] : memref<40x64xi32, #tpu.memory_space<vmem>> -> memref<1x64xi32, #tpu.memory_space<vmem>>
          %dma_wait3A_293 = tpu.memref_squeeze %dma_wait3A_292 : memref<1x64xi32, #tpu.memory_space<vmem>> -> memref<64xi32, #tpu.memory_space<vmem>>
          %dma_wait3A_294 = arith.constant 0 : i32
          %dma_wait3A_295 = arith.constant 0 : i32
          %dma_wait3A_296 = tpu.memref_slice %arg12[%dma_wait3A_294, %dma_wait3A_295] : memref<10000x128xf32, #tpu.memory_space<vmem_shared>> -> memref<10000x128xf32, #tpu.memory_space<vmem_shared>>
          tpu.wait_indirect_dma semaphore(%arg19 : memref<!tpu.dma_semaphore, #tpu.memory_space<semaphore_mem>>) src(%arg10 : memref<64x128xf32, #tpu.memory_space<vmem>>) dst(%dma_wait3A_296 : memref<10000x128xf32, #tpu.memory_space<vmem_shared>>)
          %add3A_297 = arith.constant 4 : i32
          %add3A_298 = arith.addi %add3A_248, %add3A_297 : i32
          %dma_start3A_299 = arith.constant 0 : i32
          %dma_start3A_300 = tpu.memref_slice %arg5[%add3A_298, %dma_start3A_299] : memref<40x64xi32, #tpu.memory_space<vmem>> -> memref<1x64xi32, #tpu.memory_space<vmem>>
          %dma_start3A_301 = tpu.memref_squeeze %dma_start3A_300 : memref<1x64xi32, #tpu.memory_space<vmem>> -> memref<64xi32, #tpu.memory_space<vmem>>
          %dma_start3A_302 = arith.constant 0 : i32
          %dma_start3A_303 = arith.constant 0 : i32
          %dma_start3A_304 = tpu.memref_slice %arg3[%dma_start3A_302, %dma_start3A_303] : memref<10000x128xf32, #tpu.memory_space<hbm>> -> memref<10000x128xf32, #tpu.memory_space<hbm>>
          tpu.enqueue_indirect_dma source(%dma_start3A_304 : memref<10000x128xf32, #tpu.memory_space<hbm>>) target(%arg10 : memref<64x128xf32, #tpu.memory_space<vmem>>) offsets(%dma_start3A_301 : memref<64xi32, #tpu.memory_space<vmem>>) semaphore(%arg15 : memref<!tpu.dma_semaphore, #tpu.memory_space<semaphore_mem>>)
        } else {
        }
        %mul3A_268 = arith.constant 4 : i32
        %mul3A_269 = arith.muli %scan3A_198, %mul3A_268 : i32
        %add3A_270 = arith.constant 3 : i32
        %add3A_271 = arith.addi %mul3A_269, %add3A_270 : i32
        %dma_wait3A_272 = arith.constant 0 : i32
        %dma_wait3A_273 = tpu.memref_slice %arg5[%add3A_271, %dma_wait3A_272] : memref<40x64xi32, #tpu.memory_space<vmem>> -> memref<1x64xi32, #tpu.memory_space<vmem>>
        %dma_wait3A_274 = tpu.memref_squeeze %dma_wait3A_273 : memref<1x64xi32, #tpu.memory_space<vmem>> -> memref<64xi32, #tpu.memory_space<vmem>>
        %dma_wait3A_275 = arith.constant 0 : i32
        %dma_wait3A_276 = arith.constant 0 : i32
        %dma_wait3A_277 = tpu.memref_slice %arg3[%dma_wait3A_275, %dma_wait3A_276] : memref<10000x128xf32, #tpu.memory_space<hbm>> -> memref<10000x128xf32, #tpu.memory_space<hbm>>
        tpu.wait_indirect_dma semaphore(%arg16 : memref<!tpu.dma_semaphore, #tpu.memory_space<semaphore_mem>>) src(%dma_wait3A_277 : memref<10000x128xf32, #tpu.memory_space<hbm>>) dst(%arg11 : memref<64x128xf32, #tpu.memory_space<vmem>>)
        %dma_start3A_278 = arith.constant 0 : i32
        %dma_start3A_279 = tpu.memref_slice %arg6[%add3A_271, %dma_start3A_278] : memref<40x64xi32, #tpu.memory_space<vmem>> -> memref<1x64xi32, #tpu.memory_space<vmem>>
        %dma_start3A_280 = tpu.memref_squeeze %dma_start3A_279 : memref<1x64xi32, #tpu.memory_space<vmem>> -> memref<64xi32, #tpu.memory_space<vmem>>
        %dma_start3A_281 = arith.constant 0 : i32
        %dma_start3A_282 = arith.constant 0 : i32
        %dma_start3A_283 = tpu.memref_slice %arg12[%dma_start3A_281, %dma_start3A_282] : memref<10000x128xf32, #tpu.memory_space<vmem_shared>> -> memref<10000x128xf32, #tpu.memory_space<vmem_shared>>
        tpu.enqueue_indirect_dma source(%arg11 : memref<64x128xf32, #tpu.memory_space<vmem>>) target(%dma_start3A_283 : memref<10000x128xf32, #tpu.memory_space<vmem_shared>>) offsets(%dma_start3A_280 : memref<64xi32, #tpu.memory_space<vmem>>) semaphore(%arg20 : memref<!tpu.dma_semaphore, #tpu.memory_space<semaphore_mem>>) {add = true}
        %add3A_284 = arith.constant 4 : i32
        %add3A_285 = arith.addi %add3A_271, %add3A_284 : i32
        %lt3A_286 = arith.constant 40 : i32
        %lt3A_287 = arith.cmpi slt, %add3A_285, %lt3A_286 : i32
        %convert_element_type3A_288 = arith.extui %lt3A_287 : i1 to i32
        %cond3A_289 = arith.constant 0 : i32
        %cond3A_290 = arith.cmpi ne, %convert_element_type3A_288, %cond3A_289 : i32
        scf.if %cond3A_290 {
          %dma_wait3A_291 = arith.constant 0 : i32
          %dma_wait3A_292 = tpu.memref_slice %arg6[%add3A_271, %dma_wait3A_291] : memref<40x64xi32, #tpu.memory_space<vmem>> -> memref<1x64xi32, #tpu.memory_space<vmem>>
          %dma_wait3A_293 = tpu.memref_squeeze %dma_wait3A_292 : memref<1x64xi32, #tpu.memory_space<vmem>> -> memref<64xi32, #tpu.memory_space<vmem>>
          %dma_wait3A_294 = arith.constant 0 : i32
          %dma_wait3A_295 = arith.constant 0 : i32
          %dma_wait3A_296 = tpu.memref_slice %arg12[%dma_wait3A_294, %dma_wait3A_295] : memref<10000x128xf32, #tpu.memory_space<vmem_shared>> -> memref<10000x128xf32, #tpu.memory_space<vmem_shared>>
          tpu.wait_indirect_dma semaphore(%arg20 : memref<!tpu.dma_semaphore, #tpu.memory_space<semaphore_mem>>) src(%arg11 : memref<64x128xf32, #tpu.memory_space<vmem>>) dst(%dma_wait3A_296 : memref<10000x128xf32, #tpu.memory_space<vmem_shared>>)
          %add3A_297 = arith.constant 4 : i32
          %add3A_298 = arith.addi %add3A_271, %add3A_297 : i32
          %dma_start3A_299 = arith.constant 0 : i32
          %dma_start3A_300 = tpu.memref_slice %arg5[%add3A_298, %dma_start3A_299] : memref<40x64xi32, #tpu.memory_space<vmem>> -> memref<1x64xi32, #tpu.memory_space<vmem>>
          %dma_start3A_301 = tpu.memref_squeeze %dma_start3A_300 : memref<1x64xi32, #tpu.memory_space<vmem>> -> memref<64xi32, #tpu.memory_space<vmem>>
          %dma_start3A_302 = arith.constant 0 : i32
          %dma_start3A_303 = arith.constant 0 : i32
          %dma_start3A_304 = tpu.memref_slice %arg3[%dma_start3A_302, %dma_start3A_303] : memref<10000x128xf32, #tpu.memory_space<hbm>> -> memref<10000x128xf32, #tpu.memory_space<hbm>>
          tpu.enqueue_indirect_dma source(%dma_start3A_304 : memref<10000x128xf32, #tpu.memory_space<hbm>>) target(%arg11 : memref<64x128xf32, #tpu.memory_space<vmem>>) offsets(%dma_start3A_301 : memref<64xi32, #tpu.memory_space<vmem>>) semaphore(%arg16 : memref<!tpu.dma_semaphore, #tpu.memory_space<semaphore_mem>>)
        } else {
        }
      }
      %scan3A_197 = arith.constant 10 : i32
    } else {
    }
    %dma_wait3A = arith.constant 36 : i32
    %dma_wait3A_65 = arith.constant 0 : i32
    %dma_wait3A_66 = tpu.memref_slice %arg6[%dma_wait3A, %dma_wait3A_65] : memref<40x64xi32, #tpu.memory_space<vmem>> -> memref<1x64xi32, #tpu.memory_space<vmem>>
    %dma_wait3A_67 = tpu.memref_squeeze %dma_wait3A_66 : memref<1x64xi32, #tpu.memory_space<vmem>> -> memref<64xi32, #tpu.memory_space<vmem>>
    %dma_wait3A_68 = arith.constant 0 : i32
    %dma_wait3A_69 = arith.constant 0 : i32
    %dma_wait3A_70 = tpu.memref_slice %arg12[%dma_wait3A_68, %dma_wait3A_69] : memref<10000x128xf32, #tpu.memory_space<vmem_shared>> -> memref<10000x128xf32, #tpu.memory_space<vmem_shared>>
    tpu.wait_indirect_dma semaphore(%arg17 : memref<!tpu.dma_semaphore, #tpu.memory_space<semaphore_mem>>) src(%arg8 : memref<64x128xf32, #tpu.memory_space<vmem>>) dst(%dma_wait3A_70 : memref<10000x128xf32, #tpu.memory_space<vmem_shared>>)
    %dma_wait3A_71 = arith.constant 37 : i32
    %dma_wait3A_72 = arith.constant 0 : i32
    %dma_wait3A_73 = tpu.memref_slice %arg6[%dma_wait3A_71, %dma_wait3A_72] : memref<40x64xi32, #tpu.memory_space<vmem>> -> memref<1x64xi32, #tpu.memory_space<vmem>>
    %dma_wait3A_74 = tpu.memref_squeeze %dma_wait3A_73 : memref<1x64xi32, #tpu.memory_space<vmem>> -> memref<64xi32, #tpu.memory_space<vmem>>
    %dma_wait3A_75 = arith.constant 0 : i32
    %dma_wait3A_76 = arith.constant 0 : i32
    %dma_wait3A_77 = tpu.memref_slice %arg12[%dma_wait3A_75, %dma_wait3A_76] : memref<10000x128xf32, #tpu.memory_space<vmem_shared>> -> memref<10000x128xf32, #tpu.memory_space<vmem_shared>>
    tpu.wait_indirect_dma semaphore(%arg18 : memref<!tpu.dma_semaphore, #tpu.memory_space<semaphore_mem>>) src(%arg9 : memref<64x128xf32, #tpu.memory_space<vmem>>) dst(%dma_wait3A_77 : memref<10000x128xf32, #tpu.memory_space<vmem_shared>>)
    %dma_wait3A_78 = arith.constant 38 : i32
    %dma_wait3A_79 = arith.constant 0 : i32
    %dma_wait3A_80 = tpu.memref_slice %arg6[%dma_wait3A_78, %dma_wait3A_79] : memref<40x64xi32, #tpu.memory_space<vmem>> -> memref<1x64xi32, #tpu.memory_space<vmem>>
    %dma_wait3A_81 = tpu.memref_squeeze %dma_wait3A_80 : memref<1x64xi32, #tpu.memory_space<vmem>> -> memref<64xi32, #tpu.memory_space<vmem>>
    %dma_wait3A_82 = arith.constant 0 : i32
    %dma_wait3A_83 = arith.constant 0 : i32
    %dma_wait3A_84 = tpu.memref_slice %arg12[%dma_wait3A_82, %dma_wait3A_83] : memref<10000x128xf32, #tpu.memory_space<vmem_shared>> -> memref<10000x128xf32, #tpu.memory_space<vmem_shared>>
    tpu.wait_indirect_dma semaphore(%arg19 : memref<!tpu.dma_semaphore, #tpu.memory_space<semaphore_mem>>) src(%arg10 : memref<64x128xf32, #tpu.memory_space<vmem>>) dst(%dma_wait3A_84 : memref<10000x128xf32, #tpu.memory_space<vmem_shared>>)
    %dma_wait3A_85 = arith.constant 39 : i32
    %dma_wait3A_86 = arith.constant 0 : i32
    %dma_wait3A_87 = tpu.memref_slice %arg6[%dma_wait3A_85, %dma_wait3A_86] : memref<40x64xi32, #tpu.memory_space<vmem>> -> memref<1x64xi32, #tpu.memory_space<vmem>>
    %dma_wait3A_88 = tpu.memref_squeeze %dma_wait3A_87 : memref<1x64xi32, #tpu.memory_space<vmem>> -> memref<64xi32, #tpu.memory_space<vmem>>
    %dma_wait3A_89 = arith.constant 0 : i32
    %dma_wait3A_90 = arith.constant 0 : i32
    %dma_wait3A_91 = tpu.memref_slice %arg12[%dma_wait3A_89, %dma_wait3A_90] : memref<10000x128xf32, #tpu.memory_space<vmem_shared>> -> memref<10000x128xf32, #tpu.memory_space<vmem_shared>>
    tpu.wait_indirect_dma semaphore(%arg20 : memref<!tpu.dma_semaphore, #tpu.memory_space<semaphore_mem>>) src(%arg11 : memref<64x128xf32, #tpu.memory_space<vmem>>) dst(%dma_wait3A_91 : memref<10000x128xf32, #tpu.memory_space<vmem_shared>>)
    %barrier3A_92 = arith.constant 0 : index
    tpu.barrier barrier_id(%barrier3A_92)
    %lt3A_93 = arith.constant 15 : i32
    %lt3A_94 = arith.cmpi slt, %arg1, %lt3A_93 : i32
    %convert_element_type3A_95 = arith.extui %lt3A_94 : i1 to i32
    %cond3A_96 = arith.constant 0 : i32
    %cond3A_97 = arith.cmpi ne, %convert_element_type3A_95, %cond3A_96 : i32
    scf.if %cond3A_97 {
      %mul3A_103 = arith.constant 632 : i32
      %mul3A_104 = arith.muli %arg1, %mul3A_103 : i32
      %multiple_of3A_105 = tpu.assume_multiple %mul3A_104, 8 : i32
      "tpu.region"() ({
        %run_scoped3A_106 = tpu.sem_alloc : memref<!tpu.dma_semaphore, #tpu.memory_space<semaphore_mem>>
        %dma_start3A_107 = arith.constant 0 : i32
        %dma_start3A_108 = tpu.memref_slice %arg4[%arg0, %multiple_of3A_105, %dma_start3A_107] : memref<2x10000x128xf32, #tpu.memory_space<hbm>> -> memref<1x632x128xf32, #tpu.memory_space<hbm>>
        %dma_start3A_109 = tpu.memref_squeeze %dma_start3A_108 : memref<1x632x128xf32, #tpu.memory_space<hbm>> -> memref<632x128xf32, #tpu.memory_space<hbm>>
        %dma_start3A_110 = arith.constant 0 : i32
        %dma_start3A_111 = tpu.memref_slice %arg12[%multiple_of3A_105, %dma_start3A_110] : memref<10000x128xf32, #tpu.memory_space<vmem_shared>> -> memref<632x128xf32, #tpu.memory_space<vmem_shared>>
        tpu.enqueue_dma source(%dma_start3A_111 : memref<632x128xf32, #tpu.memory_space<vmem_shared>>) target(%dma_start3A_109 : memref<632x128xf32, #tpu.memory_space<hbm>>) target_semaphore(%run_scoped3A_106 : memref<!tpu.dma_semaphore, #tpu.memory_space<semaphore_mem>>)
        %dma_wait3A_112 = arith.constant 0 : i32
        %dma_wait3A_113 = tpu.memref_slice %arg4[%arg0, %multiple_of3A_105, %dma_wait3A_112] : memref<2x10000x128xf32, #tpu.memory_space<hbm>> -> memref<1x632x128xf32, #tpu.memory_space<hbm>>
        %dma_wait3A_114 = tpu.memref_squeeze %dma_wait3A_113 : memref<1x632x128xf32, #tpu.memory_space<hbm>> -> memref<632x128xf32, #tpu.memory_space<hbm>>
        %dma_wait3A_115 = arith.constant 0 : i32
        %dma_wait3A_116 = tpu.memref_slice %arg12[%multiple_of3A_105, %dma_wait3A_115] : memref<10000x128xf32, #tpu.memory_space<vmem_shared>> -> memref<632x128xf32, #tpu.memory_space<vmem_shared>>
        tpu.wait_dma2 semaphore(%run_scoped3A_106 : memref<!tpu.dma_semaphore, #tpu.memory_space<semaphore_mem>>) src(%dma_wait3A_116 : memref<632x128xf32, #tpu.memory_space<vmem_shared>>) dst(%dma_wait3A_114 : memref<632x128xf32, #tpu.memory_space<hbm>>)
        tpu.yield
      }) : () -> ()
    } else {
    }
    %eq3A_98 = arith.constant 15 : i32
    %eq3A_99 = arith.cmpi eq, %arg1, %eq3A_98 : i32
    %convert_element_type3A_100 = arith.extui %eq3A_99 : i1 to i32
    %cond3A_101 = arith.constant 0 : i32
    %cond3A_102 = arith.cmpi ne, %convert_element_type3A_100, %cond3A_101 : i32
    scf.if %cond3A_102 {
      "tpu.region"() ({
        %run_scoped3A_103 = tpu.sem_alloc : memref<!tpu.dma_semaphore, #tpu.memory_space<semaphore_mem>>
        %dma_start3A_104 = arith.constant 9480 : i32
        %dma_start3A_105 = arith.constant 0 : i32
        %dma_start3A_106 = tpu.memref_slice %arg4[%arg0, %dma_start3A_104, %dma_start3A_105] : memref<2x10000x128xf32, #tpu.memory_space<hbm>> -> memref<1x520x128xf32, #tpu.memory_space<hbm>>
        %dma_start3A_107 = tpu.memref_squeeze %dma_start3A_106 : memref<1x520x128xf32, #tpu.memory_space<hbm>> -> memref<520x128xf32, #tpu.memory_space<hbm>>
        %dma_start3A_108 = arith.constant 9480 : i32
        %dma_start3A_109 = arith.constant 0 : i32
        %dma_start3A_110 = tpu.memref_slice %arg12[%dma_start3A_108, %dma_start3A_109] : memref<10000x128xf32, #tpu.memory_space<vmem_shared>> -> memref<520x128xf32, #tpu.memory_space<vmem_shared>>
        tpu.enqueue_dma source(%dma_start3A_110 : memref<520x128xf32, #tpu.memory_space<vmem_shared>>) target(%dma_start3A_107 : memref<520x128xf32, #tpu.memory_space<hbm>>) target_semaphore(%run_scoped3A_103 : memref<!tpu.dma_semaphore, #tpu.memory_space<semaphore_mem>>)
        %dma_wait3A_111 = arith.constant 9480 : i32
        %dma_wait3A_112 = arith.constant 0 : i32
        %dma_wait3A_113 = tpu.memref_slice %arg4[%arg0, %dma_wait3A_111, %dma_wait3A_112] : memref<2x10000x128xf32, #tpu.memory_space<hbm>> -> memref<1x520x128xf32, #tpu.memory_space<hbm>>
        %dma_wait3A_114 = tpu.memref_squeeze %dma_wait3A_113 : memref<1x520x128xf32, #tpu.memory_space<hbm>> -> memref<520x128xf32, #tpu.memory_space<hbm>>
        %dma_wait3A_115 = arith.constant 9480 : i32
        %dma_wait3A_116 = arith.constant 0 : i32
        %dma_wait3A_117 = tpu.memref_slice %arg12[%dma_wait3A_115, %dma_wait3A_116] : memref<10000x128xf32, #tpu.memory_space<vmem_shared>> -> memref<520x128xf32, #tpu.memory_space<vmem_shared>>
        tpu.wait_dma2 semaphore(%run_scoped3A_103 : memref<!tpu.dma_semaphore, #tpu.memory_space<semaphore_mem>>) src(%dma_wait3A_117 : memref<520x128xf32, #tpu.memory_space<vmem_shared>>) dst(%dma_wait3A_114 : memref<520x128xf32, #tpu.memory_space<hbm>>)
        tpu.yield
      }) : () -> ()
    } else {
    }
    return
  }
}

module attributes {stable_mosaic.version = 14 : i64} {
  func.func @_tc_dense_body(%arg0: i32, %arg1: memref<2x10000x128xf32, #tpu.memory_space<vmem>>, %arg2: memref<10000x128xf32, #tpu.memory_space<vmem>>, %arg3: memref<1x1x10000xi32, #tpu.memory_space<vmem>>, %arg4: memref<128x128xf32, #tpu.memory_space<vmem>>, %arg5: memref<1x128xf32, #tpu.memory_space<vmem>>, %arg6: memref<128x128xf32, #tpu.memory_space<vmem>>, %arg7: memref<1x128xf32, #tpu.memory_space<vmem>>, %arg8: memref<1x128xf32, #tpu.memory_space<vmem>>, %arg9: memref<1x128xf32, #tpu.memory_space<vmem>>, %arg10: memref<128x128xf32, #tpu.memory_space<vmem>>, %arg11: memref<1x128xf32, #tpu.memory_space<vmem>>, %arg12: memref<128x10xf32, #tpu.memory_space<vmem>>, %arg13: memref<1x10xf32, #tpu.memory_space<vmem>>, %arg14: memref<128x10xf32, #tpu.memory_space<vmem>>, %arg15: memref<128x128xf32, #tpu.memory_space<vmem>>) attributes {dimension_semantics = [#tpu.dimension_semantics<arbitrary>], iteration_bounds = array<i64: 1>, scalar_prefetch = 0 : i64, scratch_operands = 1 : i64, tpu.core_type = #tpu.core_type<tc>, window_params = [{transform_indices = @transform_0, window_bounds = array<i64: 2, 10000, 128>}, {transform_indices = @transform_1, window_bounds = array<i64: 10000, 128>}, {transform_indices = @transform_2, window_bounds = array<i64: 1, 1, 10000>}, {pipeline_mode = #tpu.pipeline_mode<synchronous>, transform_indices = @transform_3, window_bounds = array<i64: 128, 128>}, {pipeline_mode = #tpu.pipeline_mode<synchronous>, transform_indices = @transform_4, window_bounds = array<i64: 1, 128>}, {pipeline_mode = #tpu.pipeline_mode<synchronous>, transform_indices = @transform_5, window_bounds = array<i64: 128, 128>}, {pipeline_mode = #tpu.pipeline_mode<synchronous>, transform_indices = @transform_6, window_bounds = array<i64: 1, 128>}, {pipeline_mode = #tpu.pipeline_mode<synchronous>, transform_indices = @transform_7, window_bounds = array<i64: 1, 128>}, {pipeline_mode = #tpu.pipeline_mode<synchronous>, transform_indices = @transform_8, window_bounds = array<i64: 1, 128>}, {pipeline_mode = #tpu.pipeline_mode<synchronous>, transform_indices = @transform_9, window_bounds = array<i64: 128, 128>}, {pipeline_mode = #tpu.pipeline_mode<synchronous>, transform_indices = @transform_10, window_bounds = array<i64: 1, 128>}, {pipeline_mode = #tpu.pipeline_mode<synchronous>, transform_indices = @transform_11, window_bounds = array<i64: 128, 10>}, {pipeline_mode = #tpu.pipeline_mode<synchronous>, transform_indices = @transform_12, window_bounds = array<i64: 1, 10>}, {pipeline_mode = #tpu.pipeline_mode<synchronous>, transform_indices = @transform_13, window_bounds = array<i64: 128, 10>}]} {
    %get3A = arith.constant 0 : index
    %get3A_0 = arith.constant 0 : index
    %get3A_1 = arith.constant 0 : index
    %get3A_2 = vector.load %arg1[%get3A, %get3A_0, %get3A_1] : memref<2x10000x128xf32, #tpu.memory_space<vmem>>, vector<1x10000x128xf32>
    %get3A_3 = vector.shape_cast %get3A_2 : vector<1x10000x128xf32> to vector<10000x128xf32>
    %get3A_4 = arith.constant 1 : index
    %get3A_5 = arith.constant 0 : index
    %get3A_6 = arith.constant 0 : index
    %get3A_7 = vector.load %arg1[%get3A_4, %get3A_5, %get3A_6] : memref<2x10000x128xf32, #tpu.memory_space<vmem>>, vector<1x10000x128xf32>
    %get3A_8 = vector.shape_cast %get3A_7 : vector<1x10000x128xf32> to vector<10000x128xf32>
    %add3A = arith.addf %get3A_3, %get3A_8 : vector<10000x128xf32>
    %get3A_9 = arith.constant 0 : index
    %get3A_10 = arith.constant 0 : index
    %get3A_11 = vector.load %arg2[%get3A_9, %get3A_10] : memref<10000x128xf32, #tpu.memory_space<vmem>>, vector<10000x128xf32>
    %add3A_12 = arith.addf %add3A, %get3A_11 : vector<10000x128xf32>
    %get3A_13 = arith.constant 0 : index
    %get3A_14 = arith.constant 0 : index
    %get3A_15 = vector.load %arg4[%get3A_13, %get3A_14] : memref<128x128xf32, #tpu.memory_space<vmem>>, vector<128x128xf32>
    %dot_general3A = arith.constant dense<0.000000e+00> : vector<10000x128xf32>
    %dot_general3A_16 = tpu.matmul %add3A_12, %get3A_15, %dot_general3A {dimension_numbers = #tpu.dot_dimension_numbers<[1], [0], [0], [1], [0, 0, 1, 1], [], []>, transpose_lhs_hint = false} : vector<10000x128xf32>, vector<128x128xf32>, vector<10000x128xf32> -> vector<10000x128xf32>
    %get3A_17 = arith.constant 0 : index
    %get3A_18 = arith.constant 0 : index
    %get3A_19 = vector.load %arg5[%get3A_17, %get3A_18] : memref<1x128xf32, #tpu.memory_space<vmem>>, vector<1x128xf32>
    %add3A_20 = vector.broadcast %get3A_19 : vector<1x128xf32> to vector<10000x128xf32>
    %add3A_21 = arith.addf %dot_general3A_16, %add3A_20 : vector<10000x128xf32>
    %max3A = arith.constant 0.000000e+00 : f32
    %max3A_22 = vector.broadcast %max3A : f32 to vector<10000x128xf32>
    %max3A_23 = arith.maximumf %add3A_21, %max3A_22 : vector<10000x128xf32>
    %get3A_24 = arith.constant 0 : index
    %get3A_25 = arith.constant 0 : index
    %get3A_26 = vector.load %arg6[%get3A_24, %get3A_25] : memref<128x128xf32, #tpu.memory_space<vmem>>, vector<128x128xf32>
    %dot_general3A_27 = arith.constant dense<0.000000e+00> : vector<10000x128xf32>
    %dot_general3A_28 = tpu.matmul %max3A_23, %get3A_26, %dot_general3A_27 {dimension_numbers = #tpu.dot_dimension_numbers<[1], [0], [0], [1], [0, 0, 1, 1], [], []>, transpose_lhs_hint = false} : vector<10000x128xf32>, vector<128x128xf32>, vector<10000x128xf32> -> vector<10000x128xf32>
    %get3A_29 = arith.constant 0 : index
    %get3A_30 = arith.constant 0 : index
    %get3A_31 = vector.load %arg7[%get3A_29, %get3A_30] : memref<1x128xf32, #tpu.memory_space<vmem>>, vector<1x128xf32>
    %add3A_32 = vector.broadcast %get3A_31 : vector<1x128xf32> to vector<10000x128xf32>
    %add3A_33 = arith.addf %dot_general3A_28, %add3A_32 : vector<10000x128xf32>
    %max3A_34 = arith.constant 0.000000e+00 : f32
    %max3A_35 = vector.broadcast %max3A_34 : f32 to vector<10000x128xf32>
    %max3A_36 = arith.maximumf %add3A_33, %max3A_35 : vector<10000x128xf32>
    %get3A_37 = arith.constant 0 : index
    %get3A_38 = arith.constant 0 : index
    %get3A_39 = vector.load %arg8[%get3A_37, %get3A_38] : memref<1x128xf32, #tpu.memory_space<vmem>>, vector<1x128xf32>
    %mul3A = arith.constant 0.999994993 : f32
    %mul3A_40 = vector.broadcast %mul3A : f32 to vector<1x128xf32>
    %mul3A_41 = arith.mulf %get3A_39, %mul3A_40 : vector<1x128xf32>
    %mul3A_42 = vector.broadcast %mul3A_41 : vector<1x128xf32> to vector<10000x128xf32>
    %mul3A_43 = arith.mulf %max3A_36, %mul3A_42 : vector<10000x128xf32>
    %get3A_44 = arith.constant 0 : index
    %get3A_45 = arith.constant 0 : index
    %get3A_46 = vector.load %arg9[%get3A_44, %get3A_45] : memref<1x128xf32, #tpu.memory_space<vmem>>, vector<1x128xf32>
    %add3A_47 = vector.broadcast %get3A_46 : vector<1x128xf32> to vector<10000x128xf32>
    %add3A_48 = arith.addf %mul3A_43, %add3A_47 : vector<10000x128xf32>
    %get3A_49 = arith.constant 0 : index
    %get3A_50 = arith.constant 0 : index
    %get3A_51 = arith.constant 0 : index
    %get3A_52 = vector.load %arg3[%get3A_49, %get3A_50, %get3A_51] : memref<1x1x10000xi32, #tpu.memory_space<vmem>>, vector<1x1x10000xi32>
    %get3A_53 = vector.shape_cast %get3A_52 : vector<1x1x10000xi32> to vector<1x10000xi32>
    %iota3A = tpu.iota {dimensions = array<i32: 0>} : vector<128x10000xi32>
    %eq3A = vector.broadcast %get3A_53 : vector<1x10000xi32> to vector<128x10000xi32>
    %eq3A_54 = arith.cmpi eq, %iota3A, %eq3A : vector<128x10000xi32>
    %convert_element_type3A = arith.extui %eq3A_54 : vector<128x10000xi1> to vector<128x10000xi32>
    %convert_element_type3A_55 = arith.sitofp %convert_element_type3A : vector<128x10000xi32> to vector<128x10000xf32>
    %dot_general3A_56 = arith.constant dense<0.000000e+00> : vector<128x128xf32>
    %dot_general3A_57 = tpu.matmul %convert_element_type3A_55, %add3A_48, %dot_general3A_56 {dimension_numbers = #tpu.dot_dimension_numbers<[1], [0], [0], [1], [0, 0, 1, 1], [], []>, transpose_lhs_hint = false} : vector<128x10000xf32>, vector<10000x128xf32>, vector<128x128xf32> -> vector<128x128xf32>
    %eq3A_58 = arith.constant 0 : i32
    %eq3A_59 = arith.cmpi eq, %arg0, %eq3A_58 : i32
    %convert_element_type3A_60 = arith.extui %eq3A_59 : i1 to i32
    %cond3A = arith.constant 0 : i32
    %cond3A_61 = arith.cmpi ne, %convert_element_type3A_60, %cond3A : i32
    scf.if %cond3A_61 {
      %swap3A = arith.constant 0 : index
      %swap3A_71 = arith.constant 0 : index
      %swap3A_72 = vector.load %arg15[%swap3A, %swap3A_71] : memref<128x128xf32, #tpu.memory_space<vmem>>, vector<128x128xf32>
      tpu.vector_store %arg15[%swap3A, %swap3A_71], %dot_general3A_57 {strides = array<i32>} : memref<128x128xf32, #tpu.memory_space<vmem>>, vector<128x128xf32>,
    } else {
    }
    %gt3A = arith.constant 0 : i32
    %gt3A_62 = arith.cmpi sgt, %arg0, %gt3A : i32
    %convert_element_type3A_63 = arith.extui %gt3A_62 : i1 to i32
    %cond3A_64 = arith.constant 0 : i32
    %cond3A_65 = arith.cmpi ne, %convert_element_type3A_63, %cond3A_64 : i32
    scf.if %cond3A_65 {
      %get3A_71 = arith.constant 0 : index
      %get3A_72 = arith.constant 0 : index
      %get3A_73 = vector.load %arg15[%get3A_71, %get3A_72] : memref<128x128xf32, #tpu.memory_space<vmem>>, vector<128x128xf32>
      %add3A_74 = arith.addf %get3A_73, %dot_general3A_57 : vector<128x128xf32>
      %swap3A = arith.constant 0 : index
      %swap3A_75 = arith.constant 0 : index
      %swap3A_76 = vector.load %arg15[%swap3A, %swap3A_75] : memref<128x128xf32, #tpu.memory_space<vmem>>, vector<128x128xf32>
      tpu.vector_store %arg15[%swap3A, %swap3A_75], %add3A_74 {strides = array<i32>} : memref<128x128xf32, #tpu.memory_space<vmem>>, vector<128x128xf32>,
    } else {
    }
    %eq3A_66 = arith.constant 0 : i32
    %eq3A_67 = arith.cmpi eq, %arg0, %eq3A_66 : i32
    %convert_element_type3A_68 = arith.extui %eq3A_67 : i1 to i32
    %cond3A_69 = arith.constant 0 : i32
    %cond3A_70 = arith.cmpi ne, %convert_element_type3A_68, %cond3A_69 : i32
    scf.if %cond3A_70 {
      %get3A_71 = arith.constant 0 : index
      %get3A_72 = arith.constant 0 : index
      %get3A_73 = vector.load %arg15[%get3A_71, %get3A_72] : memref<128x128xf32, #tpu.memory_space<vmem>>, vector<128x128xf32>
      %get3A_74 = arith.constant 0 : index
      %get3A_75 = arith.constant 0 : index
      %get3A_76 = vector.load %arg10[%get3A_74, %get3A_75] : memref<128x128xf32, #tpu.memory_space<vmem>>, vector<128x128xf32>
      %dot_general3A_77 = arith.constant dense<0.000000e+00> : vector<128x128xf32>
      %dot_general3A_78 = tpu.matmul %get3A_73, %get3A_76, %dot_general3A_77 {dimension_numbers = #tpu.dot_dimension_numbers<[1], [0], [0], [1], [0, 0, 1, 1], [], []>, transpose_lhs_hint = false} : vector<128x128xf32>, vector<128x128xf32>, vector<128x128xf32> -> vector<128x128xf32>
      %get3A_79 = arith.constant 0 : index
      %get3A_80 = arith.constant 0 : index
      %get3A_81 = vector.load %arg11[%get3A_79, %get3A_80] : memref<1x128xf32, #tpu.memory_space<vmem>>, vector<1x128xf32>
      %add3A_82 = vector.broadcast %get3A_81 : vector<1x128xf32> to vector<128x128xf32>
      %add3A_83 = arith.addf %dot_general3A_78, %add3A_82 : vector<128x128xf32>
      %max3A_84 = arith.constant 0.000000e+00 : f32
      %max3A_85 = vector.broadcast %max3A_84 : f32 to vector<128x128xf32>
      %max3A_86 = arith.maximumf %add3A_83, %max3A_85 : vector<128x128xf32>
      %get3A_87 = arith.constant 0 : index
      %get3A_88 = arith.constant 0 : index
      %get3A_89 = vector.load %arg12[%get3A_87, %get3A_88] : memref<128x10xf32, #tpu.memory_space<vmem>>, vector<128x10xf32>
      %dot_general3A_90 = arith.constant dense<0.000000e+00> : vector<128x10xf32>
      %dot_general3A_91 = tpu.matmul %max3A_86, %get3A_89, %dot_general3A_90 {dimension_numbers = #tpu.dot_dimension_numbers<[1], [0], [0], [1], [0, 0, 1, 1], [], []>, transpose_lhs_hint = false} : vector<128x128xf32>, vector<128x10xf32>, vector<128x10xf32> -> vector<128x10xf32>
      %get3A_92 = arith.constant 0 : index
      %get3A_93 = arith.constant 0 : index
      %get3A_94 = vector.load %arg13[%get3A_92, %get3A_93] : memref<1x10xf32, #tpu.memory_space<vmem>>, vector<1x10xf32>
      %add3A_95 = vector.broadcast %get3A_94 : vector<1x10xf32> to vector<128x10xf32>
      %add3A_96 = arith.addf %dot_general3A_91, %add3A_95 : vector<128x10xf32>
      %reduce_max3A = arith.constant dense<0xFF800000> : vector<128xf32>
      %reduce_max3A_97 = vector.multi_reduction <maximumf>, %add3A_96, %reduce_max3A [1] : vector<128x10xf32> to vector<128xf32>
      %broadcast_in_dim3A = vector.shape_cast %reduce_max3A_97 : vector<128xf32> to vector<128x1xf32>
      %sub3A = vector.broadcast %broadcast_in_dim3A : vector<128x1xf32> to vector<128x10xf32>
      %sub3A_98 = arith.subf %add3A_96, %sub3A : vector<128x10xf32>
      %exp3A = math.exp %sub3A_98 : vector<128x10xf32>
      %reduce_sum3A = arith.constant dense<0.000000e+00> : vector<128xf32>
      %reduce_sum3A_99 = vector.multi_reduction <add>, %exp3A, %reduce_sum3A [1] : vector<128x10xf32> to vector<128xf32>
      %broadcast_in_dim3A_100 = vector.shape_cast %reduce_sum3A_99 : vector<128xf32> to vector<128x1xf32>
      %log3A = math.log %broadcast_in_dim3A_100 : vector<128x1xf32>
      %sub3A_101 = vector.broadcast %broadcast_in_dim3A : vector<128x1xf32> to vector<128x10xf32>
      %sub3A_102 = arith.subf %add3A_96, %sub3A_101 : vector<128x10xf32>
      %sub3A_103 = vector.broadcast %log3A : vector<128x1xf32> to vector<128x10xf32>
      %sub3A_104 = arith.subf %sub3A_102, %sub3A_103 : vector<128x10xf32>
      %swap3A = arith.constant 0 : index
      %swap3A_105 = arith.constant 0 : index
      %swap3A_106 = vector.load %arg14[%swap3A, %swap3A_105] : memref<128x10xf32, #tpu.memory_space<vmem>>, vector<128x10xf32>
      tpu.vector_store %arg14[%swap3A, %swap3A_105], %sub3A_104 {strides = array<i32>} : memref<128x10xf32, #tpu.memory_space<vmem>>, vector<128x10xf32>,
    } else {
    }
    return
  }
  func.func @transform_0(%arg0: i32) -> (i32, i32, i32) {
    %c0_i32 = arith.constant 0 : i32
    %c0_i32_0 = arith.constant 0 : i32
    %c0_i32_1 = arith.constant 0 : i32
    return %c0_i32, %arg0, %c0_i32_0 : i32, i32, i32
  }
  func.func @transform_1(%arg0: i32) -> (i32, i32) {
    %c0_i32 = arith.constant 0 : i32
    %c0_i32_0 = arith.constant 0 : i32
    return %arg0, %c0_i32 : i32, i32
  }
  func.func @transform_2(%arg0: i32) -> (i32, i32, i32) {
    %c0_i32 = arith.constant 0 : i32
    %c0_i32_0 = arith.constant 0 : i32
    %c0_i32_1 = arith.constant 0 : i32
    return %arg0, %c0_i32, %c0_i32_0 : i32, i32, i32
  }
  func.func @transform_3(%arg0: i32) -> (i32, i32) {
    %c0_i32 = arith.constant 0 : i32
    %c0_i32_0 = arith.constant 0 : i32
    %c0_i32_1 = arith.constant 0 : i32
    return %c0_i32, %c0_i32_0 : i32, i32
  }
  func.func @transform_4(%arg0: i32) -> (i32, i32) {
    %c0_i32 = arith.constant 0 : i32
    %c0_i32_0 = arith.constant 0 : i32
    %c0_i32_1 = arith.constant 0 : i32
    return %c0_i32, %c0_i32_0 : i32, i32
  }
  func.func @transform_5(%arg0: i32) -> (i32, i32) {
    %c0_i32 = arith.constant 0 : i32
    %c0_i32_0 = arith.constant 0 : i32
    %c0_i32_1 = arith.constant 0 : i32
    return %c0_i32, %c0_i32_0 : i32, i32
  }
  func.func @transform_6(%arg0: i32) -> (i32, i32) {
    %c0_i32 = arith.constant 0 : i32
    %c0_i32_0 = arith.constant 0 : i32
    %c0_i32_1 = arith.constant 0 : i32
    return %c0_i32, %c0_i32_0 : i32, i32
  }
  func.func @transform_7(%arg0: i32) -> (i32, i32) {
    %c0_i32 = arith.constant 0 : i32
    %c0_i32_0 = arith.constant 0 : i32
    %c0_i32_1 = arith.constant 0 : i32
    return %c0_i32, %c0_i32_0 : i32, i32
  }
  func.func @transform_8(%arg0: i32) -> (i32, i32) {
    %c0_i32 = arith.constant 0 : i32
    %c0_i32_0 = arith.constant 0 : i32
    %c0_i32_1 = arith.constant 0 : i32
    return %c0_i32, %c0_i32_0 : i32, i32
  }
  func.func @transform_9(%arg0: i32) -> (i32, i32) {
    %c0_i32 = arith.constant 0 : i32
    %c0_i32_0 = arith.constant 0 : i32
    %c0_i32_1 = arith.constant 0 : i32
    return %c0_i32, %c0_i32_0 : i32, i32
  }
  func.func @transform_10(%arg0: i32) -> (i32, i32) {
    %c0_i32 = arith.constant 0 : i32
    %c0_i32_0 = arith.constant 0 : i32
    %c0_i32_1 = arith.constant 0 : i32
    return %c0_i32, %c0_i32_0 : i32, i32
  }
  func.func @transform_11(%arg0: i32) -> (i32, i32) {
    %c0_i32 = arith.constant 0 : i32
    %c0_i32_0 = arith.constant 0 : i32
    %c0_i32_1 = arith.constant 0 : i32
    return %c0_i32, %c0_i32_0 : i32, i32
  }
  func.func @transform_12(%arg0: i32) -> (i32, i32) {
    %c0_i32 = arith.constant 0 : i32
    %c0_i32_0 = arith.constant 0 : i32
    %c0_i32_1 = arith.constant 0 : i32
    return %c0_i32, %c0_i32_0 : i32, i32
  }
  func.func @transform_13(%arg0: i32) -> (i32, i32) {
    %c0_i32 = arith.constant 0 : i32
    %c0_i32_0 = arith.constant 0 : i32
    %c0_i32_1 = arith.constant 0 : i32
    return %c0_i32, %c0_i32_0 : i32, i32
  }
}

</mosaic_0001>

<sc_bundles>
// kernel: kernel.4.cloned.1.call-start
scs
__scs_entry_jumppad:
0x0: {  	(pc) =	sbr.rel $0x88, $3  }
0x1: {  	(tag) =	ssettag $0x0;
	lr =	simm.s32 $0x1  }
0x2: {  	[smem:$0x3F94] =	sst lr;
	_ =	strace $0xD0000000  }
0x3: {  	_ = 	snop  }
0x4: {  	_ = 	snop  }
0x5: {  	_ = 	snop  }
0x6: {  	_ = 	snop  }
0x7: {  	_ = 	snop  }
__scs_overlays_trampoline_lowered:
0x8: {  	[smem:$0x3FA3] =	sst s0  }
0x9: {  	[smem:$0x3FA4] =	sst s1  }
0xa: {  	[smem:$0x3FA5] =	sst s2  }
0xb: {  	[smem:$0x3FA6] =	sst s3  }
0xc: {  	[smem:$0x3FA7] =	sst s4  }
0xd: {  	[smem:$0x3FA8] =	sst s5  }
0xe: {  	[smem:$0x3FA9] =	sst s6  }
0xf: {  	[smem:$0x3FAA] =	sst s7  }
0x10: {  	[smem:$0x3FAB] =	sst s8  }
0x11: {  	[smem:$0x3FAC] =	sst s9;
	s0 =	simm.s32 @!p0 $0x0  }
0x12: {  	s1 =	sld [smem:$0x3F92];
	s0 =	simm.s32 @p0 $0x1  }
0x13: {  	[smem:$0x3FAD] =	sst s0;
	s0 =	simm.s32 @!p1 $0x0  }
0x14: {  	s2 =	sld [smem:$0x3F91];
	s0 =	simm.s32 @p1 $0x1  }
0x15: {  	[smem:$0x3FAE] =	sst s0;
	s0 =	simm.s32 @!p2 $0x0  }
0x16: {  	s3 =	sld [smem:$0x3FDB];
	s0 =	simm.s32 @p2 $0x1  }
0x17: {  	s4 =	simm.s32 $0x1BF5;
	[smem:$0x3FB0] =	sst s0  }
0x18: {  	s0 =	sld [smem:$0x3F93];
	_ =	swait.ge [sflag:s4], $0x0  }
0x19: {  	s7 =	sld [smem:$0x3F94]  }
0x1a: {  	s8 =	sadd.s32 $0xFFFFE003, lr  }
0x1b: {  	s9 =	sadd.s32 $0xFFFFFEF7, lr;
	s5 =	simm.s32 $0xFFFFFFFF;
	p2 =	slt.u32 s8, $0xFFFFF086  }
0x1c: {  	p1 =	slt.u32 s9, $0xF7A;
	s5 =	simm.s32 @!p2 $0x0  }
0x1d: {  	s5 =	simm.s32 @p1 $0x1;
	p0 =	seq.s32 s7, s2  }
0x1e: {  	s7 =	smul.u32 @!p0 $0xF7A, s2;
	p2 =	seq.s32 @!p0 s5, $0x0  }
0x1f: {  	s9 =	smul.u32 $0xF7A, s1;
	s8 =	simm.s32 @!p0 $0x1BF5;
	p2 =	por !p2, p0  }
0x20: {  	[sflag:s8] =	ssyncset.s32 @!p0 $0xFFFFF086;
	s6 =	sadd.s32 @!p0 s3, s7;
	s7 =	simm.s32 @!p0 $0x108  }
0x21: {  	s3 =	sadd.s32 s3, s9;
	s6 =	sadd.s32 @!p0 $0x88, s6;
	s7 =	simm.s32 @p2 $0x1082  }
0x22: {  	[simem:s7], [sflag:s8] =	dma.local @!p0 [hbm:s6], $0xF7A  }
0x23: {  	s9 =	sor.u32 $0xD0000000, s2;
	s6 =	simm.s32 $0x108;
	_ =	swait.ge @!p0 [sflag:s8], $0x0  }
0x24: {  	s3 =	sadd.s32 $0x88, s3;
	s6 =	simm.s32 @!p1 $0x1082;
	[sflag:s4] =	ssyncset.s32 $0xFFFFF086  }
0x25: {  	[simem:s6], [sflag:s4] =	dma.local [hbm:s3], $0xF7A  }
0x26: {  	[smem:$0x3F94] =	sst s1;
	(tag) =	ssettag s2;
	_ =	strace s9  }
0x27: {  	s1 =	sld [smem:$0x3FA4]  }
0x28: {  	s2 =	sld [smem:$0x3FA5]  }
0x29: {  	s4 =	sld [smem:$0x3FA7]  }
0x2a: {  	p0 =	seq.s32 s5, $0x0;
	s5 =	sld [smem:$0x3FA8]  }
0x2b: {  	s6 =	sld [smem:$0x3FA9]  }
0x2c: {  	s7 =	sld [smem:$0x3FAA]  }
0x2d: {  	s3 =	simm.s32 $0x108;
	s8 =	sld [smem:$0x3FAB]  }
0x2e: {  	s3 =	simm.s32 @!p0 $0x1082;
	s9 =	sld [smem:$0x3FAC]  }
0x2f: {  	lr =	sadd.s32 s0, s3;
	s0 =	sld [smem:$0x3FA3]  }
0x30: {  	s3 =	sld [smem:$0x3FA6]  }
0x31: {  	[smem:$0x3FAF] =	sst s10  }
0x32: {  	s10 =	sld [smem:$0x3FAD];
	_ =	sdelay $0x3  }
0x33: {  	p0 =	seq.s32 s10, $0x1;
	s10 =	sld [smem:$0x3FAF];
	_ =	sdelay $0x3  }
0x34: {  	[smem:$0x3FAF] =	sst s10  }
0x35: {  	s10 =	sld [smem:$0x3FAE];
	_ =	sdelay $0x3  }
0x36: {  	p1 =	seq.s32 s10, $0x1;
	s10 =	sld [smem:$0x3FAF];
	_ =	sdelay $0x3  }
0x37: {  	[smem:$0x3FAF] =	sst s10  }
0x38: {  	s10 =	sld [smem:$0x3FB0]  }
0x39: {  	_ = 	snop;
	(pc) =	sbr.ind lr, $3  }
0x3a: {  	_ = 	snop  }
0x3b: {  	_ = 	snop  }
0x3c: {  	p2 =	seq.s32 s10, $0x1;
	s10 =	sld [smem:$0x3FAF]  }
0x3d: {  	_ =	shalt  }
0x3e: {  	_ =	shalt  }
0x3f: {  	_ =	shalt  }
0x40: {  	_ =	shalt  }
0x41: {  	_ =	shalt  }
0x42: {  	_ =	shalt  }
0x43: {  	_ =	shalt  }
0x44: {  	_ =	shalt  }
0x45: {  	_ =	shalt  }
0x46: {  	_ =	shalt  }
0x47: {  	_ =	shalt  }
0x48: {  	_ =	shalt  }
0x49: {  	_ =	shalt  }
0x4a: {  	_ =	shalt  }
0x4b: {  	_ =	shalt  }
0x4c: {  	_ =	shalt  }
0x4d: {  	_ =	shalt  }
0x4e: {  	_ =	shalt  }
0x4f: {  	_ =	shalt  }
0x50: {  	_ =	shalt  }
0x51: {  	_ =	shalt  }
0x52: {  	_ =	shalt  }
0x53: {  	_ =	shalt  }
0x54: {  	_ =	shalt  }
0x55: {  	_ =	shalt  }
0x56: {  	_ =	shalt  }
0x57: {  	_ =	shalt  }
0x58: {  	_ =	shalt  }
0x59: {  	_ =	shalt  }
0x5a: {  	_ =	shalt  }
0x5b: {  	_ =	shalt  }
0x5c: {  	_ =	shalt  }
0x5d: {  	_ =	shalt  }
0x5e: {  	_ =	shalt  }
0x5f: {  	_ =	shalt  }
0x60: {  	_ =	shalt  }
0x61: {  	_ =	shalt  }
0x62: {  	_ =	shalt  }
0x63: {  	_ =	shalt  }
0x64: {  	_ =	shalt  }
0x65: {  	_ =	shalt  }
0x66: {  	_ =	shalt  }
0x67: {  	_ =	shalt  }
0x68: {  	_ =	shalt  }
0x69: {  	_ =	shalt  }
0x6a: {  	_ =	shalt  }
0x6b: {  	_ =	shalt  }
0x6c: {  	_ =	shalt  }
0x6d: {  	_ =	shalt  }
0x6e: {  	_ =	shalt  }
0x6f: {  	_ =	shalt  }
0x70: {  	_ =	shalt  }
0x71: {  	_ =	shalt  }
0x72: {  	_ =	shalt  }
0x73: {  	_ =	shalt  }
0x74: {  	_ =	shalt  }
0x75: {  	_ =	shalt  }
0x76: {  	_ =	shalt  }
0x77: {  	_ =	shalt  }
0x78: {  	_ =	shalt  }
0x79: {  	_ =	shalt  }
0x7a: {  	_ =	shalt  }
0x7b: {  	_ =	shalt  }
0x7c: {  	_ =	shalt  }
0x7d: {  	_ =	shalt  }
0x7e: {  	_ =	shalt  }
0x7f: {  	_ =	shalt  }
0x80: {  	_ =	shalt  }
0x81: {  	_ =	shalt  }
0x82: {  	_ =	shalt  }
0x83: {  	_ =	shalt  }
0x84: {  	_ =	shalt  }
0x85: {  	_ =	shalt  }
0x86: {  	_ =	shalt  }
0x87: {  	_ =	shalt  }
.Lfunc_end0:
.L_simem_size_0:
called_computation_lowered:
.L_overlay_start_0:
0x88: {  	s2 =	sld [smem:$0x3FD9]  }
0x89: {  	s3 =	sld [smem:$0x3FFE];
	_ =	sdelay $0x1  }
0x8a: {  	s1 =	srdreg.scid  }
0x8b: {  	s0 =	sand.u32 $0x1, s1  }
0x8c: {  	s17 =	sshll.u32 s0, $0xA;
	s2 =	sadd.s32 s3, s2  }
0x8d: {  	s2 =	sadd.s32 s2, s17  }
0x8e: {  	[smem:$0x3FBB] =	sst s2  }
0x8f: {  	_ = 	snop  }
0x90: {  	s2 =	sld [smem:$0x3FC9];
	(tm) =	ssettm $0x1  }
0x91: {  	s18 =	sld [smem:$0x3FFB];
	_ =	sdelay $0x3  }
0x92: {  	_ =	strace s18  }
0x93: {  	s3 =	sld [smem:$0x3FFC];
	_ =	sdelay $0x3  }
0x94: {  	_ =	strace s3  }
0x95: {  	s3 =	sld [smem:$0x3FFD];
	_ =	sdelay $0x3  }
0x96: {  	_ =	strace s3  }
0x97: {  	_ =	strace $0x8FFFFFFF  }
0x98: {  	s19 =	sld [smem:$0x3FDB];
	_ =	sdelay $0x1  }
0x99: {  	s4 =	simm.s32 $_scs_section_size  }
0x9a: {  	s5 =	simm.s32 $_size__tile_overlayer_lowered;
	s6 =	simm.s32 $_tile_overlayer_lowered  }
0x9b: {  	s22 =	simm.s32 $0x1BFF;
	s21 =	sshll.u32 s6, $0x1;
	s3 =	sadd.s32 s4, s19  }
0x9c: {  	s7 =	simm.s32 $0x0;
	s20 =	sshll.u32 s5, $0x1;
	s5 =	sadd.s32 s21, s3  }
0x9d: {  	[timem:s7], [sflag:s22] =	dma.local [hbm:s5], s20  }
0x9e: {  	_ =	swait.ge [sflag:s22], s20  }
0x9f: {  	s4 =	ssub.s32 $0x0, s20;
	[sflag:s22] =	ssyncset.done $0x0  }
0xa0: {  	[sflag:s22] =	ssyncadd.s32 s4;
	_ =	sdelay $0x1  }
0xa1: {  	s23 =	simm.s32 $0x1B8B  }
0xa2: {  	_ =	swait.ge [sflag:s23], $0x1  }
0xa3: {  	[sflag:s23] =	ssyncset.done $0x0  }
0xa4: {  	s25 =	simm.s32 $0x1B8E;
	s24 =	sld [smem:$0x3FFE];
	[sflag:s23] =	ssyncadd.s32 $0xFFFFFFFF  }
0xa5: {  	s26 =	simm.s32 $execute0_lowered;
	[smem:$0x3FD2] =	sst s25  }
0xa6: {  	s5 =	sshll.u32 s26, $0x1;
	_ =	strace $0x80000046;
	[dreg:$0x1] =	wrdreg $0xFFFFFFFF  }
0xa7: {  	s28 =	simm.s32 $_size_execute0_lowered;
	s3 =	sadd.s32 s3, s5;
	[dreg:$0x0] =	wrdreg $0x0  }
0xa8: {  	s5 =	sshll.u32 s28, $0x1;
	[dreg:$0x2] =	wrdreg s3  }
0xa9: {  	[dreg:$0x3] =	wrdreg s5  }
0xaa: {  	[dreg:$0x4] =	wrdreg $0xC0  }
0xab: {  	_ =	task [dreg:s7], $0x5FFFF  }
0xac: {  	[dreg:$0x1] =	wrdreg $0xFFFFFFFF  }
0xad: {  	[dreg:$0x0] =	wrdreg $0x60  }
0xae: {  	[dreg:$0x2] =	wrdreg s24  }
0xaf: {  	[dreg:$0x3] =	wrdreg s2  }
0xb0: {  	[dreg:$0x4] =	wrdreg $0xB8000  }
0xb1: {  	[dreg:$0x5] =	wrdreg $0x9  }
0xb2: {  	_ =	task.clear_ibuf [dreg:s7], $0x6FFFF;
	_ =	strace $0x90000046  }
0xb3: {  	s29 =	simm.s32 $0x9;
	_ =	strace $0x80000048  }
0xb4: {  	_ =	swait.ge [sflag:s29], $0x1  }
0xb5: {  	[sflag:s29] =	ssyncadd.s32 $0xFFFFFFFF  }
0xb6: {  	_ =	strace $0x90000048  }
0xb7: {  	_ =	sfence  }
0xb8: {  	s30 =	sld [smem:$0x0];
	_ =	sdelay $0x2  }
0xb9: {  	s31 =	sshll.u32 s1, $0xD;
	s1 =	sshrl.u32 s1, $0x2  }
0xba: {  	s3 =	sand.u32 $0x4000, s31;
	s1 =	sadd.s32 s1, s30  }
0xbb: {  	s0 =	sor.u32 s3, s0;
	s1 =	sshll.u32 s1, $0x11  }
0xbc: {  	s0 =	sor.u32 s1, s0  }
0xbd: {  	s0 =	sadd.s32 $0x8F2B, s0  }
0xbe: {  	[sflag:s0] =	ssyncadd.remote.s32 $0x1  }
0xbf: {  	_ =	sfence.sel $0xFFFF  }
0xc0: {  	[dreg:$0x0] =	wrdreg $0xFFFFFFFF;
	(pc) =	sbr.abs _section_cstart, $3  }
0xc1: {  	[dreg:$0x1] =	wrdreg $0xFFFFFFFF  }
0xc2: {  	_ =	task.clear_ibuf [dreg:s7], $0x2FFFF;
	_ =	strace $0x9FFFFFFF  }
0xc3: {  	(tm) =	ssettm $0x7FFFFFFF  }
tec
execute0_lowered:
.L_overlay_start_1:
0x0: {  	(tag) =	ssettag $0x1  }
0x1: {  	s0 =	srdreg.scid  }
0x2: {  	s0 =	sand.u32 $0x1, s0  }
0x3: {  	s10 =	stileid.u32;
	s3 =	sshll.u32 s0, $0x4  }
0x4: {  	s6 =	sor.u32 s10, s3  }
0x5: {  	s1 =	rddreg [dreg:$0x0];
	s5 =	smul.u32 $0x5000, s6  }
0x6: {  	s2 =	rddreg [dreg:$0x1];
	s4 =	simm.s32 $0x0  }
0x7: {  	s7 =	smul.u32 $0x4F000, s10;
	[smem:$0x7FF] =	sst s4;
	s5 =	sshrl.u32 s5, $0x3  }
0x8: {  	s3 =	rddreg [dreg:$0x2];
	s8 =	sadd.s32 s5, s1  }
0x9: {  	_ =	strace $0x80000047;
	s7 =	sshrl.u32 s7, $0x2;
	s13 =	sadd.s32 $0x2400, s8  }
0xa: {  	s5 =	sadd.s32 s7, s3;
	s14 =	sadd.s32 $0x15C80, s8;
	[dreg:$0x4] =	wrdreg s13  }
0xb: {  	s15 =	sadd.s32 $0x1000, s5;
	[dreg:$0x5] =	wrdreg s14  }
0xc: {  	s16 =	sadd.s32 $0x2000, s5;
	[dreg:$0x6] =	wrdreg s15  }
0xd: {  	s17 =	sadd.s32 $0x3000, s5;
	[dreg:$0x7] =	wrdreg s16  }
0xe: {  	s18 =	sadd.s32 $0x4000, s5;
	[dreg:$0x8] =	wrdreg s17  }
0xf: {  	s19 =	sadd.s32 $0x5000, s5;
	[dreg:$0x9] =	wrdreg s18  }
0x10: {  	s20 =	sadd.s32 $0x6000, s5;
	[dreg:$0xa] =	wrdreg s19  }
0x11: {  	s9 =	sadd.s32 $0x7000, s5;
	[dreg:$0xb] =	wrdreg s20  }
0x12: {  	s21 =	sadd.s32 $0x8000, s5;
	[dreg:$0xc] =	wrdreg s9  }
0x13: {  	s22 =	sadd.s32 $0x2680, s8;
	[dreg:$0xd] =	wrdreg s21  }
0x14: {  	s23 =	sadd.s32 $0x15F00, s8;
	[dreg:$0xe] =	wrdreg s22  }
0x15: {  	s24 =	sadd.s32 $0x2900, s8;
	[dreg:$0xf] =	wrdreg s23  }
0x16: {  	s11 =	sadd.s32 $0x16180, s8;
	[dreg:$0x10] =	wrdreg s24  }
0x17: {  	s26 =	sadd.s32 $0x2B80, s8;
	[dreg:$0x11] =	wrdreg s11  }
0x18: {  	[dreg:$0x12] =	wrdreg s26;
	s11 =	sadd.s32 $0x16400, s8  }
0x19: {  	s13 =	sadd.s32 $0x9000, s5;
	[dreg:$0x13] =	wrdreg s11  }
0x1a: {  	s14 =	sadd.s32 $0xA000, s5;
	[dreg:$0x15] =	wrdreg s13  }
0x1b: {  	s15 =	sadd.s32 $0xB000, s5;
	[dreg:$0x16] =	wrdreg s14  }
0x1c: {  	s16 =	sadd.s32 $0xC000, s5;
	[dreg:$0x17] =	wrdreg s15  }
0x1d: {  	s17 =	sadd.s32 $0xD000, s5;
	[dreg:$0x18] =	wrdreg s16  }
0x1e: {  	s18 =	sadd.s32 $0xE000, s5;
	[dreg:$0x19] =	wrdreg s17  }
0x1f: {  	s19 =	sadd.s32 $0xF000, s5;
	[dreg:$0x1a] =	wrdreg s18  }
0x20: {  	s31 =	simm.s32 $0xB;
	s20 =	sadd.s32 $0x10000, s5;
	[dreg:$0x1b] =	wrdreg s19  }
0x21: {  	s28 =	simm.s32 $0x7;
	s21 =	sadd.s32 $0x11000, s5;
	[dreg:$0x1c] =	wrdreg s20  }
0x22: {  	s7 =	smul.u32 $0x138800, s0;
	s22 =	sadd.s32 $0x12000, s5;
	[dreg:$0x1d] =	wrdreg s21  }
0x23: {  	s23 =	sadd.s32 $0x129400, s3;
	s24 =	sadd.s32 $0x12A400, s3;
	[dreg:$0x1e] =	wrdreg s22  }
0x24: {  	s29 =	simm.s32 $0x4;
	s26 =	sadd.s32 $0x12B400, s3;
	[smem:$0x7EC] =	sst s24  }
0x25: {  	s30 =	simm.s32 $0x8;
	[smem:$0x7ED] =	sst s26;
	s11 =	sadd.s32 $0x12C400, s3  }
0x26: {  	[dreg:$0x1f] =	wrdreg s23;
	s13 =	sadd.s32 $0x12D400, s3;
	s15 =	sadd.s32 $0x12E400, s3  }
0x27: {  	p1 =	seq.s32 s10, $0xF;
	s16 =	sadd.s32 $0x12F400, s3;
	[smem:$0x7EE] =	sst s11  }
0x28: {  	p0 =	seq.s32 s6, $0x1F;
	s18 =	sadd.s32 $0x130400, s3;
	[smem:$0x7F0] =	sst s13  }
0x29: {  	s1 =	sadd.s32 $0x29600, s1;
	s19 =	sadd.s32 $0x131400, s3;
	[smem:$0x7F1] =	sst s15  }
0x2a: {  	s0 =	ssub.s32 $0x2, s0;
	s20 =	sadd.s32 $0x132400, s3;
	[smem:$0x7F2] =	sst s16  }
0x2b: {  	s25 =	sshrl.u32 s7, $0x3;
	s21 =	sadd.s32 $0x133400, s3;
	[smem:$0x7F3] =	sst s18  }
0x2c: {  	s8 =	simm.s32 $0x40;
	s22 =	sadd.s32 $0x134400, s3;
	[smem:$0x7F4] =	sst s19  }
0x2d: {  	s9 =	sadd.s32 s1, s25;
	s23 =	sadd.s32 $0x135400, s3;
	[smem:$0x7F5] =	sst s20  }
0x2e: {  	s25 =	sshrl.u32 s0, $0x1;
	s24 =	sadd.s32 $0x136400, s3;
	[smem:$0x7F6] =	sst s21  }
0x2f: {  	s14 =	smul.u32 $0x13C00, s10;
	s26 =	sadd.s32 $0x138400, s3;
	[smem:$0x7F8] =	sst s22  }
0x30: {  	s10 =	simm.s32 $0x3800;
	s12 =	sadd.s32 $0x25080, s9;
	[smem:$0x7F9] =	sst s23  }
0x31: {  	s9 =	sadd.s32 $0x128400, s3;
	s0 =	ssub.s32 s0, s25;
	[smem:$0x7FB] =	sst s24  }
0x32: {  	s25 =	sadd.s32 $0x137400, s3;
	[smem:$0x7FD] =	sst s26;
	s15 =	simm.s32 $0x1400  }
0x33: {  	s16 =	simm.s32 $0x9800;
	s18 =	simm.s32 $0xA;
	s19 =	simm.s32 $0x1  }
0x34: {  	s20 =	simm.s32 $0x5;
	s21 =	simm.s32 $0x2;
	s24 =	simm.s32 $0x6  }
0x35: {  	s22 =	simm.s32 $0x2780;
	s23 =	simm.s32 $0x9;
	s26 =	simm.s32 $0x0  }
0x36: {  	[dreg:$0x14] =	wrdreg s12;
	s12 =	sadd.s32 $0x13000, s5;
	s17 =	sadd.s32 s14, s7  }
.Ltmp0:
0x37: {  	s0 =	smax.u32 s0, $0x1;
	[smem:$0x7FC] =	sst s25;
	(pc) =	sbr.rel .LBB2_1-.Ltmp0, $4  }
0x38: {  	s14 =	simm.s32 $0x7800;
	s25 =	simm.s32 $0x3;
	[smem:$0x7EF] =	sst s12  }
0x39: {  	s7 =	simm.s32 $0x2700;
	s6 =	sshrl.u32 s17, $0x3;
	[smem:$0x7FA] =	sst s0  }
0x3a: {  	s12 =	simm.s32 $0x5800;
	s17 =	simm.s32 $0x2800;
	s1 =	sadd.s32 s1, s6  }
0x3b: {  	v0 =	vimm.f32 $0.0e+00;
	s0 =	simm.s32 $0x2600;
	s6 =	simm.s32 $0x2680;
	[smem:$0x7F7] =	sst s1  }
.LBB2_15:
0x3c: {  	[tilespmem:s16], [sflag:$0x4] =	stream.indirect.gather [hbm4b:s2+s8], $0x80, s11, s8, $0xb8;
	[tilespmem:$0x1F080] =	vst v63  }
0x3d: {  	_ =	swait.ge [sflag:s19], $0x2000  }
0x3e: {  	[sflag:s19] =	ssyncset.done $0x0  }
0x3f: {  	[sflag:s19] =	ssyncadd.s32 $0xFFFFE000  }
0x40: {  	[spmem:s3] =	stream.indirect.scatter.add.f32 [tilespmem:s10], [sflag:$0x5], $0x80, s0, s8, $0xb8;
	[tilespmem:$0x1F080] =	vst v63  }
0x41: {  	_ =	swait.ge [sflag:s21], $0x2000  }
0x42: {  	[sflag:s21] =	ssyncset.done $0x0  }
0x43: {  	[sflag:s21] =	ssyncadd.s32 $0xFFFFE000  }
0x44: {  	[spmem:s3] =	stream.indirect.scatter.add.f32 [tilespmem:s12], [sflag:$0x6], $0x80, s6, s8, $0xb8;
	[tilespmem:$0x1F080] =	vst v63  }
0x45: {  	_ =	swait.ge [sflag:s25], $0x2000  }
0x46: {  	[sflag:s25] =	ssyncset.done $0x0  }
0x47: {  	[sflag:s25] =	ssyncadd.s32 $0xFFFFE000  }
0x48: {  	[spmem:s3] =	stream.indirect.scatter.add.f32 [tilespmem:s14], [sflag:$0x7], $0x80, s7, s8, $0xb8;
	[tilespmem:$0x1F080] =	vst v63  }
0x49: {  	_ =	swait.ge [sflag:s29], $0x2000  }
0x4a: {  	[sflag:s29] =	ssyncset.done $0x0  }
0x4b: {  	[sflag:s29] =	ssyncadd.s32 $0xFFFFE000  }
0x4c: {  	[spmem:s3] =	stream.indirect.scatter.add.f32 [tilespmem:s16], [sflag:$0x8], $0x80, s22, s8, $0xb8;
	[tilespmem:$0x1F080] =	vst v63  }
.LBB2_16:
0x4d: {  	_ =	swait.ge [sflag:s20], $0x2000  }
0x4e: {  	[sflag:s20] =	ssyncset.done $0x0  }
0x4f: {  	[sflag:s20] =	ssyncadd.s32 $0xFFFFE000  }
0x50: {  	_ =	swait.ge [sflag:s24], $0x2000  }
0x51: {  	[sflag:s24] =	ssyncset.done $0x0  }
0x52: {  	[sflag:s24] =	ssyncadd.s32 $0xFFFFE000  }
0x53: {  	_ =	swait.ge [sflag:s28], $0x2000  }
0x54: {  	[sflag:s28] =	ssyncset.done $0x0  }
0x55: {  	[sflag:s28] =	ssyncadd.s32 $0xFFFFE000  }
0x56: {  	_ =	swait.ge [sflag:s30], $0x2000  }
0x57: {  	[sflag:s30] =	ssyncset.done $0x0  }
0x58: {  	[sflag:s30] =	ssyncadd.s32 $0xFFFFE000  }
0x59: {  	[bflag:$0x0] =	sbarrier.arrive $0xFFFF  }
0x5a: {  	s1 =	sshrl.u32 @p1 s9, $0x3;
	s11 =	simm.s32 @p1 $0x1FCB;
	s13 =	rddreg [dreg:$0x14]  }
0x5b: {  	[hbm:s13], [sflag:s11] =	dma.local @p1 [spmem:s1], $0x2080  }
0x5c: {  	s1 =	simm.s32 @p1 $0xB  }
0x5d: {  	_ =	swait.ge @p1 [sflag:s1], $0x2080  }
0x5e: {  	s11 =	stileid.u32;
	s13 =	sld [smem:$0x7F7]  }
0x5f: {  	s11 =	sshll.u32 @!p1 s11, $0x6;
	[sflag:s1] =	ssyncset.done @p1 $0x0  }
0x60: {  	[sflag:s1] =	ssyncadd.s32 @p1 $0xFFFFDF80;
	s1 =	sor.u32 @!p1 $0x1C0B, s11;
	s11 =	sshrl.u32 @!p1 s5, $0x3  }
0x61: {  	[hbm:s13], [sflag:s1] =	dma.local @!p1 [spmem:s11], $0x2780  }
0x62: {  	s1 =	simm.s32 @!p1 $0xB  }
0x63: {  	_ =	swait.ge @!p1 [sflag:s1], $0x2780  }
0x64: {  	s13 =	sld [smem:$0x7FA];
	_ =	sdelay $0x1  }
0x65: {  	s26 =	sadd.s32 $0x1, s26  }
0x66: {  	p2 =	sne.s32 s26, s13  }
.Ltmp1:
0x67: {  	_ = 	snop;
	(pc) =	sbr.rel @!p2 .LBB2_17-.Ltmp1, $3  }
0x68: {  	_ =	sdelay $0x1  }
0x69: {  	[sflag:s1] =	ssyncset.done @!p1 $0x0  }
0x6a: {  	[sflag:s1] =	ssyncadd.s32 @!p1 $0xFFFFD880  }
.LBB2_1:
0x6b: {  	s1 =	rddreg [dreg:$0x4]  }
0x6c: {  	[tilespmem:s4], [sflag:$0xB] =	stream.linear.gather [hbm4b:s1+s4], $0x1400, $0x38;
	[tilespmem:$0x1F080] =	vst v63  }
0x6d: {  	_ =	swait.ge [sflag:s31], $0x1400  }
0x6e: {  	[sflag:s31] =	ssyncset.done $0x0  }
0x6f: {  	s13 =	rddreg [dreg:$0x5];
	[sflag:s31] =	ssyncadd.s32 $0xFFFFEC00  }
0x70: {  	[tilespmem:s15], [sflag:$0xB] =	stream.linear.gather [hbm4b:s13+s4], $0x1400, $0x38;
	[tilespmem:$0x1F080] =	vst v63  }
0x71: {  	_ =	swait.ge [sflag:s31], $0x1400  }
0x72: {  	[sflag:s31] =	ssyncset.done $0x0  }
0x73: {  	[sflag:s31] =	ssyncadd.s32 $0xFFFFEC00  }
0x74: {  	[tilespmem:s10], [sflag:$0x1] =	stream.indirect.gather [hbm4b:s2+s8], $0x80, s4, s8, $0xb8;
	[tilespmem:$0x1F080] =	vst v63  }
0x75: {  	s15 =	simm.s32 $0x80  }
0x76: {  	[tilespmem:s12], [sflag:$0x2] =	stream.indirect.gather [hbm4b:s2+s8], $0x80, s15, s8, $0xb8;
	[tilespmem:$0x1F080] =	vst v63  }
0x77: {  	s11 =	simm.s32 $0x100  }
0x78: {  	[tilespmem:s14], [sflag:$0x3] =	stream.indirect.gather [hbm4b:s2+s8], $0x80, s11, s8, $0xb8;
	[tilespmem:$0x1F080] =	vst v63  }
0x79: {  	s13 =	simm.s32 $0x180;
	s15 =	sand.u32 $0x3E00, s4  }
0x7a: {  	[tilespmem:s16], [sflag:$0x4] =	stream.indirect.gather [hbm4b:s2+s8], $0x80, s13, s8, $0xb8;
	[tilespmem:$0x1F080] =	vst v63  }
0x7b: {  	s11 =	sand.u32 $0x70, s4;
	s13 =	sshrl.u32 s15, $0x2  }
0x7c: {  	s1 =	simm.s32 $0x40;
	s13 =	sor.u32 s11, s13;
	s11 =	simm.s32 $0x0  }
.LBB2_2:
0x7d: {  	p2 =	sne.s32 s1, $0x3FC0  }
0x7e: {  	[tilespmem:s13+$0x2800] =	vst v0;
	s11 =	sadd.s32 $0x10, s11;
	s13 =	smov.u32 s1;
	s1 =	sadd.s32 $0x40, s1  }
.Ltmp2:
0x7f: {  	(pc) =	sbr.rel @p2 .LBB2_2-.Ltmp2, $4  }
0x80: {  	_ = 	snop  }
0x81: {  	s13 =	sand.u32 $0x3E00, s13  }
0x82: {  	s15 =	sand.u32 $0x70, s11;
	s13 =	sshrl.u32 s13, $0x2  }
0x83: {  	s13 =	sor.u32 s15, s13  }
.Ltmp3:
0x84: {  	(pc) =	sbr.rel @!p1 .LBB2_4-.Ltmp3, $2  }
0x85: {  	_ =	sdelay $0x2  }
0x86: {  	[tilespmem:s13+$0x2800] =	vst v0  }
0x87: {  	[spmem:s9] =	stream.linear.scatter [tilespmem:s17], [sflag:$0xA], $0x1000, $0x38;
	[tilespmem:$0x1F080] =	vst v63  }
0x88: {  	s1 =	rddreg [dreg:$0x1f]  }
0x89: {  	s11 =	sld [smem:$0x7EC]  }
0x8a: {  	[spmem:s1] =	stream.linear.scatter [tilespmem:s17], [sflag:$0xA], $0x1000, $0x38;
	[tilespmem:$0x1F080] =	vst v63  }
0x8b: {  	s13 =	sld [smem:$0x7ED]  }
0x8c: {  	[spmem:s11] =	stream.linear.scatter [tilespmem:s17], [sflag:$0xA], $0x1000, $0x38;
	[tilespmem:$0x1F080] =	vst v63  }
0x8d: {  	s15 =	sld [smem:$0x7EE]  }
0x8e: {  	[spmem:s13] =	stream.linear.scatter [tilespmem:s17], [sflag:$0xA], $0x1000, $0x38;
	[tilespmem:$0x1F080] =	vst v63  }
0x8f: {  	s11 =	sld [smem:$0x7F0]  }
0x90: {  	[spmem:s15] =	stream.linear.scatter [tilespmem:s17], [sflag:$0xA], $0x1000, $0x38;
	[tilespmem:$0x1F080] =	vst v63  }
0x91: {  	s13 =	sld [smem:$0x7F1]  }
0x92: {  	[spmem:s11] =	stream.linear.scatter [tilespmem:s17], [sflag:$0xA], $0x1000, $0x38;
	[tilespmem:$0x1F080] =	vst v63  }
0x93: {  	s15 =	sld [smem:$0x7F2]  }
0x94: {  	[spmem:s13] =	stream.linear.scatter [tilespmem:s17], [sflag:$0xA], $0x1000, $0x38;
	[tilespmem:$0x1F080] =	vst v63  }
0x95: {  	s11 =	sld [smem:$0x7F3]  }
0x96: {  	[spmem:s15] =	stream.linear.scatter [tilespmem:s17], [sflag:$0xA], $0x1000, $0x38;
	[tilespmem:$0x1F080] =	vst v63  }
0x97: {  	s13 =	sld [smem:$0x7F4]  }
0x98: {  	[spmem:s11] =	stream.linear.scatter [tilespmem:s17], [sflag:$0xA], $0x1000, $0x38;
	[tilespmem:$0x1F080] =	vst v63  }
0x99: {  	s15 =	sld [smem:$0x7F5]  }
0x9a: {  	[spmem:s13] =	stream.linear.scatter [tilespmem:s17], [sflag:$0xA], $0x1000, $0x38;
	[tilespmem:$0x1F080] =	vst v63  }
0x9b: {  	s11 =	sld [smem:$0x7F6]  }
0x9c: {  	[spmem:s15] =	stream.linear.scatter [tilespmem:s17], [sflag:$0xA], $0x1000, $0x38;
	[tilespmem:$0x1F080] =	vst v63  }
0x9d: {  	s13 =	sld [smem:$0x7F8]  }
0x9e: {  	[spmem:s11] =	stream.linear.scatter [tilespmem:s17], [sflag:$0xA], $0x1000, $0x38;
	[tilespmem:$0x1F080] =	vst v63  }
0x9f: {  	s15 =	sld [smem:$0x7F9]  }
0xa0: {  	[spmem:s13] =	stream.linear.scatter [tilespmem:s17], [sflag:$0xA], $0x1000, $0x38;
	[tilespmem:$0x1F080] =	vst v63  }
0xa1: {  	s11 =	sld [smem:$0x7FB]  }
0xa2: {  	[spmem:s15] =	stream.linear.scatter [tilespmem:s17], [sflag:$0xA], $0x1000, $0x38;
	[tilespmem:$0x1F080] =	vst v63  }
0xa3: {  	s13 =	sld [smem:$0x7FC]  }
0xa4: {  	[spmem:s11] =	stream.linear.scatter [tilespmem:s17], [sflag:$0xA], $0x1000, $0x38;
	[tilespmem:$0x1F080] =	vst v63  }
0xa5: {  	s15 =	sld [smem:$0x7FD]  }
0xa6: {  	[spmem:s13] =	stream.linear.scatter [tilespmem:s17], [sflag:$0xA], $0x1000, $0x38;
	[tilespmem:$0x1F080] =	vst v63  }
0xa7: {  	_ = 	snop  }
0xa8: {  	[spmem:s15] =	stream.linear.scatter [tilespmem:s17], [sflag:$0xA], $0x400, $0x38;
	[tilespmem:$0x1F080] =	vst v63  }
0xa9: {  	_ =	swait.ge [sflag:s18], $0x1000  }
0xaa: {  	[sflag:s18] =	ssyncset.done $0x0  }
0xab: {  	[sflag:s18] =	ssyncadd.s32 $0xFFFFF000  }
0xac: {  	_ =	swait.ge [sflag:s18], $0x1000  }
0xad: {  	[sflag:s18] =	ssyncset.done $0x0  }
0xae: {  	[sflag:s18] =	ssyncadd.s32 $0xFFFFF000  }
0xaf: {  	_ =	swait.ge [sflag:s18], $0x1000  }
0xb0: {  	[sflag:s18] =	ssyncset.done $0x0  }
0xb1: {  	[sflag:s18] =	ssyncadd.s32 $0xFFFFF000  }
0xb2: {  	_ =	swait.ge [sflag:s18], $0x1000  }
0xb3: {  	[sflag:s18] =	ssyncset.done $0x0  }
0xb4: {  	[sflag:s18] =	ssyncadd.s32 $0xFFFFF000  }
0xb5: {  	_ =	swait.ge [sflag:s18], $0x1000  }
0xb6: {  	[sflag:s18] =	ssyncset.done $0x0  }
0xb7: {  	[sflag:s18] =	ssyncadd.s32 $0xFFFFF000  }
0xb8: {  	_ =	swait.ge [sflag:s18], $0x1000  }
0xb9: {  	[sflag:s18] =	ssyncset.done $0x0  }
0xba: {  	[sflag:s18] =	ssyncadd.s32 $0xFFFFF000  }
0xbb: {  	_ =	swait.ge [sflag:s18], $0x1000  }
0xbc: {  	[sflag:s18] =	ssyncset.done $0x0  }
0xbd: {  	[sflag:s18] =	ssyncadd.s32 $0xFFFFF000  }
0xbe: {  	_ =	swait.ge [sflag:s18], $0x1000  }
0xbf: {  	[sflag:s18] =	ssyncset.done $0x0  }
0xc0: {  	[sflag:s18] =	ssyncadd.s32 $0xFFFFF000  }
0xc1: {  	_ =	swait.ge [sflag:s18], $0x1000  }
0xc2: {  	[sflag:s18] =	ssyncset.done $0x0  }
0xc3: {  	[sflag:s18] =	ssyncadd.s32 $0xFFFFF000  }
0xc4: {  	_ =	swait.ge [sflag:s18], $0x1000  }
0xc5: {  	[sflag:s18] =	ssyncset.done $0x0  }
0xc6: {  	[sflag:s18] =	ssyncadd.s32 $0xFFFFF000  }
0xc7: {  	_ =	swait.ge [sflag:s18], $0x1000  }
0xc8: {  	[sflag:s18] =	ssyncset.done $0x0  }
0xc9: {  	[sflag:s18] =	ssyncadd.s32 $0xFFFFF000  }
0xca: {  	_ =	swait.ge [sflag:s18], $0x1000  }
0xcb: {  	[sflag:s18] =	ssyncset.done $0x0  }
0xcc: {  	[sflag:s18] =	ssyncadd.s32 $0xFFFFF000  }
0xcd: {  	_ =	swait.ge [sflag:s18], $0x1000  }
0xce: {  	[sflag:s18] =	ssyncset.done $0x0  }
0xcf: {  	[sflag:s18] =	ssyncadd.s32 $0xFFFFF000  }
0xd0: {  	_ =	swait.ge [sflag:s18], $0x1000  }
0xd1: {  	[sflag:s18] =	ssyncset.done $0x0  }
0xd2: {  	[sflag:s18] =	ssyncadd.s32 $0xFFFFF000  }
0xd3: {  	_ =	swait.ge [sflag:s18], $0x1000  }
0xd4: {  	[sflag:s18] =	ssyncset.done $0x0  }
0xd5: {  	[sflag:s18] =	ssyncadd.s32 $0xFFFFF000  }
0xd6: {  	_ =	swait.ge [sflag:s18], $0x1000  }
.Ltmp4:
0xd7: {  	[sflag:s18] =	ssyncset.done $0x0;
	(pc) =	sbr.rel .LBB2_6-.Ltmp4, $4  }
0xd8: {  	[sflag:s18] =	ssyncadd.s32 $0xFFFFF000  }
0xd9: {  	_ =	swait.ge [sflag:s18], $0x400  }
0xda: {  	[sflag:s18] =	ssyncset.done $0x0  }
0xdb: {  	[sflag:s18] =	ssyncadd.s32 $0xFFFFFC00  }
.LBB2_4:
0xdc: {  	[spmem:s5] =	stream.linear.scatter [tilespmem:s17], [sflag:$0xA], $0x1000, $0x38;
	[tilespmem:$0x1F080] =	vst v63  }
0xdd: {  	s1 =	rddreg [dreg:$0x6]  }
0xde: {  	s11 =	rddreg [dreg:$0x7]  }
0xdf: {  	[spmem:s1] =	stream.linear.scatter [tilespmem:s17], [sflag:$0xA], $0x1000, $0x38;
	[tilespmem:$0x1F080] =	vst v63  }
0xe0: {  	s13 =	rddreg [dreg:$0x8]  }
0xe1: {  	[spmem:s11] =	stream.linear.scatter [tilespmem:s17], [sflag:$0xA], $0x1000, $0x38;
	[tilespmem:$0x1F080] =	vst v63  }
0xe2: {  	s15 =	rddreg [dreg:$0x9]  }
0xe3: {  	[spmem:s13] =	stream.linear.scatter [tilespmem:s17], [sflag:$0xA], $0x1000, $0x38;
	[tilespmem:$0x1F080] =	vst v63  }
0xe4: {  	s11 =	rddreg [dreg:$0xa]  }
0xe5: {  	[spmem:s15] =	stream.linear.scatter [tilespmem:s17], [sflag:$0xA], $0x1000, $0x38;
	[tilespmem:$0x1F080] =	vst v63  }
0xe6: {  	s13 =	rddreg [dreg:$0xb]  }
0xe7: {  	[spmem:s11] =	stream.linear.scatter [tilespmem:s17], [sflag:$0xA], $0x1000, $0x38;
	[tilespmem:$0x1F080] =	vst v63  }
0xe8: {  	s15 =	rddreg [dreg:$0xc]  }
0xe9: {  	[spmem:s13] =	stream.linear.scatter [tilespmem:s17], [sflag:$0xA], $0x1000, $0x38;
	[tilespmem:$0x1F080] =	vst v63  }
0xea: {  	s11 =	rddreg [dreg:$0xd]  }
0xeb: {  	[spmem:s15] =	stream.linear.scatter [tilespmem:s17], [sflag:$0xA], $0x1000, $0x38;
	[tilespmem:$0x1F080] =	vst v63  }
0xec: {  	s13 =	rddreg [dreg:$0x15]  }
0xed: {  	[spmem:s11] =	stream.linear.scatter [tilespmem:s17], [sflag:$0xA], $0x1000, $0x38;
	[tilespmem:$0x1F080] =	vst v63  }
0xee: {  	s15 =	rddreg [dreg:$0x16]  }
0xef: {  	[spmem:s13] =	stream.linear.scatter [tilespmem:s17], [sflag:$0xA], $0x1000, $0x38;
	[tilespmem:$0x1F080] =	vst v63  }
0xf0: {  	s11 =	rddreg [dreg:$0x17]  }
0xf1: {  	[spmem:s15] =	stream.linear.scatter [tilespmem:s17], [sflag:$0xA], $0x1000, $0x38;
	[tilespmem:$0x1F080] =	vst v63  }
0xf2: {  	s13 =	rddreg [dreg:$0x18]  }
0xf3: {  	[spmem:s11] =	stream.linear.scatter [tilespmem:s17], [sflag:$0xA], $0x1000, $0x38;
	[tilespmem:$0x1F080] =	vst v63  }
0xf4: {  	s15 =	rddreg [dreg:$0x19]  }
0xf5: {  	[spmem:s13] =	stream.linear.scatter [tilespmem:s17], [sflag:$0xA], $0x1000, $0x38;
	[tilespmem:$0x1F080] =	vst v63  }
0xf6: {  	s11 =	rddreg [dreg:$0x1a]  }
0xf7: {  	[spmem:s15] =	stream.linear.scatter [tilespmem:s17], [sflag:$0xA], $0x1000, $0x38;
	[tilespmem:$0x1F080] =	vst v63  }
0xf8: {  	s13 =	rddreg [dreg:$0x1b]  }
0xf9: {  	[spmem:s11] =	stream.linear.scatter [tilespmem:s17], [sflag:$0xA], $0x1000, $0x38;
	[tilespmem:$0x1F080] =	vst v63  }
0xfa: {  	s15 =	rddreg [dreg:$0x1c]  }
0xfb: {  	[spmem:s13] =	stream.linear.scatter [tilespmem:s17], [sflag:$0xA], $0x1000, $0x38;
	[tilespmem:$0x1F080] =	vst v63  }
0xfc: {  	s11 =	rddreg [dreg:$0x1d]  }
0xfd: {  	[spmem:s15] =	stream.linear.scatter [tilespmem:s17], [sflag:$0xA], $0x1000, $0x38;
	[tilespmem:$0x1F080] =	vst v63  }
0xfe: {  	s13 =	rddreg [dreg:$0x1e]  }
0xff: {  	[spmem:s11] =	stream.linear.scatter [tilespmem:s17], [sflag:$0xA], $0x1000, $0x38;
	[tilespmem:$0x1F080] =	vst v63  }
0x100: {  	s15 =	sld [smem:$0x7EF]  }
0x101: {  	[spmem:s13] =	stream.linear.scatter [tilespmem:s17], [sflag:$0xA], $0x1000, $0x38;
	[tilespmem:$0x1F080] =	vst v63  }
0x102: {  	_ = 	snop  }
0x103: {  	[spmem:s15] =	stream.linear.scatter [tilespmem:s17], [sflag:$0xA], $0xC00, $0x38;
	[tilespmem:$0x1F080] =	vst v63  }
0x104: {  	_ =	swait.ge [sflag:s18], $0x1000  }
0x105: {  	[sflag:s18] =	ssyncset.done $0x0  }
0x106: {  	[sflag:s18] =	ssyncadd.s32 $0xFFFFF000  }
0x107: {  	_ =	swait.ge [sflag:s18], $0x1000  }
0x108: {  	[sflag:s18] =	ssyncset.done $0x0  }
0x109: {  	[sflag:s18] =	ssyncadd.s32 $0xFFFFF000  }
0x10a: {  	_ =	swait.ge [sflag:s18], $0x1000  }
0x10b: {  	[sflag:s18] =	ssyncset.done $0x0  }
0x10c: {  	[sflag:s18] =	ssyncadd.s32 $0xFFFFF000  }
0x10d: {  	_ =	swait.ge [sflag:s18], $0x1000  }
0x10e: {  	[sflag:s18] =	ssyncset.done $0x0  }
0x10f: {  	[sflag:s18] =	ssyncadd.s32 $0xFFFFF000  }
0x110: {  	_ =	swait.ge [sflag:s18], $0x1000  }
0x111: {  	[sflag:s18] =	ssyncset.done $0x0  }
0x112: {  	[sflag:s18] =	ssyncadd.s32 $0xFFFFF000  }
0x113: {  	_ =	swait.ge [sflag:s18], $0x1000  }
0x114: {  	[sflag:s18] =	ssyncset.done $0x0  }
0x115: {  	[sflag:s18] =	ssyncadd.s32 $0xFFFFF000  }
0x116: {  	_ =	swait.ge [sflag:s18], $0x1000  }
0x117: {  	[sflag:s18] =	ssyncset.done $0x0  }
0x118: {  	[sflag:s18] =	ssyncadd.s32 $0xFFFFF000  }
0x119: {  	_ =	swait.ge [sflag:s18], $0x1000  }
0x11a: {  	[sflag:s18] =	ssyncset.done $0x0  }
0x11b: {  	[sflag:s18] =	ssyncadd.s32 $0xFFFFF000  }
0x11c: {  	_ =	swait.ge [sflag:s18], $0x1000  }
0x11d: {  	[sflag:s18] =	ssyncset.done $0x0  }
0x11e: {  	[sflag:s18] =	ssyncadd.s32 $0xFFFFF000  }
0x11f: {  	_ =	swait.ge [sflag:s18], $0x1000  }
0x120: {  	[sflag:s18] =	ssyncset.done $0x0  }
0x121: {  	[sflag:s18] =	ssyncadd.s32 $0xFFFFF000  }
0x122: {  	_ =	swait.ge [sflag:s18], $0x1000  }
0x123: {  	[sflag:s18] =	ssyncset.done $0x0  }
0x124: {  	[sflag:s18] =	ssyncadd.s32 $0xFFFFF000  }
0x125: {  	_ =	swait.ge [sflag:s18], $0x1000  }
0x126: {  	[sflag:s18] =	ssyncset.done $0x0  }
0x127: {  	[sflag:s18] =	ssyncadd.s32 $0xFFFFF000  }
0x128: {  	_ =	swait.ge [sflag:s18], $0x1000  }
0x129: {  	[sflag:s18] =	ssyncset.done $0x0  }
0x12a: {  	[sflag:s18] =	ssyncadd.s32 $0xFFFFF000  }
0x12b: {  	_ =	swait.ge [sflag:s18], $0x1000  }
0x12c: {  	[sflag:s18] =	ssyncset.done $0x0  }
0x12d: {  	[sflag:s18] =	ssyncadd.s32 $0xFFFFF000  }
0x12e: {  	_ =	swait.ge [sflag:s18], $0x1000  }
0x12f: {  	[sflag:s18] =	ssyncset.done $0x0  }
0x130: {  	[sflag:s18] =	ssyncadd.s32 $0xFFFFF000  }
0x131: {  	_ =	swait.ge [sflag:s18], $0x1000  }
0x132: {  	[sflag:s18] =	ssyncset.done $0x0  }
0x133: {  	[sflag:s18] =	ssyncadd.s32 $0xFFFFF000  }
0x134: {  	_ =	swait.ge [sflag:s18], $0x1000  }
0x135: {  	[sflag:s18] =	ssyncset.done $0x0  }
0x136: {  	[sflag:s18] =	ssyncadd.s32 $0xFFFFF000  }
0x137: {  	_ =	swait.ge [sflag:s18], $0x1000  }
0x138: {  	[sflag:s18] =	ssyncset.done $0x0  }
0x139: {  	[sflag:s18] =	ssyncadd.s32 $0xFFFFF000  }
0x13a: {  	_ =	swait.ge [sflag:s18], $0x1000  }
0x13b: {  	[sflag:s18] =	ssyncset.done $0x0  }
0x13c: {  	[sflag:s18] =	ssyncadd.s32 $0xFFFFF000  }
0x13d: {  	_ =	swait.ge [sflag:s18], $0xC00  }
0x13e: {  	[sflag:s18] =	ssyncset.done $0x0  }
0x13f: {  	[sflag:s18] =	ssyncadd.s32 $0xFFFFF400  }
.LBB2_6:
0x140: {  	[bflag:$0x0] =	sbarrier.arrive $0xFFFF  }
0x141: {  	_ =	swait.ge [sflag:s19], $0x2000  }
0x142: {  	[sflag:s19] =	ssyncset.done $0x0  }
0x143: {  	s1 =	simm.s32 $0x1400;
	[sflag:s19] =	ssyncadd.s32 $0xFFFFE000  }
0x144: {  	[spmem:s3] =	stream.indirect.scatter.add.f32 [tilespmem:s10], [sflag:$0x5], $0x80, s1, s8, $0xb8;
	[tilespmem:$0x1F080] =	vst v63  }
0x145: {  	_ =	swait.ge [sflag:s20], $0x2000  }
0x146: {  	[sflag:s20] =	ssyncset.done $0x0  }
0x147: {  	s11 =	simm.s32 $0x200;
	[sflag:s20] =	ssyncadd.s32 $0xFFFFE000  }
0x148: {  	[tilespmem:s10], [sflag:$0x1] =	stream.indirect.gather [hbm4b:s2+s8], $0x80, s11, s8, $0xb8;
	[tilespmem:$0x1F080] =	vst v63  }
0x149: {  	_ =	swait.ge [sflag:s21], $0x2000  }
0x14a: {  	[sflag:s21] =	ssyncset.done $0x0  }
0x14b: {  	s13 =	simm.s32 $0x1480;
	[sflag:s21] =	ssyncadd.s32 $0xFFFFE000  }
0x14c: {  	[spmem:s3] =	stream.indirect.scatter.add.f32 [tilespmem:s12], [sflag:$0x6], $0x80, s13, s8, $0xb8;
	[tilespmem:$0x1F080] =	vst v63  }
0x14d: {  	_ =	swait.ge [sflag:s24], $0x2000  }
0x14e: {  	[sflag:s24] =	ssyncset.done $0x0  }
0x14f: {  	s15 =	simm.s32 $0x280;
	[sflag:s24] =	ssyncadd.s32 $0xFFFFE000  }
0x150: {  	[tilespmem:s12], [sflag:$0x2] =	stream.indirect.gather [hbm4b:s2+s8], $0x80, s15, s8, $0xb8;
	[tilespmem:$0x1F080] =	vst v63  }
0x151: {  	_ =	swait.ge [sflag:s25], $0x2000  }
0x152: {  	[sflag:s25] =	ssyncset.done $0x0  }
0x153: {  	s11 =	simm.s32 $0x1500;
	[sflag:s25] =	ssyncadd.s32 $0xFFFFE000  }
0x154: {  	[spmem:s3] =	stream.indirect.scatter.add.f32 [tilespmem:s14], [sflag:$0x7], $0x80, s11, s8, $0xb8;
	[tilespmem:$0x1F080] =	vst v63  }
0x155: {  	_ =	swait.ge [sflag:s28], $0x2000  }
0x156: {  	[sflag:s28] =	ssyncset.done $0x0  }
0x157: {  	s13 =	simm.s32 $0x300;
	[sflag:s28] =	ssyncadd.s32 $0xFFFFE000  }
0x158: {  	[tilespmem:s14], [sflag:$0x3] =	stream.indirect.gather [hbm4b:s2+s8], $0x80, s13, s8, $0xb8;
	[tilespmem:$0x1F080] =	vst v63  }
0x159: {  	_ =	swait.ge [sflag:s29], $0x2000  }
0x15a: {  	[sflag:s29] =	ssyncset.done $0x0  }
0x15b: {  	s15 =	simm.s32 $0x1580;
	[sflag:s29] =	ssyncadd.s32 $0xFFFFE000  }
0x15c: {  	[spmem:s3] =	stream.indirect.scatter.add.f32 [tilespmem:s16], [sflag:$0x8], $0x80, s15, s8, $0xb8;
	[tilespmem:$0x1F080] =	vst v63  }
0x15d: {  	_ =	swait.ge [sflag:s30], $0x2000  }
0x15e: {  	s1 =	simm.s32 $0x800;
	[sflag:s30] =	ssyncset.done $0x0  }
0x15f: {  	s11 =	simm.s32 $0x380;
	s15 =	simm.s32 $0x1400;
	[sflag:s30] =	ssyncadd.s32 $0xFFFFE000  }
.LBB2_7:
0x160: {  	[tilespmem:s16], [sflag:$0x4] =	stream.indirect.gather [hbm4b:s2+s8], $0x80, s11, s8, $0xb8;
	[tilespmem:$0x1F080] =	vst v63  }
0x161: {  	s11 =	smov.u32 s1  }
0x162: {  	p2 =	sne.s32 s1, $0x4000;
	s1 =	sadd.s32 $0x800, s1;
	_ =	swait.ge [sflag:s19], $0x2000  }
0x163: {  	s11 =	sshra.s32 s11, $0x2;
	[sflag:s19] =	ssyncset.done $0x0  }
0x164: {  	s13 =	sadd.s32 $0x1400, s11;
	[sflag:s19] =	ssyncadd.s32 $0xFFFFE000  }
0x165: {  	[spmem:s3] =	stream.indirect.scatter.add.f32 [tilespmem:s10], [sflag:$0x5], $0x80, s13, s8, $0xb8;
	[tilespmem:$0x1F080] =	vst v63  }
0x166: {  	_ =	swait.ge [sflag:s20], $0x2000  }
0x167: {  	[sflag:s20] =	ssyncset.done $0x0  }
0x168: {  	s13 =	sadd.s32 $0x200, s11;
	[sflag:s20] =	ssyncadd.s32 $0xFFFFE000  }
0x169: {  	[tilespmem:s10], [sflag:$0x1] =	stream.indirect.gather [hbm4b:s2+s8], $0x80, s13, s8, $0xb8;
	[tilespmem:$0x1F080] =	vst v63  }
0x16a: {  	_ =	swait.ge [sflag:s21], $0x2000  }
0x16b: {  	[sflag:s21] =	ssyncset.done $0x0  }
0x16c: {  	s13 =	sadd.s32 $0x1480, s11;
	[sflag:s21] =	ssyncadd.s32 $0xFFFFE000  }
0x16d: {  	[spmem:s3] =	stream.indirect.scatter.add.f32 [tilespmem:s12], [sflag:$0x6], $0x80, s13, s8, $0xb8;
	[tilespmem:$0x1F080] =	vst v63  }
0x16e: {  	_ =	swait.ge [sflag:s24], $0x2000  }
0x16f: {  	[sflag:s24] =	ssyncset.done $0x0  }
0x170: {  	s13 =	sadd.s32 $0x280, s11;
	[sflag:s24] =	ssyncadd.s32 $0xFFFFE000  }
0x171: {  	[tilespmem:s12], [sflag:$0x2] =	stream.indirect.gather [hbm4b:s2+s8], $0x80, s13, s8, $0xb8;
	[tilespmem:$0x1F080] =	vst v63  }
0x172: {  	_ =	swait.ge [sflag:s25], $0x2000  }
0x173: {  	[sflag:s25] =	ssyncset.done $0x0  }
0x174: {  	s13 =	sadd.s32 $0x1500, s11;
	[sflag:s25] =	ssyncadd.s32 $0xFFFFE000  }
0x175: {  	[spmem:s3] =	stream.indirect.scatter.add.f32 [tilespmem:s14], [sflag:$0x7], $0x80, s13, s8, $0xb8;
	[tilespmem:$0x1F080] =	vst v63  }
0x176: {  	_ =	swait.ge [sflag:s28], $0x2000  }
0x177: {  	[sflag:s28] =	ssyncset.done $0x0  }
0x178: {  	s13 =	sadd.s32 $0x300, s11;
	[sflag:s28] =	ssyncadd.s32 $0xFFFFE000  }
0x179: {  	[tilespmem:s14], [sflag:$0x3] =	stream.indirect.gather [hbm4b:s2+s8], $0x80, s13, s8, $0xb8;
	[tilespmem:$0x1F080] =	vst v63  }
0x17a: {  	_ =	swait.ge [sflag:s29], $0x2000  }
0x17b: {  	[sflag:s29] =	ssyncset.done $0x0  }
.Ltmp5:
0x17c: {  	s13 =	sadd.s32 $0x1580, s11;
	[sflag:s29] =	ssyncadd.s32 $0xFFFFE000;
	(pc) =	sbr.rel @p2 .LBB2_7-.Ltmp5, $4  }
0x17d: {  	[spmem:s3] =	stream.indirect.scatter.add.f32 [tilespmem:s16], [sflag:$0x8], $0x80, s13, s8, $0xb8;
	[tilespmem:$0x1F080] =	vst v63  }
0x17e: {  	_ =	swait.ge [sflag:s30], $0x2000  }
0x17f: {  	[sflag:s30] =	ssyncset.done $0x0  }
0x180: {  	s11 =	sadd.s32 $0x380, s11;
	[sflag:s30] =	ssyncadd.s32 $0xFFFFE000  }
0x181: {  	[tilespmem:s16], [sflag:$0x4] =	stream.indirect.gather [hbm4b:s2+s8], $0x80, s11, s8, $0xb8;
	[tilespmem:$0x1F080] =	vst v63  }
0x182: {  	_ =	swait.ge [sflag:s19], $0x2000  }
0x183: {  	[sflag:s19] =	ssyncset.done $0x0  }
0x184: {  	[sflag:s19] =	ssyncadd.s32 $0xFFFFE000  }
0x185: {  	[spmem:s3] =	stream.indirect.scatter.add.f32 [tilespmem:s10], [sflag:$0x5], $0x80, s0, s8, $0xb8;
	[tilespmem:$0x1F080] =	vst v63  }
0x186: {  	_ =	swait.ge [sflag:s21], $0x2000  }
0x187: {  	[sflag:s21] =	ssyncset.done $0x0  }
0x188: {  	[sflag:s21] =	ssyncadd.s32 $0xFFFFE000  }
0x189: {  	[spmem:s3] =	stream.indirect.scatter.add.f32 [tilespmem:s12], [sflag:$0x6], $0x80, s6, s8, $0xb8;
	[tilespmem:$0x1F080] =	vst v63  }
0x18a: {  	_ =	swait.ge [sflag:s25], $0x2000  }
0x18b: {  	[sflag:s25] =	ssyncset.done $0x0  }
0x18c: {  	[sflag:s25] =	ssyncadd.s32 $0xFFFFE000  }
0x18d: {  	[spmem:s3] =	stream.indirect.scatter.add.f32 [tilespmem:s14], [sflag:$0x7], $0x80, s7, s8, $0xb8;
	[tilespmem:$0x1F080] =	vst v63  }
.Ltmp6:
0x18e: {  	_ = 	snop;
	(pc) =	sbr.rel @p0 .LBB2_16-.Ltmp6, $4  }
0x18f: {  	_ =	swait.ge [sflag:s29], $0x2000  }
0x190: {  	[sflag:s29] =	ssyncset.done $0x0  }
0x191: {  	[sflag:s29] =	ssyncadd.s32 $0xFFFFE000  }
0x192: {  	[spmem:s3] =	stream.indirect.scatter.add.f32 [tilespmem:s16], [sflag:$0x8], $0x80, s22, s8, $0xb8;
	[tilespmem:$0x1F080] =	vst v63  }
0x193: {  	s1 =	simm.s32 $0x0;
	s11 =	rddreg [dreg:$0xe]  }
0x194: {  	[tilespmem:s1], [sflag:$0x9] =	stream.linear.gather [hbm4b:s11+s1], $0x1400, $0x38;
	[tilespmem:$0x1F080] =	vst v63  }
0x195: {  	_ =	swait.ge [sflag:s20], $0x2000  }
0x196: {  	[sflag:s20] =	ssyncset.done $0x0  }
0x197: {  	[sflag:s20] =	ssyncadd.s32 $0xFFFFE000  }
0x198: {  	_ =	swait.ge [sflag:s24], $0x2000  }
0x199: {  	[sflag:s24] =	ssyncset.done $0x0  }
0x19a: {  	[sflag:s24] =	ssyncadd.s32 $0xFFFFE000  }
0x19b: {  	_ =	swait.ge [sflag:s28], $0x2000  }
0x19c: {  	[sflag:s28] =	ssyncset.done $0x0  }
0x19d: {  	[sflag:s28] =	ssyncadd.s32 $0xFFFFE000  }
0x19e: {  	_ =	swait.ge [sflag:s30], $0x2000  }
0x19f: {  	[sflag:s30] =	ssyncset.done $0x0  }
0x1a0: {  	s13 =	rddreg [dreg:$0xf];
	[sflag:s30] =	ssyncadd.s32 $0xFFFFE000  }
0x1a1: {  	[tilespmem:s15], [sflag:$0xA] =	stream.linear.gather [hbm4b:s13+s1], $0x1400, $0x38;
	[tilespmem:$0x1F080] =	vst v63  }
0x1a2: {  	_ =	swait.ge [sflag:s23], $0x1400  }
0x1a3: {  	[sflag:s23] =	ssyncset.done $0x0  }
0x1a4: {  	[sflag:s23] =	ssyncadd.s32 $0xFFFFEC00  }
0x1a5: {  	[tilespmem:s10], [sflag:$0x1] =	stream.indirect.gather [hbm4b:s2+s8], $0x80, s1, s8, $0xb8;
	[tilespmem:$0x1F080] =	vst v63  }
0x1a6: {  	s11 =	simm.s32 $0x80  }
0x1a7: {  	[tilespmem:s12], [sflag:$0x2] =	stream.indirect.gather [hbm4b:s2+s8], $0x80, s11, s8, $0xb8;
	[tilespmem:$0x1F080] =	vst v63  }
0x1a8: {  	s13 =	simm.s32 $0x100  }
0x1a9: {  	[tilespmem:s14], [sflag:$0x3] =	stream.indirect.gather [hbm4b:s2+s8], $0x80, s13, s8, $0xb8;
	[tilespmem:$0x1F080] =	vst v63  }
0x1aa: {  	s11 =	simm.s32 $0x180  }
0x1ab: {  	[tilespmem:s16], [sflag:$0x4] =	stream.indirect.gather [hbm4b:s2+s8], $0x80, s11, s8, $0xb8;
	[tilespmem:$0x1F080] =	vst v63  }
0x1ac: {  	_ =	swait.ge [sflag:s18], $0x1400  }
0x1ad: {  	[sflag:s18] =	ssyncset.done $0x0  }
0x1ae: {  	[sflag:s18] =	ssyncadd.s32 $0xFFFFEC00  }
0x1af: {  	_ =	swait.ge [sflag:s19], $0x2000  }
0x1b0: {  	[sflag:s19] =	ssyncset.done $0x0  }
0x1b1: {  	s13 =	simm.s32 $0x1400;
	[sflag:s19] =	ssyncadd.s32 $0xFFFFE000  }
0x1b2: {  	[spmem:s3] =	stream.indirect.scatter.add.f32 [tilespmem:s10], [sflag:$0x5], $0x80, s13, s8, $0xb8;
	[tilespmem:$0x1F080] =	vst v63  }
0x1b3: {  	_ =	swait.ge [sflag:s20], $0x2000  }
0x1b4: {  	[sflag:s20] =	ssyncset.done $0x0  }
0x1b5: {  	s11 =	simm.s32 $0x200;
	[sflag:s20] =	ssyncadd.s32 $0xFFFFE000  }
0x1b6: {  	[tilespmem:s10], [sflag:$0x1] =	stream.indirect.gather [hbm4b:s2+s8], $0x80, s11, s8, $0xb8;
	[tilespmem:$0x1F080] =	vst v63  }
0x1b7: {  	_ =	swait.ge [sflag:s21], $0x2000  }
0x1b8: {  	[sflag:s21] =	ssyncset.done $0x0  }
0x1b9: {  	s13 =	simm.s32 $0x1480;
	[sflag:s21] =	ssyncadd.s32 $0xFFFFE000  }
0x1ba: {  	[spmem:s3] =	stream.indirect.scatter.add.f32 [tilespmem:s12], [sflag:$0x6], $0x80, s13, s8, $0xb8;
	[tilespmem:$0x1F080] =	vst v63  }
0x1bb: {  	_ =	swait.ge [sflag:s24], $0x2000  }
0x1bc: {  	[sflag:s24] =	ssyncset.done $0x0  }
0x1bd: {  	s11 =	simm.s32 $0x280;
	[sflag:s24] =	ssyncadd.s32 $0xFFFFE000  }
0x1be: {  	[tilespmem:s12], [sflag:$0x2] =	stream.indirect.gather [hbm4b:s2+s8], $0x80, s11, s8, $0xb8;
	[tilespmem:$0x1F080] =	vst v63  }
0x1bf: {  	_ =	swait.ge [sflag:s25], $0x2000  }
0x1c0: {  	[sflag:s25] =	ssyncset.done $0x0  }
0x1c1: {  	s13 =	simm.s32 $0x1500;
	[sflag:s25] =	ssyncadd.s32 $0xFFFFE000  }
0x1c2: {  	[spmem:s3] =	stream.indirect.scatter.add.f32 [tilespmem:s14], [sflag:$0x7], $0x80, s13, s8, $0xb8;
	[tilespmem:$0x1F080] =	vst v63  }
0x1c3: {  	_ =	swait.ge [sflag:s28], $0x2000  }
0x1c4: {  	[sflag:s28] =	ssyncset.done $0x0  }
0x1c5: {  	s11 =	simm.s32 $0x300;
	[sflag:s28] =	ssyncadd.s32 $0xFFFFE000  }
0x1c6: {  	[tilespmem:s14], [sflag:$0x3] =	stream.indirect.gather [hbm4b:s2+s8], $0x80, s11, s8, $0xb8;
	[tilespmem:$0x1F080] =	vst v63  }
0x1c7: {  	_ =	swait.ge [sflag:s29], $0x2000  }
0x1c8: {  	[sflag:s29] =	ssyncset.done $0x0  }
0x1c9: {  	s13 =	simm.s32 $0x1580;
	[sflag:s29] =	ssyncadd.s32 $0xFFFFE000  }
0x1ca: {  	[spmem:s3] =	stream.indirect.scatter.add.f32 [tilespmem:s16], [sflag:$0x8], $0x80, s13, s8, $0xb8;
	[tilespmem:$0x1F080] =	vst v63  }
0x1cb: {  	_ =	swait.ge [sflag:s30], $0x2000  }
0x1cc: {  	[sflag:s30] =	ssyncset.done $0x0  }
0x1cd: {  	s1 =	simm.s32 $0x800;
	s11 =	simm.s32 $0x380;
	[sflag:s30] =	ssyncadd.s32 $0xFFFFE000  }
.LBB2_10:
0x1ce: {  	[tilespmem:s16], [sflag:$0x4] =	stream.indirect.gather [hbm4b:s2+s8], $0x80, s11, s8, $0xb8;
	[tilespmem:$0x1F080] =	vst v63  }
0x1cf: {  	s11 =	smov.u32 s1  }
0x1d0: {  	p2 =	sne.s32 s1, $0x4000;
	s1 =	sadd.s32 $0x800, s1;
	_ =	swait.ge [sflag:s19], $0x2000  }
0x1d1: {  	s11 =	sshra.s32 s11, $0x2;
	[sflag:s19] =	ssyncset.done $0x0  }
0x1d2: {  	s13 =	sadd.s32 $0x1400, s11;
	[sflag:s19] =	ssyncadd.s32 $0xFFFFE000  }
0x1d3: {  	[spmem:s3] =	stream.indirect.scatter.add.f32 [tilespmem:s10], [sflag:$0x5], $0x80, s13, s8, $0xb8;
	[tilespmem:$0x1F080] =	vst v63  }
0x1d4: {  	_ =	swait.ge [sflag:s20], $0x2000  }
0x1d5: {  	[sflag:s20] =	ssyncset.done $0x0  }
0x1d6: {  	s13 =	sadd.s32 $0x200, s11;
	[sflag:s20] =	ssyncadd.s32 $0xFFFFE000  }
0x1d7: {  	[tilespmem:s10], [sflag:$0x1] =	stream.indirect.gather [hbm4b:s2+s8], $0x80, s13, s8, $0xb8;
	[tilespmem:$0x1F080] =	vst v63  }
0x1d8: {  	_ =	swait.ge [sflag:s21], $0x2000  }
0x1d9: {  	[sflag:s21] =	ssyncset.done $0x0  }
0x1da: {  	s13 =	sadd.s32 $0x1480, s11;
	[sflag:s21] =	ssyncadd.s32 $0xFFFFE000  }
0x1db: {  	[spmem:s3] =	stream.indirect.scatter.add.f32 [tilespmem:s12], [sflag:$0x6], $0x80, s13, s8, $0xb8;
	[tilespmem:$0x1F080] =	vst v63  }
0x1dc: {  	_ =	swait.ge [sflag:s24], $0x2000  }
0x1dd: {  	[sflag:s24] =	ssyncset.done $0x0  }
0x1de: {  	s13 =	sadd.s32 $0x280, s11;
	[sflag:s24] =	ssyncadd.s32 $0xFFFFE000  }
0x1df: {  	[tilespmem:s12], [sflag:$0x2] =	stream.indirect.gather [hbm4b:s2+s8], $0x80, s13, s8, $0xb8;
	[tilespmem:$0x1F080] =	vst v63  }
0x1e0: {  	_ =	swait.ge [sflag:s25], $0x2000  }
0x1e1: {  	[sflag:s25] =	ssyncset.done $0x0  }
0x1e2: {  	s13 =	sadd.s32 $0x1500, s11;
	[sflag:s25] =	ssyncadd.s32 $0xFFFFE000  }
0x1e3: {  	[spmem:s3] =	stream.indirect.scatter.add.f32 [tilespmem:s14], [sflag:$0x7], $0x80, s13, s8, $0xb8;
	[tilespmem:$0x1F080] =	vst v63  }
0x1e4: {  	_ =	swait.ge [sflag:s28], $0x2000  }
0x1e5: {  	[sflag:s28] =	ssyncset.done $0x0  }
0x1e6: {  	s13 =	sadd.s32 $0x300, s11;
	[sflag:s28] =	ssyncadd.s32 $0xFFFFE000  }
0x1e7: {  	[tilespmem:s14], [sflag:$0x3] =	stream.indirect.gather [hbm4b:s2+s8], $0x80, s13, s8, $0xb8;
	[tilespmem:$0x1F080] =	vst v63  }
0x1e8: {  	_ =	swait.ge [sflag:s29], $0x2000  }
0x1e9: {  	[sflag:s29] =	ssyncset.done $0x0  }
.Ltmp7:
0x1ea: {  	s13 =	sadd.s32 $0x1580, s11;
	[sflag:s29] =	ssyncadd.s32 $0xFFFFE000;
	(pc) =	sbr.rel @p2 .LBB2_10-.Ltmp7, $4  }
0x1eb: {  	[spmem:s3] =	stream.indirect.scatter.add.f32 [tilespmem:s16], [sflag:$0x8], $0x80, s13, s8, $0xb8;
	[tilespmem:$0x1F080] =	vst v63  }
0x1ec: {  	_ =	swait.ge [sflag:s30], $0x2000  }
0x1ed: {  	[sflag:s30] =	ssyncset.done $0x0  }
0x1ee: {  	s11 =	sadd.s32 $0x380, s11;
	[sflag:s30] =	ssyncadd.s32 $0xFFFFE000  }
0x1ef: {  	[tilespmem:s16], [sflag:$0x4] =	stream.indirect.gather [hbm4b:s2+s8], $0x80, s11, s8, $0xb8;
	[tilespmem:$0x1F080] =	vst v63  }
0x1f0: {  	_ =	swait.ge [sflag:s19], $0x2000  }
0x1f1: {  	[sflag:s19] =	ssyncset.done $0x0  }
0x1f2: {  	[sflag:s19] =	ssyncadd.s32 $0xFFFFE000  }
0x1f3: {  	[spmem:s3] =	stream.indirect.scatter.add.f32 [tilespmem:s10], [sflag:$0x5], $0x80, s0, s8, $0xb8;
	[tilespmem:$0x1F080] =	vst v63  }
0x1f4: {  	_ =	swait.ge [sflag:s21], $0x2000  }
0x1f5: {  	[sflag:s21] =	ssyncset.done $0x0  }
0x1f6: {  	[sflag:s21] =	ssyncadd.s32 $0xFFFFE000  }
0x1f7: {  	[spmem:s3] =	stream.indirect.scatter.add.f32 [tilespmem:s12], [sflag:$0x6], $0x80, s6, s8, $0xb8;
	[tilespmem:$0x1F080] =	vst v63  }
0x1f8: {  	_ =	swait.ge [sflag:s25], $0x2000  }
0x1f9: {  	[sflag:s25] =	ssyncset.done $0x0  }
0x1fa: {  	[sflag:s25] =	ssyncadd.s32 $0xFFFFE000  }
0x1fb: {  	[spmem:s3] =	stream.indirect.scatter.add.f32 [tilespmem:s14], [sflag:$0x7], $0x80, s7, s8, $0xb8;
	[tilespmem:$0x1F080] =	vst v63  }
0x1fc: {  	_ =	swait.ge [sflag:s29], $0x2000  }
0x1fd: {  	[sflag:s29] =	ssyncset.done $0x0  }
0x1fe: {  	[sflag:s29] =	ssyncadd.s32 $0xFFFFE000  }
0x1ff: {  	[spmem:s3] =	stream.indirect.scatter.add.f32 [tilespmem:s16], [sflag:$0x8], $0x80, s22, s8, $0xb8;
	[tilespmem:$0x1F080] =	vst v63  }
0x200: {  	s1 =	simm.s32 $0x0;
	s13 =	rddreg [dreg:$0x10]  }
0x201: {  	[tilespmem:s1], [sflag:$0x9] =	stream.linear.gather [hbm4b:s13+s1], $0x1400, $0x38;
	[tilespmem:$0x1F080] =	vst v63  }
0x202: {  	_ =	swait.ge [sflag:s20], $0x2000  }
0x203: {  	[sflag:s20] =	ssyncset.done $0x0  }
0x204: {  	[sflag:s20] =	ssyncadd.s32 $0xFFFFE000  }
0x205: {  	_ =	swait.ge [sflag:s24], $0x2000  }
0x206: {  	[sflag:s24] =	ssyncset.done $0x0  }
0x207: {  	[sflag:s24] =	ssyncadd.s32 $0xFFFFE000  }
0x208: {  	_ =	swait.ge [sflag:s28], $0x2000  }
0x209: {  	[sflag:s28] =	ssyncset.done $0x0  }
0x20a: {  	[sflag:s28] =	ssyncadd.s32 $0xFFFFE000  }
0x20b: {  	_ =	swait.ge [sflag:s30], $0x2000  }
0x20c: {  	[sflag:s30] =	ssyncset.done $0x0  }
0x20d: {  	s13 =	rddreg [dreg:$0x11];
	[sflag:s30] =	ssyncadd.s32 $0xFFFFE000  }
0x20e: {  	[tilespmem:s15], [sflag:$0xA] =	stream.linear.gather [hbm4b:s13+s1], $0x1400, $0x38;
	[tilespmem:$0x1F080] =	vst v63  }
0x20f: {  	_ =	swait.ge [sflag:s23], $0x1400  }
0x210: {  	[sflag:s23] =	ssyncset.done $0x0  }
0x211: {  	[sflag:s23] =	ssyncadd.s32 $0xFFFFEC00  }
0x212: {  	[tilespmem:s10], [sflag:$0x1] =	stream.indirect.gather [hbm4b:s2+s8], $0x80, s1, s8, $0xb8;
	[tilespmem:$0x1F080] =	vst v63  }
0x213: {  	s11 =	simm.s32 $0x80  }
0x214: {  	[tilespmem:s12], [sflag:$0x2] =	stream.indirect.gather [hbm4b:s2+s8], $0x80, s11, s8, $0xb8;
	[tilespmem:$0x1F080] =	vst v63  }
0x215: {  	s13 =	simm.s32 $0x100  }
0x216: {  	[tilespmem:s14], [sflag:$0x3] =	stream.indirect.gather [hbm4b:s2+s8], $0x80, s13, s8, $0xb8;
	[tilespmem:$0x1F080] =	vst v63  }
0x217: {  	s11 =	simm.s32 $0x180  }
0x218: {  	[tilespmem:s16], [sflag:$0x4] =	stream.indirect.gather [hbm4b:s2+s8], $0x80, s11, s8, $0xb8;
	[tilespmem:$0x1F080] =	vst v63  }
0x219: {  	_ =	swait.ge [sflag:s18], $0x1400  }
0x21a: {  	[sflag:s18] =	ssyncset.done $0x0  }
0x21b: {  	[sflag:s18] =	ssyncadd.s32 $0xFFFFEC00  }
0x21c: {  	_ =	swait.ge [sflag:s19], $0x2000  }
0x21d: {  	[sflag:s19] =	ssyncset.done $0x0  }
0x21e: {  	s13 =	simm.s32 $0x1400;
	[sflag:s19] =	ssyncadd.s32 $0xFFFFE000  }
0x21f: {  	[spmem:s3] =	stream.indirect.scatter.add.f32 [tilespmem:s10], [sflag:$0x5], $0x80, s13, s8, $0xb8;
	[tilespmem:$0x1F080] =	vst v63  }
0x220: {  	_ =	swait.ge [sflag:s20], $0x2000  }
0x221: {  	[sflag:s20] =	ssyncset.done $0x0  }
0x222: {  	s11 =	simm.s32 $0x200;
	[sflag:s20] =	ssyncadd.s32 $0xFFFFE000  }
0x223: {  	[tilespmem:s10], [sflag:$0x1] =	stream.indirect.gather [hbm4b:s2+s8], $0x80, s11, s8, $0xb8;
	[tilespmem:$0x1F080] =	vst v63  }
0x224: {  	_ =	swait.ge [sflag:s21], $0x2000  }
0x225: {  	[sflag:s21] =	ssyncset.done $0x0  }
0x226: {  	s13 =	simm.s32 $0x1480;
	[sflag:s21] =	ssyncadd.s32 $0xFFFFE000  }
0x227: {  	[spmem:s3] =	stream.indirect.scatter.add.f32 [tilespmem:s12], [sflag:$0x6], $0x80, s13, s8, $0xb8;
	[tilespmem:$0x1F080] =	vst v63  }
0x228: {  	_ =	swait.ge [sflag:s24], $0x2000  }
0x229: {  	[sflag:s24] =	ssyncset.done $0x0  }
0x22a: {  	s11 =	simm.s32 $0x280;
	[sflag:s24] =	ssyncadd.s32 $0xFFFFE000  }
0x22b: {  	[tilespmem:s12], [sflag:$0x2] =	stream.indirect.gather [hbm4b:s2+s8], $0x80, s11, s8, $0xb8;
	[tilespmem:$0x1F080] =	vst v63  }
0x22c: {  	_ =	swait.ge [sflag:s25], $0x2000  }
0x22d: {  	[sflag:s25] =	ssyncset.done $0x0  }
0x22e: {  	s13 =	simm.s32 $0x1500;
	[sflag:s25] =	ssyncadd.s32 $0xFFFFE000  }
0x22f: {  	[spmem:s3] =	stream.indirect.scatter.add.f32 [tilespmem:s14], [sflag:$0x7], $0x80, s13, s8, $0xb8;
	[tilespmem:$0x1F080] =	vst v63  }
0x230: {  	_ =	swait.ge [sflag:s28], $0x2000  }
0x231: {  	[sflag:s28] =	ssyncset.done $0x0  }
0x232: {  	s11 =	simm.s32 $0x300;
	[sflag:s28] =	ssyncadd.s32 $0xFFFFE000  }
0x233: {  	[tilespmem:s14], [sflag:$0x3] =	stream.indirect.gather [hbm4b:s2+s8], $0x80, s11, s8, $0xb8;
	[tilespmem:$0x1F080] =	vst v63  }
0x234: {  	_ =	swait.ge [sflag:s29], $0x2000  }
0x235: {  	[sflag:s29] =	ssyncset.done $0x0  }
0x236: {  	s13 =	simm.s32 $0x1580;
	[sflag:s29] =	ssyncadd.s32 $0xFFFFE000  }
0x237: {  	[spmem:s3] =	stream.indirect.scatter.add.f32 [tilespmem:s16], [sflag:$0x8], $0x80, s13, s8, $0xb8;
	[tilespmem:$0x1F080] =	vst v63  }
0x238: {  	_ =	swait.ge [sflag:s30], $0x2000  }
0x239: {  	[sflag:s30] =	ssyncset.done $0x0  }
0x23a: {  	s1 =	simm.s32 $0x800;
	s11 =	simm.s32 $0x380;
	[sflag:s30] =	ssyncadd.s32 $0xFFFFE000  }
.LBB2_12:
0x23b: {  	[tilespmem:s16], [sflag:$0x4] =	stream.indirect.gather [hbm4b:s2+s8], $0x80, s11, s8, $0xb8;
	[tilespmem:$0x1F080] =	vst v63  }
0x23c: {  	s11 =	smov.u32 s1  }
0x23d: {  	p2 =	sne.s32 s1, $0x4000;
	s1 =	sadd.s32 $0x800, s1;
	_ =	swait.ge [sflag:s19], $0x2000  }
0x23e: {  	s11 =	sshra.s32 s11, $0x2;
	[sflag:s19] =	ssyncset.done $0x0  }
0x23f: {  	s13 =	sadd.s32 $0x1400, s11;
	[sflag:s19] =	ssyncadd.s32 $0xFFFFE000  }
0x240: {  	[spmem:s3] =	stream.indirect.scatter.add.f32 [tilespmem:s10], [sflag:$0x5], $0x80, s13, s8, $0xb8;
	[tilespmem:$0x1F080] =	vst v63  }
0x241: {  	_ =	swait.ge [sflag:s20], $0x2000  }
0x242: {  	[sflag:s20] =	ssyncset.done $0x0  }
0x243: {  	s13 =	sadd.s32 $0x200, s11;
	[sflag:s20] =	ssyncadd.s32 $0xFFFFE000  }
0x244: {  	[tilespmem:s10], [sflag:$0x1] =	stream.indirect.gather [hbm4b:s2+s8], $0x80, s13, s8, $0xb8;
	[tilespmem:$0x1F080] =	vst v63  }
0x245: {  	_ =	swait.ge [sflag:s21], $0x2000  }
0x246: {  	[sflag:s21] =	ssyncset.done $0x0  }
0x247: {  	s13 =	sadd.s32 $0x1480, s11;
	[sflag:s21] =	ssyncadd.s32 $0xFFFFE000  }
0x248: {  	[spmem:s3] =	stream.indirect.scatter.add.f32 [tilespmem:s12], [sflag:$0x6], $0x80, s13, s8, $0xb8;
	[tilespmem:$0x1F080] =	vst v63  }
0x249: {  	_ =	swait.ge [sflag:s24], $0x2000  }
0x24a: {  	[sflag:s24] =	ssyncset.done $0x0  }
0x24b: {  	s13 =	sadd.s32 $0x280, s11;
	[sflag:s24] =	ssyncadd.s32 $0xFFFFE000  }
0x24c: {  	[tilespmem:s12], [sflag:$0x2] =	stream.indirect.gather [hbm4b:s2+s8], $0x80, s13, s8, $0xb8;
	[tilespmem:$0x1F080] =	vst v63  }
0x24d: {  	_ =	swait.ge [sflag:s25], $0x2000  }
0x24e: {  	[sflag:s25] =	ssyncset.done $0x0  }
0x24f: {  	s13 =	sadd.s32 $0x1500, s11;
	[sflag:s25] =	ssyncadd.s32 $0xFFFFE000  }
0x250: {  	[spmem:s3] =	stream.indirect.scatter.add.f32 [tilespmem:s14], [sflag:$0x7], $0x80, s13, s8, $0xb8;
	[tilespmem:$0x1F080] =	vst v63  }
0x251: {  	_ =	swait.ge [sflag:s28], $0x2000  }
0x252: {  	[sflag:s28] =	ssyncset.done $0x0  }
0x253: {  	s13 =	sadd.s32 $0x300, s11;
	[sflag:s28] =	ssyncadd.s32 $0xFFFFE000  }
0x254: {  	[tilespmem:s14], [sflag:$0x3] =	stream.indirect.gather [hbm4b:s2+s8], $0x80, s13, s8, $0xb8;
	[tilespmem:$0x1F080] =	vst v63  }
0x255: {  	_ =	swait.ge [sflag:s29], $0x2000  }
0x256: {  	[sflag:s29] =	ssyncset.done $0x0  }
.Ltmp8:
0x257: {  	s13 =	sadd.s32 $0x1580, s11;
	[sflag:s29] =	ssyncadd.s32 $0xFFFFE000;
	(pc) =	sbr.rel @p2 .LBB2_12-.Ltmp8, $4  }
0x258: {  	[spmem:s3] =	stream.indirect.scatter.add.f32 [tilespmem:s16], [sflag:$0x8], $0x80, s13, s8, $0xb8;
	[tilespmem:$0x1F080] =	vst v63  }
0x259: {  	_ =	swait.ge [sflag:s30], $0x2000  }
0x25a: {  	[sflag:s30] =	ssyncset.done $0x0  }
0x25b: {  	s11 =	sadd.s32 $0x380, s11;
	[sflag:s30] =	ssyncadd.s32 $0xFFFFE000  }
0x25c: {  	[tilespmem:s16], [sflag:$0x4] =	stream.indirect.gather [hbm4b:s2+s8], $0x80, s11, s8, $0xb8;
	[tilespmem:$0x1F080] =	vst v63  }
0x25d: {  	_ =	swait.ge [sflag:s19], $0x2000  }
0x25e: {  	[sflag:s19] =	ssyncset.done $0x0  }
0x25f: {  	[sflag:s19] =	ssyncadd.s32 $0xFFFFE000  }
0x260: {  	[spmem:s3] =	stream.indirect.scatter.add.f32 [tilespmem:s10], [sflag:$0x5], $0x80, s0, s8, $0xb8;
	[tilespmem:$0x1F080] =	vst v63  }
0x261: {  	_ =	swait.ge [sflag:s21], $0x2000  }
0x262: {  	[sflag:s21] =	ssyncset.done $0x0  }
0x263: {  	[sflag:s21] =	ssyncadd.s32 $0xFFFFE000  }
0x264: {  	[spmem:s3] =	stream.indirect.scatter.add.f32 [tilespmem:s12], [sflag:$0x6], $0x80, s6, s8, $0xb8;
	[tilespmem:$0x1F080] =	vst v63  }
0x265: {  	_ =	swait.ge [sflag:s25], $0x2000  }
0x266: {  	[sflag:s25] =	ssyncset.done $0x0  }
0x267: {  	[sflag:s25] =	ssyncadd.s32 $0xFFFFE000  }
0x268: {  	[spmem:s3] =	stream.indirect.scatter.add.f32 [tilespmem:s14], [sflag:$0x7], $0x80, s7, s8, $0xb8;
	[tilespmem:$0x1F080] =	vst v63  }
0x269: {  	_ =	swait.ge [sflag:s29], $0x2000  }
0x26a: {  	[sflag:s29] =	ssyncset.done $0x0  }
0x26b: {  	[sflag:s29] =	ssyncadd.s32 $0xFFFFE000  }
0x26c: {  	[spmem:s3] =	stream.indirect.scatter.add.f32 [tilespmem:s16], [sflag:$0x8], $0x80, s22, s8, $0xb8;
	[tilespmem:$0x1F080] =	vst v63  }
0x26d: {  	s1 =	simm.s32 $0x0;
	s13 =	rddreg [dreg:$0x12]  }
0x26e: {  	[tilespmem:s1], [sflag:$0x9] =	stream.linear.gather [hbm4b:s13+s1], $0x1400, $0x38;
	[tilespmem:$0x1F080] =	vst v63  }
0x26f: {  	_ =	swait.ge [sflag:s20], $0x2000  }
0x270: {  	[sflag:s20] =	ssyncset.done $0x0  }
0x271: {  	[sflag:s20] =	ssyncadd.s32 $0xFFFFE000  }
0x272: {  	_ =	swait.ge [sflag:s24], $0x2000  }
0x273: {  	[sflag:s24] =	ssyncset.done $0x0  }
0x274: {  	[sflag:s24] =	ssyncadd.s32 $0xFFFFE000  }
0x275: {  	_ =	swait.ge [sflag:s28], $0x2000  }
0x276: {  	[sflag:s28] =	ssyncset.done $0x0  }
0x277: {  	[sflag:s28] =	ssyncadd.s32 $0xFFFFE000  }
0x278: {  	_ =	swait.ge [sflag:s30], $0x2000  }
0x279: {  	[sflag:s30] =	ssyncset.done $0x0  }
0x27a: {  	s13 =	rddreg [dreg:$0x13];
	[sflag:s30] =	ssyncadd.s32 $0xFFFFE000  }
0x27b: {  	[tilespmem:s15], [sflag:$0xA] =	stream.linear.gather [hbm4b:s13+s1], $0x1400, $0x38;
	[tilespmem:$0x1F080] =	vst v63  }
0x27c: {  	_ =	swait.ge [sflag:s23], $0x1400  }
0x27d: {  	[sflag:s23] =	ssyncset.done $0x0  }
0x27e: {  	[sflag:s23] =	ssyncadd.s32 $0xFFFFEC00  }
0x27f: {  	[tilespmem:s10], [sflag:$0x1] =	stream.indirect.gather [hbm4b:s2+s8], $0x80, s1, s8, $0xb8;
	[tilespmem:$0x1F080] =	vst v63  }
0x280: {  	s11 =	simm.s32 $0x80  }
0x281: {  	[tilespmem:s12], [sflag:$0x2] =	stream.indirect.gather [hbm4b:s2+s8], $0x80, s11, s8, $0xb8;
	[tilespmem:$0x1F080] =	vst v63  }
0x282: {  	s13 =	simm.s32 $0x100  }
0x283: {  	[tilespmem:s14], [sflag:$0x3] =	stream.indirect.gather [hbm4b:s2+s8], $0x80, s13, s8, $0xb8;
	[tilespmem:$0x1F080] =	vst v63  }
0x284: {  	s11 =	simm.s32 $0x180  }
0x285: {  	[tilespmem:s16], [sflag:$0x4] =	stream.indirect.gather [hbm4b:s2+s8], $0x80, s11, s8, $0xb8;
	[tilespmem:$0x1F080] =	vst v63  }
0x286: {  	_ =	swait.ge [sflag:s18], $0x1400  }
0x287: {  	[sflag:s18] =	ssyncset.done $0x0  }
0x288: {  	[sflag:s18] =	ssyncadd.s32 $0xFFFFEC00  }
0x289: {  	_ =	swait.ge [sflag:s19], $0x2000  }
0x28a: {  	[sflag:s19] =	ssyncset.done $0x0  }
0x28b: {  	s13 =	simm.s32 $0x1400;
	[sflag:s19] =	ssyncadd.s32 $0xFFFFE000  }
0x28c: {  	[spmem:s3] =	stream.indirect.scatter.add.f32 [tilespmem:s10], [sflag:$0x5], $0x80, s13, s8, $0xb8;
	[tilespmem:$0x1F080] =	vst v63  }
0x28d: {  	_ =	swait.ge [sflag:s20], $0x2000  }
0x28e: {  	[sflag:s20] =	ssyncset.done $0x0  }
0x28f: {  	s11 =	simm.s32 $0x200;
	[sflag:s20] =	ssyncadd.s32 $0xFFFFE000  }
0x290: {  	[tilespmem:s10], [sflag:$0x1] =	stream.indirect.gather [hbm4b:s2+s8], $0x80, s11, s8, $0xb8;
	[tilespmem:$0x1F080] =	vst v63  }
0x291: {  	_ =	swait.ge [sflag:s21], $0x2000  }
0x292: {  	[sflag:s21] =	ssyncset.done $0x0  }
0x293: {  	s13 =	simm.s32 $0x1480;
	[sflag:s21] =	ssyncadd.s32 $0xFFFFE000  }
0x294: {  	[spmem:s3] =	stream.indirect.scatter.add.f32 [tilespmem:s12], [sflag:$0x6], $0x80, s13, s8, $0xb8;
	[tilespmem:$0x1F080] =	vst v63  }
0x295: {  	_ =	swait.ge [sflag:s24], $0x2000  }
0x296: {  	[sflag:s24] =	ssyncset.done $0x0  }
0x297: {  	s11 =	simm.s32 $0x280;
	[sflag:s24] =	ssyncadd.s32 $0xFFFFE000  }
0x298: {  	[tilespmem:s12], [sflag:$0x2] =	stream.indirect.gather [hbm4b:s2+s8], $0x80, s11, s8, $0xb8;
	[tilespmem:$0x1F080] =	vst v63  }
0x299: {  	_ =	swait.ge [sflag:s25], $0x2000  }
0x29a: {  	[sflag:s25] =	ssyncset.done $0x0  }
0x29b: {  	s13 =	simm.s32 $0x1500;
	[sflag:s25] =	ssyncadd.s32 $0xFFFFE000  }
0x29c: {  	[spmem:s3] =	stream.indirect.scatter.add.f32 [tilespmem:s14], [sflag:$0x7], $0x80, s13, s8, $0xb8;
	[tilespmem:$0x1F080] =	vst v63  }
0x29d: {  	_ =	swait.ge [sflag:s28], $0x2000  }
0x29e: {  	[sflag:s28] =	ssyncset.done $0x0  }
0x29f: {  	s11 =	simm.s32 $0x300;
	[sflag:s28] =	ssyncadd.s32 $0xFFFFE000  }
0x2a0: {  	[tilespmem:s14], [sflag:$0x3] =	stream.indirect.gather [hbm4b:s2+s8], $0x80, s11, s8, $0xb8;
	[tilespmem:$0x1F080] =	vst v63  }
0x2a1: {  	_ =	swait.ge [sflag:s29], $0x2000  }
0x2a2: {  	[sflag:s29] =	ssyncset.done $0x0  }
0x2a3: {  	s13 =	simm.s32 $0x1580;
	[sflag:s29] =	ssyncadd.s32 $0xFFFFE000  }
0x2a4: {  	[spmem:s3] =	stream.indirect.scatter.add.f32 [tilespmem:s16], [sflag:$0x8], $0x80, s13, s8, $0xb8;
	[tilespmem:$0x1F080] =	vst v63  }
0x2a5: {  	_ =	swait.ge [sflag:s30], $0x2000  }
0x2a6: {  	[sflag:s30] =	ssyncset.done $0x0  }
0x2a7: {  	s1 =	simm.s32 $0x800;
	s11 =	simm.s32 $0x380;
	[sflag:s30] =	ssyncadd.s32 $0xFFFFE000  }
.LBB2_14:
0x2a8: {  	[tilespmem:s16], [sflag:$0x4] =	stream.indirect.gather [hbm4b:s2+s8], $0x80, s11, s8, $0xb8;
	[tilespmem:$0x1F080] =	vst v63  }
0x2a9: {  	s11 =	smov.u32 s1  }
0x2aa: {  	p2 =	sne.s32 s1, $0x4000;
	s1 =	sadd.s32 $0x800, s1;
	_ =	swait.ge [sflag:s19], $0x2000  }
0x2ab: {  	s11 =	sshra.s32 s11, $0x2;
	[sflag:s19] =	ssyncset.done $0x0  }
0x2ac: {  	s13 =	sadd.s32 $0x1400, s11;
	[sflag:s19] =	ssyncadd.s32 $0xFFFFE000  }
0x2ad: {  	[spmem:s3] =	stream.indirect.scatter.add.f32 [tilespmem:s10], [sflag:$0x5], $0x80, s13, s8, $0xb8;
	[tilespmem:$0x1F080] =	vst v63  }
0x2ae: {  	_ =	swait.ge [sflag:s20], $0x2000  }
0x2af: {  	[sflag:s20] =	ssyncset.done $0x0  }
0x2b0: {  	s13 =	sadd.s32 $0x200, s11;
	[sflag:s20] =	ssyncadd.s32 $0xFFFFE000  }
0x2b1: {  	[tilespmem:s10], [sflag:$0x1] =	stream.indirect.gather [hbm4b:s2+s8], $0x80, s13, s8, $0xb8;
	[tilespmem:$0x1F080] =	vst v63  }
0x2b2: {  	_ =	swait.ge [sflag:s21], $0x2000  }
0x2b3: {  	[sflag:s21] =	ssyncset.done $0x0  }
0x2b4: {  	s13 =	sadd.s32 $0x1480, s11;
	[sflag:s21] =	ssyncadd.s32 $0xFFFFE000  }
0x2b5: {  	[spmem:s3] =	stream.indirect.scatter.add.f32 [tilespmem:s12], [sflag:$0x6], $0x80, s13, s8, $0xb8;
	[tilespmem:$0x1F080] =	vst v63  }
0x2b6: {  	_ =	swait.ge [sflag:s24], $0x2000  }
0x2b7: {  	[sflag:s24] =	ssyncset.done $0x0  }
0x2b8: {  	s13 =	sadd.s32 $0x280, s11;
	[sflag:s24] =	ssyncadd.s32 $0xFFFFE000  }
0x2b9: {  	[tilespmem:s12], [sflag:$0x2] =	stream.indirect.gather [hbm4b:s2+s8], $0x80, s13, s8, $0xb8;
	[tilespmem:$0x1F080] =	vst v63  }
0x2ba: {  	_ =	swait.ge [sflag:s25], $0x2000  }
0x2bb: {  	[sflag:s25] =	ssyncset.done $0x0  }
0x2bc: {  	s13 =	sadd.s32 $0x1500, s11;
	[sflag:s25] =	ssyncadd.s32 $0xFFFFE000  }
0x2bd: {  	[spmem:s3] =	stream.indirect.scatter.add.f32 [tilespmem:s14], [sflag:$0x7], $0x80, s13, s8, $0xb8;
	[tilespmem:$0x1F080] =	vst v63  }
0x2be: {  	_ =	swait.ge [sflag:s28], $0x2000  }
0x2bf: {  	[sflag:s28] =	ssyncset.done $0x0  }
0x2c0: {  	s13 =	sadd.s32 $0x300, s11;
	[sflag:s28] =	ssyncadd.s32 $0xFFFFE000  }
0x2c1: {  	[tilespmem:s14], [sflag:$0x3] =	stream.indirect.gather [hbm4b:s2+s8], $0x80, s13, s8, $0xb8;
	[tilespmem:$0x1F080] =	vst v63  }
0x2c2: {  	_ =	swait.ge [sflag:s29], $0x2000  }
0x2c3: {  	[sflag:s29] =	ssyncset.done $0x0  }
.Ltmp9:
0x2c4: {  	s13 =	sadd.s32 $0x1580, s11;
	[sflag:s29] =	ssyncadd.s32 $0xFFFFE000;
	(pc) =	sbr.rel @p2 .LBB2_14-.Ltmp9, $4  }
0x2c5: {  	[spmem:s3] =	stream.indirect.scatter.add.f32 [tilespmem:s16], [sflag:$0x8], $0x80, s13, s8, $0xb8;
	[tilespmem:$0x1F080] =	vst v63  }
0x2c6: {  	_ =	swait.ge [sflag:s30], $0x2000  }
0x2c7: {  	[sflag:s30] =	ssyncset.done $0x0  }
0x2c8: {  	s11 =	sadd.s32 $0x380, s11;
	[sflag:s30] =	ssyncadd.s32 $0xFFFFE000  }
.Ltmp10:
0x2c9: {  	_ = 	snop;
	(pc) =	sbr.rel .LBB2_15-.Ltmp10, $1  }
0x2ca: {  	_ =	sdelay $0x3  }
.LBB2_17:
0x2cb: {  	_ =	sfence.sel $0x180000  }
0x2cc: {  	[bflag:$0x0] =	sbarrier.arrive $0xFFFF  }
0x2cd: {  	_ =	strace $0x90000047  }
0x2ce: {  	s0 =	stileid.u32;
	[bflag:$0x2] =	sbarrier.arrive $0xFFFF  }
0x2cf: {  	p0 =	sne.s32 s0, $0x0;
	s0 =	rddreg [dreg:$0x3]  }
0x2d0: {  	s0 =	sadd.s32 @!p0 $0x100000, s0  }
0x2d1: {  	[sflag:s0] =	ssyncadd.tile.s32 @!p0 $0x1;
	_ =	shalt  }
.Lfunc_end2:
_tile_overlayer_lowered:
.L_overlay_start_2:
0x2d2: {  	(tag) =	ssettag $0x2  }
0x2d3: {  	s0 =	rddreg [dreg:$0x0];
	s2 =	stileid.u32  }
0x2d4: {  	s1 =	rddreg [dreg:$0x1];
	p0 =	sne.s32 s2, $0x0  }
0x2d5: {  	s3 =	rddreg [dreg:$0x2];
	[bflag:$0x3] =	sbarrier.arrive $0xFFFF;
	s2 =	simm.s32 @!p0 $0x1C0B  }
0x2d6: {  	[timem:s3], [sflag:s2] =	dma.local @!p0 [hbm:s0], s1  }
0x2d7: {  	s0 =	simm.s32 @!p0 $0xB  }
0x2d8: {  	_ =	swait.ge @!p0 [sflag:s0], s1  }
0x2d9: {  	s1 =	ssub.s32 @!p0 $0x0, s1;
	[sflag:s0] =	ssyncset.done @!p0 $0x0  }
0x2da: {  	[sflag:s0] =	ssyncadd.s32 @!p0 s1  }
0x2db: {  	[bflag:$0x3] =	sbarrier.arrive $0xFFFF  }
0x2dc: {  	_ =	shalt  }

</sc_bundles>
